<compile_context>
chip_gen: v7x
topology: tpu7x:2x2x1
jax: 0.10.2.dev20260603
libtpu: 0.0.44.dev20260713+nightly
codegen_flags: <defaults>
</compile_context>

<pallas_src>
import jax
import jax.numpy as jnp
from jax import lax
from jax.experimental import pallas as pl
from jax.experimental.pallas import tpu as pltpu
from jax.experimental.pallas import tpu_sc as plsc

BATCH = 4096
SEQ_LEN = 200
EMBEDDING_DIM = 64
PADDED_DIM = 128
NUM_IDX = BATCH * SEQ_LEN

NUM_WORKERS = 32
PER_W = NUM_IDX // NUM_WORKERS
WIN = 128
NWIN = PER_W // WIN
NBUF = 10
LOOK = 5


def _sc_gather(weight, flat_idx):
    mesh = plsc.VectorSubcoreMesh(core_axis_name="core", subcore_axis_name="subcore")

    @pl.kernel(
        out_type=jax.ShapeDtypeStruct((NUM_IDX, PADDED_DIM), weight.dtype),
        mesh=mesh,
        compiler_params=pltpu.CompilerParams(use_tc_tiling_on_sc=False),
        scratch_types=[
            pltpu.VMEM((PER_W,), jnp.int32),
            pltpu.VMEM((NBUF, WIN, EMBEDDING_DIM), jnp.float32),
            pltpu.SemaphoreType.DMA((NBUF,)),
            pltpu.SemaphoreType.DMA((NBUF,)),
        ],
    )
    def k(w_hbm, i_hbm, o_hbm, idx_v, bufs, gsem, osem):
        wid = lax.axis_index("subcore") * 2 + lax.axis_index("core")
        base = wid * PER_W
        pltpu.sync_copy(i_hbm.at[pl.ds(base, PER_W)], idx_v)

        def gstart(w, slot):
            pltpu.async_copy(
                w_hbm.at[idx_v.at[pl.ds(w * WIN, WIN)]],
                bufs.at[slot],
                gsem.at[slot],
            )

        def gwait(slot):
            pltpu.make_async_copy(
                o_hbm.at[pl.ds(0, WIN), pl.ds(0, EMBEDDING_DIM)],
                bufs.at[slot],
                gsem.at[slot],
            ).wait()

        def ostart(w, slot):
            pltpu.async_copy(
                bufs.at[slot],
                o_hbm.at[pl.ds(base + w * WIN, WIN), pl.ds(0, EMBEDDING_DIM)],
                osem.at[slot],
            )

        def owait(slot):
            pltpu.make_async_copy(
                bufs.at[slot],
                o_hbm.at[pl.ds(0, WIN), pl.ds(0, EMBEDDING_DIM)],
                osem.at[slot],
            ).wait()

        def visit(w, slot, *, head_skip_owait=False, tail_skip_gstart=False):
            gwait(slot)
            ostart(w, slot)
            if not tail_skip_gstart:
                if not head_skip_owait:
                    owait((slot + LOOK) % NBUF)
                gstart(w + LOOK, (slot + LOOK) % NBUF)

        for w in range(LOOK):
            gstart(w, w % NBUF)
        for w in range(NBUF):
            visit(w, w % NBUF, head_skip_owait=(w < NBUF - LOOK))

        @pl.loop(NBUF, NWIN - NBUF, step=NBUF)
        def _(wbase):
            for j in range(NBUF):
                visit(wbase + j, j)

        for w in range(NWIN - NBUF, NWIN):
            visit(w, w % NBUF, tail_skip_gstart=(w + LOOK >= NWIN))
        for w in range(NWIN - NBUF, NWIN):
            owait(w % NBUF)

    return k(weight, flat_idx)


def kernel(token_ids, weight):
    flat_idx = token_ids.reshape(NUM_IDX)
    out = _sc_gather(weight, flat_idx)
    return out[:, :EMBEDDING_DIM].reshape(BATCH, SEQ_LEN, EMBEDDING_DIM)

# --- scband reference (transcript-rebuilt; emitter-appended) ---
"""Pipeline reference for scband-embedding-29729763623165 (READ-ONLY COPY).

The authoritative reference and input builder live on the scoring server;
editing this copy changes nothing except your own understanding.
"""

import jax, jax.numpy as jnp
import numpy as np

NUM_EMBEDDINGS = 1000000
EMBEDDING_DIM = 64
BATCH = 4096
SEQ_LEN = 200


def setup_inputs(seed: int = 0) -> dict:
    key = jax.random.key(seed)
    k_idx, k_w = jax.random.split(key)
    token_ids = jax.random.randint(k_idx, (BATCH, SEQ_LEN), 0, NUM_EMBEDDINGS, dtype=jnp.int64 if jax.config.jax_enable_x64 else jnp.int32)
    # trunc_normal_(mean=0, std=1, a=-3, b=3)
    weight = jax.random.truncated_normal(k_w, -3.0, 3.0, (NUM_EMBEDDINGS, EMBEDDING_DIM), dtype=jnp.float32)
    return {"token_ids": token_ids, "weight": weight}


def reference(token_ids, weight):
    # Faithful translation of: return self.weight[token_ids]
    return jnp.take(weight, token_ids, axis=0)

if __name__ == "__main__":
    import jax
    _d = setup_inputs()
    print(jax.jit(kernel)(*tuple(_d.values())))

</pallas_src>

<mosaic_0001>
#map = affine_map<(d0, d1) -> (0, 0)>
#map1 = affine_map<(d0, d1) -> (0)>
module attributes {stable_mosaic.version = 14 : i64} {
  func.func @k(%arg0: i32, %arg1: i32, %arg2: memref<1000000x64xf32, #tpu.memory_space<hbm>>, %arg3: memref<819200xi32, #tpu.memory_space<hbm>>, %arg4: memref<819200x128xf32, #tpu.memory_space<hbm>>, %arg5: memref<25600xi32, #tpu.memory_space<vmem>>, %arg6: memref<10x128x64xf32, #tpu.memory_space<vmem>>, %arg7: memref<10x!tpu.dma_semaphore, #tpu.memory_space<semaphore_mem>>, %arg8: memref<10x!tpu.dma_semaphore, #tpu.memory_space<semaphore_mem>>) attributes {dimension_semantics = [#tpu.dimension_semantics<core_parallel>, #tpu.dimension_semantics<subcore_parallel>], iteration_bounds = array<i64: 2, 16>, scalar_prefetch = 0 : i64, scratch_operands = 4 : i64, tpu.core_type = #tpu.core_type<sc_vector_subcore>, window_params = [{transform_indices = #map}, {transform_indices = #map1}, {transform_indices = #map}]} {
    %mul3A = arith.constant 2 : i32
    %mul3A_0 = arith.muli %arg1, %mul3A : i32
    %add3A = arith.addi %mul3A_0, %arg0 : i32
    %mul3A_1 = arith.constant 25600 : i32
    %mul3A_2 = arith.muli %add3A, %mul3A_1 : i32
    "tpu.region"() ({
      %run_scoped3A = tpu.sem_alloc : memref<!tpu.dma_semaphore, #tpu.memory_space<semaphore_mem>>
      %dma_start3A_1345 = tpu.memref_slice %arg3[%mul3A_2] : memref<819200xi32, #tpu.memory_space<hbm>> -> memref<25600xi32, #tpu.memory_space<hbm>>
      %dma_start3A_1346 = tpu.memref_slice %arg3[%mul3A_2] : memref<819200xi32, #tpu.memory_space<hbm>> -> memref<25600xi32, #tpu.memory_space<hbm>>
      tpu.enqueue_dma source(%dma_start3A_1346 : memref<25600xi32, #tpu.memory_space<hbm>>) target(%arg5 : memref<25600xi32, #tpu.memory_space<vmem>>) target_semaphore(%run_scoped3A : memref<!tpu.dma_semaphore, #tpu.memory_space<semaphore_mem>>)
      %dma_wait3A_1347 = tpu.memref_slice %arg3[%mul3A_2] : memref<819200xi32, #tpu.memory_space<hbm>> -> memref<25600xi32, #tpu.memory_space<hbm>>
      %dma_wait3A_1348 = tpu.memref_slice %arg3[%mul3A_2] : memref<819200xi32, #tpu.memory_space<hbm>> -> memref<25600xi32, #tpu.memory_space<hbm>>
      tpu.wait_dma2 semaphore(%run_scoped3A : memref<!tpu.dma_semaphore, #tpu.memory_space<semaphore_mem>>) src(%dma_wait3A_1348 : memref<25600xi32, #tpu.memory_space<hbm>>) dst(%arg5 : memref<25600xi32, #tpu.memory_space<vmem>>)
      tpu.yield
    }) : () -> ()
    %dma_start3A = arith.constant 0 : i32
    %dma_start3A_3 = arith.constant 0 : i32
    %dma_start3A_4 = arith.constant 0 : i32
    %dma_start3A_5 = arith.constant 0 : i32
    %dma_start3A_6 = tpu.memref_slice %arg6[%dma_start3A, %dma_start3A_4, %dma_start3A_5] : memref<10x128x64xf32, #tpu.memory_space<vmem>> -> memref<1x128x64xf32, #tpu.memory_space<vmem>>
    %dma_start3A_7 = tpu.memref_squeeze %dma_start3A_6 : memref<1x128x64xf32, #tpu.memory_space<vmem>> -> memref<128x64xf32, #tpu.memory_space<vmem>>
    %dma_start3A_8 = arith.constant 0 : i32
    %dma_start3A_9 = tpu.memref_slice %arg5[%dma_start3A_8] : memref<25600xi32, #tpu.memory_space<vmem>> -> memref<128xi32, #tpu.memory_space<vmem>>
    %dma_start3A_10 = arith.constant 0 : i32
    %dma_start3A_11 = arith.constant 0 : i32
    %dma_start3A_12 = tpu.memref_slice %arg2[%dma_start3A_10, %dma_start3A_11] : memref<1000000x64xf32, #tpu.memory_space<hbm>> -> memref<1000000x64xf32, #tpu.memory_space<hbm>>
    %dma_start3A_13 = tpu.memref_slice %arg7[%dma_start3A_3] : memref<10x!tpu.dma_semaphore, #tpu.memory_space<semaphore_mem>> -> memref<1x!tpu.dma_semaphore, #tpu.memory_space<semaphore_mem>>
    %dma_start3A_14 = tpu.memref_squeeze %dma_start3A_13 : memref<1x!tpu.dma_semaphore, #tpu.memory_space<semaphore_mem>> -> memref<!tpu.dma_semaphore, #tpu.memory_space<semaphore_mem>>
    tpu.enqueue_indirect_dma source(%dma_start3A_12 : memref<1000000x64xf32, #tpu.memory_space<hbm>>) target(%dma_start3A_7 : memref<128x64xf32, #tpu.memory_space<vmem>>) offsets(%dma_start3A_9 : memref<128xi32, #tpu.memory_space<vmem>>) semaphore(%dma_start3A_14 : memref<!tpu.dma_semaphore, #tpu.memory_space<semaphore_mem>>)
    %dma_start3A_15 = arith.constant 1 : i32
    %dma_start3A_16 = arith.constant 1 : i32
    %dma_start3A_17 = arith.constant 0 : i32
    %dma_start3A_18 = arith.constant 0 : i32
    %dma_start3A_19 = tpu.memref_slice %arg6[%dma_start3A_15, %dma_start3A_17, %dma_start3A_18] : memref<10x128x64xf32, #tpu.memory_space<vmem>> -> memref<1x128x64xf32, #tpu.memory_space<vmem>>
    %dma_start3A_20 = tpu.memref_squeeze %dma_start3A_19 : memref<1x128x64xf32, #tpu.memory_space<vmem>> -> memref<128x64xf32, #tpu.memory_space<vmem>>
    %dma_start3A_21 = arith.constant 128 : i32
    %dma_start3A_22 = tpu.memref_slice %arg5[%dma_start3A_21] : memref<25600xi32, #tpu.memory_space<vmem>> -> memref<128xi32, #tpu.memory_space<vmem>>
    %dma_start3A_23 = arith.constant 0 : i32
    %dma_start3A_24 = arith.constant 0 : i32
    %dma_start3A_25 = tpu.memref_slice %arg2[%dma_start3A_23, %dma_start3A_24] : memref<1000000x64xf32, #tpu.memory_space<hbm>> -> memref<1000000x64xf32, #tpu.memory_space<hbm>>
    %dma_start3A_26 = tpu.memref_slice %arg7[%dma_start3A_16] : memref<10x!tpu.dma_semaphore, #tpu.memory_space<semaphore_mem>> -> memref<1x!tpu.dma_semaphore, #tpu.memory_space<semaphore_mem>>
    %dma_start3A_27 = tpu.memref_squeeze %dma_start3A_26 : memref<1x!tpu.dma_semaphore, #tpu.memory_space<semaphore_mem>> -> memref<!tpu.dma_semaphore, #tpu.memory_space<semaphore_mem>>
    tpu.enqueue_indirect_dma source(%dma_start3A_25 : memref<1000000x64xf32, #tpu.memory_space<hbm>>) target(%dma_start3A_20 : memref<128x64xf32, #tpu.memory_space<vmem>>) offsets(%dma_start3A_22 : memref<128xi32, #tpu.memory_space<vmem>>) semaphore(%dma_start3A_27 : memref<!tpu.dma_semaphore, #tpu.memory_space<semaphore_mem>>)
    %dma_start3A_28 = arith.constant 2 : i32
    %dma_start3A_29 = arith.constant 2 : i32
    %dma_start3A_30 = arith.constant 0 : i32
    %dma_start3A_31 = arith.constant 0 : i32
    %dma_start3A_32 = tpu.memref_slice %arg6[%dma_start3A_28, %dma_start3A_30, %dma_start3A_31] : memref<10x128x64xf32, #tpu.memory_space<vmem>> -> memref<1x128x64xf32, #tpu.memory_space<vmem>>
    %dma_start3A_33 = tpu.memref_squeeze %dma_start3A_32 : memref<1x128x64xf32, #tpu.memory_space<vmem>> -> memref<128x64xf32, #tpu.memory_space<vmem>>
    %dma_start3A_34 = arith.constant 256 : i32
    %dma_start3A_35 = tpu.memref_slice %arg5[%dma_start3A_34] : memref<25600xi32, #tpu.memory_space<vmem>> -> memref<128xi32, #tpu.memory_space<vmem>>
    %dma_start3A_36 = arith.constant 0 : i32
    %dma_start3A_37 = arith.constant 0 : i32
    %dma_start3A_38 = tpu.memref_slice %arg2[%dma_start3A_36, %dma_start3A_37] : memref<1000000x64xf32, #tpu.memory_space<hbm>> -> memref<1000000x64xf32, #tpu.memory_space<hbm>>
    %dma_start3A_39 = tpu.memref_slice %arg7[%dma_start3A_29] : memref<10x!tpu.dma_semaphore, #tpu.memory_space<semaphore_mem>> -> memref<1x!tpu.dma_semaphore, #tpu.memory_space<semaphore_mem>>
    %dma_start3A_40 = tpu.memref_squeeze %dma_start3A_39 : memref<1x!tpu.dma_semaphore, #tpu.memory_space<semaphore_mem>> -> memref<!tpu.dma_semaphore, #tpu.memory_space<semaphore_mem>>
    tpu.enqueue_indirect_dma source(%dma_start3A_38 : memref<1000000x64xf32, #tpu.memory_space<hbm>>) target(%dma_start3A_33 : memref<128x64xf32, #tpu.memory_space<vmem>>) offsets(%dma_start3A_35 : memref<128xi32, #tpu.memory_space<vmem>>) semaphore(%dma_start3A_40 : memref<!tpu.dma_semaphore, #tpu.memory_space<semaphore_mem>>)
    %dma_start3A_41 = arith.constant 3 : i32
    %dma_start3A_42 = arith.constant 3 : i32
    %dma_start3A_43 = arith.constant 0 : i32
    %dma_start3A_44 = arith.constant 0 : i32
    %dma_start3A_45 = tpu.memref_slice %arg6[%dma_start3A_41, %dma_start3A_43, %dma_start3A_44] : memref<10x128x64xf32, #tpu.memory_space<vmem>> -> memref<1x128x64xf32, #tpu.memory_space<vmem>>
    %dma_start3A_46 = tpu.memref_squeeze %dma_start3A_45 : memref<1x128x64xf32, #tpu.memory_space<vmem>> -> memref<128x64xf32, #tpu.memory_space<vmem>>
    %dma_start3A_47 = arith.constant 384 : i32
    %dma_start3A_48 = tpu.memref_slice %arg5[%dma_start3A_47] : memref<25600xi32, #tpu.memory_space<vmem>> -> memref<128xi32, #tpu.memory_space<vmem>>
    %dma_start3A_49 = arith.constant 0 : i32
    %dma_start3A_50 = arith.constant 0 : i32
    %dma_start3A_51 = tpu.memref_slice %arg2[%dma_start3A_49, %dma_start3A_50] : memref<1000000x64xf32, #tpu.memory_space<hbm>> -> memref<1000000x64xf32, #tpu.memory_space<hbm>>
    %dma_start3A_52 = tpu.memref_slice %arg7[%dma_start3A_42] : memref<10x!tpu.dma_semaphore, #tpu.memory_space<semaphore_mem>> -> memref<1x!tpu.dma_semaphore, #tpu.memory_space<semaphore_mem>>
    %dma_start3A_53 = tpu.memref_squeeze %dma_start3A_52 : memref<1x!tpu.dma_semaphore, #tpu.memory_space<semaphore_mem>> -> memref<!tpu.dma_semaphore, #tpu.memory_space<semaphore_mem>>
    tpu.enqueue_indirect_dma source(%dma_start3A_51 : memref<1000000x64xf32, #tpu.memory_space<hbm>>) target(%dma_start3A_46 : memref<128x64xf32, #tpu.memory_space<vmem>>) offsets(%dma_start3A_48 : memref<128xi32, #tpu.memory_space<vmem>>) semaphore(%dma_start3A_53 : memref<!tpu.dma_semaphore, #tpu.memory_space<semaphore_mem>>)
    %dma_start3A_54 = arith.constant 4 : i32
    %dma_start3A_55 = arith.constant 4 : i32
    %dma_start3A_56 = arith.constant 0 : i32
    %dma_start3A_57 = arith.constant 0 : i32
    %dma_start3A_58 = tpu.memref_slice %arg6[%dma_start3A_54, %dma_start3A_56, %dma_start3A_57] : memref<10x128x64xf32, #tpu.memory_space<vmem>> -> memref<1x128x64xf32, #tpu.memory_space<vmem>>
    %dma_start3A_59 = tpu.memref_squeeze %dma_start3A_58 : memref<1x128x64xf32, #tpu.memory_space<vmem>> -> memref<128x64xf32, #tpu.memory_space<vmem>>
    %dma_start3A_60 = arith.constant 512 : i32
    %dma_start3A_61 = tpu.memref_slice %arg5[%dma_start3A_60] : memref<25600xi32, #tpu.memory_space<vmem>> -> memref<128xi32, #tpu.memory_space<vmem>>
    %dma_start3A_62 = arith.constant 0 : i32
    %dma_start3A_63 = arith.constant 0 : i32
    %dma_start3A_64 = tpu.memref_slice %arg2[%dma_start3A_62, %dma_start3A_63] : memref<1000000x64xf32, #tpu.memory_space<hbm>> -> memref<1000000x64xf32, #tpu.memory_space<hbm>>
    %dma_start3A_65 = tpu.memref_slice %arg7[%dma_start3A_55] : memref<10x!tpu.dma_semaphore, #tpu.memory_space<semaphore_mem>> -> memref<1x!tpu.dma_semaphore, #tpu.memory_space<semaphore_mem>>
    %dma_start3A_66 = tpu.memref_squeeze %dma_start3A_65 : memref<1x!tpu.dma_semaphore, #tpu.memory_space<semaphore_mem>> -> memref<!tpu.dma_semaphore, #tpu.memory_space<semaphore_mem>>
    tpu.enqueue_indirect_dma source(%dma_start3A_64 : memref<1000000x64xf32, #tpu.memory_space<hbm>>) target(%dma_start3A_59 : memref<128x64xf32, #tpu.memory_space<vmem>>) offsets(%dma_start3A_61 : memref<128xi32, #tpu.memory_space<vmem>>) semaphore(%dma_start3A_66 : memref<!tpu.dma_semaphore, #tpu.memory_space<semaphore_mem>>)
    %dma_wait3A = arith.constant 0 : i32
    %dma_wait3A_67 = arith.constant 0 : i32
    %dma_wait3A_68 = arith.constant 0 : i32
    %dma_wait3A_69 = arith.constant 0 : i32
    %dma_wait3A_70 = tpu.memref_slice %arg6[%dma_wait3A, %dma_wait3A_68, %dma_wait3A_69] : memref<10x128x64xf32, #tpu.memory_space<vmem>> -> memref<1x128x64xf32, #tpu.memory_space<vmem>>
    %dma_wait3A_71 = tpu.memref_squeeze %dma_wait3A_70 : memref<1x128x64xf32, #tpu.memory_space<vmem>> -> memref<128x64xf32, #tpu.memory_space<vmem>>
    %dma_wait3A_72 = arith.constant 0 : i32
    %dma_wait3A_73 = arith.constant 0 : i32
    %dma_wait3A_74 = tpu.memref_slice %arg4[%dma_wait3A_72, %dma_wait3A_73] : memref<819200x128xf32, #tpu.memory_space<hbm>> -> memref<128x64xf32, #tpu.memory_space<hbm>>
    %dma_wait3A_75 = tpu.memref_slice %arg7[%dma_wait3A_67] : memref<10x!tpu.dma_semaphore, #tpu.memory_space<semaphore_mem>> -> memref<1x!tpu.dma_semaphore, #tpu.memory_space<semaphore_mem>>
    %dma_wait3A_76 = tpu.memref_squeeze %dma_wait3A_75 : memref<1x!tpu.dma_semaphore, #tpu.memory_space<semaphore_mem>> -> memref<!tpu.dma_semaphore, #tpu.memory_space<semaphore_mem>>
    %dma_wait3A_77 = arith.constant 0 : i32
    %dma_wait3A_78 = arith.constant 0 : i32
    %dma_wait3A_79 = tpu.memref_slice %arg6[%dma_wait3A, %dma_wait3A_77, %dma_wait3A_78] : memref<10x128x64xf32, #tpu.memory_space<vmem>> -> memref<1x128x64xf32, #tpu.memory_space<vmem>>
    %dma_wait3A_80 = tpu.memref_squeeze %dma_wait3A_79 : memref<1x128x64xf32, #tpu.memory_space<vmem>> -> memref<128x64xf32, #tpu.memory_space<vmem>>
    %dma_wait3A_81 = arith.constant 0 : i32
    %dma_wait3A_82 = arith.constant 0 : i32
    %dma_wait3A_83 = tpu.memref_slice %arg4[%dma_wait3A_81, %dma_wait3A_82] : memref<819200x128xf32, #tpu.memory_space<hbm>> -> memref<128x64xf32, #tpu.memory_space<hbm>>
    tpu.wait_dma2 semaphore(%dma_wait3A_76 : memref<!tpu.dma_semaphore, #tpu.memory_space<semaphore_mem>>) src(%dma_wait3A_83 : memref<128x64xf32, #tpu.memory_space<hbm>>) dst(%dma_wait3A_80 : memref<128x64xf32, #tpu.memory_space<vmem>>)
    %add3A_84 = arith.constant 0 : i32
    %add3A_85 = arith.addi %mul3A_2, %add3A_84 : i32
    %dma_start3A_86 = arith.constant 0 : i32
    %dma_start3A_87 = arith.constant 0 : i32
    %dma_start3A_88 = arith.constant 0 : i32
    %dma_start3A_89 = arith.constant 0 : i32
    %dma_start3A_90 = tpu.memref_slice %arg6[%dma_start3A_86, %dma_start3A_88, %dma_start3A_89] : memref<10x128x64xf32, #tpu.memory_space<vmem>> -> memref<1x128x64xf32, #tpu.memory_space<vmem>>
    %dma_start3A_91 = tpu.memref_squeeze %dma_start3A_90 : memref<1x128x64xf32, #tpu.memory_space<vmem>> -> memref<128x64xf32, #tpu.memory_space<vmem>>
    %dma_start3A_92 = arith.constant 0 : i32
    %dma_start3A_93 = tpu.memref_slice %arg4[%add3A_85, %dma_start3A_92] : memref<819200x128xf32, #tpu.memory_space<hbm>> -> memref<128x64xf32, #tpu.memory_space<hbm>>
    %dma_start3A_94 = tpu.memref_slice %arg8[%dma_start3A_87] : memref<10x!tpu.dma_semaphore, #tpu.memory_space<semaphore_mem>> -> memref<1x!tpu.dma_semaphore, #tpu.memory_space<semaphore_mem>>
    %dma_start3A_95 = tpu.memref_squeeze %dma_start3A_94 : memref<1x!tpu.dma_semaphore, #tpu.memory_space<semaphore_mem>> -> memref<!tpu.dma_semaphore, #tpu.memory_space<semaphore_mem>>
    %dma_start3A_96 = arith.constant 0 : i32
    %dma_start3A_97 = tpu.memref_slice %arg4[%add3A_85, %dma_start3A_96] : memref<819200x128xf32, #tpu.memory_space<hbm>> -> memref<128x64xf32, #tpu.memory_space<hbm>>
    %dma_start3A_98 = arith.constant 0 : i32
    %dma_start3A_99 = arith.constant 0 : i32
    %dma_start3A_100 = tpu.memref_slice %arg6[%dma_start3A_86, %dma_start3A_98, %dma_start3A_99] : memref<10x128x64xf32, #tpu.memory_space<vmem>> -> memref<1x128x64xf32, #tpu.memory_space<vmem>>
    %dma_start3A_101 = tpu.memref_squeeze %dma_start3A_100 : memref<1x128x64xf32, #tpu.memory_space<vmem>> -> memref<128x64xf32, #tpu.memory_space<vmem>>
    tpu.enqueue_dma source(%dma_start3A_101 : memref<128x64xf32, #tpu.memory_space<vmem>>) target(%dma_start3A_97 : memref<128x64xf32, #tpu.memory_space<hbm>>) target_semaphore(%dma_start3A_95 : memref<!tpu.dma_semaphore, #tpu.memory_space<semaphore_mem>>)
    %dma_start3A_102 = arith.constant 5 : i32
    %dma_start3A_103 = arith.constant 5 : i32
    %dma_start3A_104 = arith.constant 0 : i32
    %dma_start3A_105 = arith.constant 0 : i32
    %dma_start3A_106 = tpu.memref_slice %arg6[%dma_start3A_102, %dma_start3A_104, %dma_start3A_105] : memref<10x128x64xf32, #tpu.memory_space<vmem>> -> memref<1x128x64xf32, #tpu.memory_space<vmem>>
    %dma_start3A_107 = tpu.memref_squeeze %dma_start3A_106 : memref<1x128x64xf32, #tpu.memory_space<vmem>> -> memref<128x64xf32, #tpu.memory_space<vmem>>
    %dma_start3A_108 = arith.constant 640 : i32
    %dma_start3A_109 = tpu.memref_slice %arg5[%dma_start3A_108] : memref<25600xi32, #tpu.memory_space<vmem>> -> memref<128xi32, #tpu.memory_space<vmem>>
    %dma_start3A_110 = arith.constant 0 : i32
    %dma_start3A_111 = arith.constant 0 : i32
    %dma_start3A_112 = tpu.memref_slice %arg2[%dma_start3A_110, %dma_start3A_111] : memref<1000000x64xf32, #tpu.memory_space<hbm>> -> memref<1000000x64xf32, #tpu.memory_space<hbm>>
    %dma_start3A_113 = tpu.memref_slice %arg7[%dma_start3A_103] : memref<10x!tpu.dma_semaphore, #tpu.memory_space<semaphore_mem>> -> memref<1x!tpu.dma_semaphore, #tpu.memory_space<semaphore_mem>>
    %dma_start3A_114 = tpu.memref_squeeze %dma_start3A_113 : memref<1x!tpu.dma_semaphore, #tpu.memory_space<semaphore_mem>> -> memref<!tpu.dma_semaphore, #tpu.memory_space<semaphore_mem>>
    tpu.enqueue_indirect_dma source(%dma_start3A_112 : memref<1000000x64xf32, #tpu.memory_space<hbm>>) target(%dma_start3A_107 : memref<128x64xf32, #tpu.memory_space<vmem>>) offsets(%dma_start3A_109 : memref<128xi32, #tpu.memory_space<vmem>>) semaphore(%dma_start3A_114 : memref<!tpu.dma_semaphore, #tpu.memory_space<semaphore_mem>>)
    %dma_wait3A_115 = arith.constant 1 : i32
    %dma_wait3A_116 = arith.constant 1 : i32
    %dma_wait3A_117 = arith.constant 0 : i32
    %dma_wait3A_118 = arith.constant 0 : i32
    %dma_wait3A_119 = tpu.memref_slice %arg6[%dma_wait3A_115, %dma_wait3A_117, %dma_wait3A_118] : memref<10x128x64xf32, #tpu.memory_space<vmem>> -> memref<1x128x64xf32, #tpu.memory_space<vmem>>
    %dma_wait3A_120 = tpu.memref_squeeze %dma_wait3A_119 : memref<1x128x64xf32, #tpu.memory_space<vmem>> -> memref<128x64xf32, #tpu.memory_space<vmem>>
    %dma_wait3A_121 = arith.constant 0 : i32
    %dma_wait3A_122 = arith.constant 0 : i32
    %dma_wait3A_123 = tpu.memref_slice %arg4[%dma_wait3A_121, %dma_wait3A_122] : memref<819200x128xf32, #tpu.memory_space<hbm>> -> memref<128x64xf32, #tpu.memory_space<hbm>>
    %dma_wait3A_124 = tpu.memref_slice %arg7[%dma_wait3A_116] : memref<10x!tpu.dma_semaphore, #tpu.memory_space<semaphore_mem>> -> memref<1x!tpu.dma_semaphore, #tpu.memory_space<semaphore_mem>>
    %dma_wait3A_125 = tpu.memref_squeeze %dma_wait3A_124 : memref<1x!tpu.dma_semaphore, #tpu.memory_space<semaphore_mem>> -> memref<!tpu.dma_semaphore, #tpu.memory_space<semaphore_mem>>
    %dma_wait3A_126 = arith.constant 0 : i32
    %dma_wait3A_127 = arith.constant 0 : i32
    %dma_wait3A_128 = tpu.memref_slice %arg6[%dma_wait3A_115, %dma_wait3A_126, %dma_wait3A_127] : memref<10x128x64xf32, #tpu.memory_space<vmem>> -> memref<1x128x64xf32, #tpu.memory_space<vmem>>
    %dma_wait3A_129 = tpu.memref_squeeze %dma_wait3A_128 : memref<1x128x64xf32, #tpu.memory_space<vmem>> -> memref<128x64xf32, #tpu.memory_space<vmem>>
    %dma_wait3A_130 = arith.constant 0 : i32
    %dma_wait3A_131 = arith.constant 0 : i32
    %dma_wait3A_132 = tpu.memref_slice %arg4[%dma_wait3A_130, %dma_wait3A_131] : memref<819200x128xf32, #tpu.memory_space<hbm>> -> memref<128x64xf32, #tpu.memory_space<hbm>>
    tpu.wait_dma2 semaphore(%dma_wait3A_125 : memref<!tpu.dma_semaphore, #tpu.memory_space<semaphore_mem>>) src(%dma_wait3A_132 : memref<128x64xf32, #tpu.memory_space<hbm>>) dst(%dma_wait3A_129 : memref<128x64xf32, #tpu.memory_space<vmem>>)
    %add3A_133 = arith.constant 128 : i32
    %add3A_134 = arith.addi %mul3A_2, %add3A_133 : i32
    %dma_start3A_135 = arith.constant 1 : i32
    %dma_start3A_136 = arith.constant 1 : i32
    %dma_start3A_137 = arith.constant 0 : i32
    %dma_start3A_138 = arith.constant 0 : i32
    %dma_start3A_139 = tpu.memref_slice %arg6[%dma_start3A_135, %dma_start3A_137, %dma_start3A_138] : memref<10x128x64xf32, #tpu.memory_space<vmem>> -> memref<1x128x64xf32, #tpu.memory_space<vmem>>
    %dma_start3A_140 = tpu.memref_squeeze %dma_start3A_139 : memref<1x128x64xf32, #tpu.memory_space<vmem>> -> memref<128x64xf32, #tpu.memory_space<vmem>>
    %dma_start3A_141 = arith.constant 0 : i32
    %dma_start3A_142 = tpu.memref_slice %arg4[%add3A_134, %dma_start3A_141] : memref<819200x128xf32, #tpu.memory_space<hbm>> -> memref<128x64xf32, #tpu.memory_space<hbm>>
    %dma_start3A_143 = tpu.memref_slice %arg8[%dma_start3A_136] : memref<10x!tpu.dma_semaphore, #tpu.memory_space<semaphore_mem>> -> memref<1x!tpu.dma_semaphore, #tpu.memory_space<semaphore_mem>>
    %dma_start3A_144 = tpu.memref_squeeze %dma_start3A_143 : memref<1x!tpu.dma_semaphore, #tpu.memory_space<semaphore_mem>> -> memref<!tpu.dma_semaphore, #tpu.memory_space<semaphore_mem>>
    %dma_start3A_145 = arith.constant 0 : i32
    %dma_start3A_146 = tpu.memref_slice %arg4[%add3A_134, %dma_start3A_145] : memref<819200x128xf32, #tpu.memory_space<hbm>> -> memref<128x64xf32, #tpu.memory_space<hbm>>
    %dma_start3A_147 = arith.constant 0 : i32
    %dma_start3A_148 = arith.constant 0 : i32
    %dma_start3A_149 = tpu.memref_slice %arg6[%dma_start3A_135, %dma_start3A_147, %dma_start3A_148] : memref<10x128x64xf32, #tpu.memory_space<vmem>> -> memref<1x128x64xf32, #tpu.memory_space<vmem>>
    %dma_start3A_150 = tpu.memref_squeeze %dma_start3A_149 : memref<1x128x64xf32, #tpu.memory_space<vmem>> -> memref<128x64xf32, #tpu.memory_space<vmem>>
    tpu.enqueue_dma source(%dma_start3A_150 : memref<128x64xf32, #tpu.memory_space<vmem>>) target(%dma_start3A_146 : memref<128x64xf32, #tpu.memory_space<hbm>>) target_semaphore(%dma_start3A_144 : memref<!tpu.dma_semaphore, #tpu.memory_space<semaphore_mem>>)
    %dma_start3A_151 = arith.constant 6 : i32
    %dma_start3A_152 = arith.constant 6 : i32
    %dma_start3A_153 = arith.constant 0 : i32
    %dma_start3A_154 = arith.constant 0 : i32
    %dma_start3A_155 = tpu.memref_slice %arg6[%dma_start3A_151, %dma_start3A_153, %dma_start3A_154] : memref<10x128x64xf32, #tpu.memory_space<vmem>> -> memref<1x128x64xf32, #tpu.memory_space<vmem>>
    %dma_start3A_156 = tpu.memref_squeeze %dma_start3A_155 : memref<1x128x64xf32, #tpu.memory_space<vmem>> -> memref<128x64xf32, #tpu.memory_space<vmem>>
    %dma_start3A_157 = arith.constant 768 : i32
    %dma_start3A_158 = tpu.memref_slice %arg5[%dma_start3A_157] : memref<25600xi32, #tpu.memory_space<vmem>> -> memref<128xi32, #tpu.memory_space<vmem>>
    %dma_start3A_159 = arith.constant 0 : i32
    %dma_start3A_160 = arith.constant 0 : i32
    %dma_start3A_161 = tpu.memref_slice %arg2[%dma_start3A_159, %dma_start3A_160] : memref<1000000x64xf32, #tpu.memory_space<hbm>> -> memref<1000000x64xf32, #tpu.memory_space<hbm>>
    %dma_start3A_162 = tpu.memref_slice %arg7[%dma_start3A_152] : memref<10x!tpu.dma_semaphore, #tpu.memory_space<semaphore_mem>> -> memref<1x!tpu.dma_semaphore, #tpu.memory_space<semaphore_mem>>
    %dma_start3A_163 = tpu.memref_squeeze %dma_start3A_162 : memref<1x!tpu.dma_semaphore, #tpu.memory_space<semaphore_mem>> -> memref<!tpu.dma_semaphore, #tpu.memory_space<semaphore_mem>>
    tpu.enqueue_indirect_dma source(%dma_start3A_161 : memref<1000000x64xf32, #tpu.memory_space<hbm>>) target(%dma_start3A_156 : memref<128x64xf32, #tpu.memory_space<vmem>>) offsets(%dma_start3A_158 : memref<128xi32, #tpu.memory_space<vmem>>) semaphore(%dma_start3A_163 : memref<!tpu.dma_semaphore, #tpu.memory_space<semaphore_mem>>)
    %dma_wait3A_164 = arith.constant 2 : i32
    %dma_wait3A_165 = arith.constant 2 : i32
    %dma_wait3A_166 = arith.constant 0 : i32
    %dma_wait3A_167 = arith.constant 0 : i32
    %dma_wait3A_168 = tpu.memref_slice %arg6[%dma_wait3A_164, %dma_wait3A_166, %dma_wait3A_167] : memref<10x128x64xf32, #tpu.memory_space<vmem>> -> memref<1x128x64xf32, #tpu.memory_space<vmem>>
    %dma_wait3A_169 = tpu.memref_squeeze %dma_wait3A_168 : memref<1x128x64xf32, #tpu.memory_space<vmem>> -> memref<128x64xf32, #tpu.memory_space<vmem>>
    %dma_wait3A_170 = arith.constant 0 : i32
    %dma_wait3A_171 = arith.constant 0 : i32
    %dma_wait3A_172 = tpu.memref_slice %arg4[%dma_wait3A_170, %dma_wait3A_171] : memref<819200x128xf32, #tpu.memory_space<hbm>> -> memref<128x64xf32, #tpu.memory_space<hbm>>
    %dma_wait3A_173 = tpu.memref_slice %arg7[%dma_wait3A_165] : memref<10x!tpu.dma_semaphore, #tpu.memory_space<semaphore_mem>> -> memref<1x!tpu.dma_semaphore, #tpu.memory_space<semaphore_mem>>
    %dma_wait3A_174 = tpu.memref_squeeze %dma_wait3A_173 : memref<1x!tpu.dma_semaphore, #tpu.memory_space<semaphore_mem>> -> memref<!tpu.dma_semaphore, #tpu.memory_space<semaphore_mem>>
    %dma_wait3A_175 = arith.constant 0 : i32
    %dma_wait3A_176 = arith.constant 0 : i32
    %dma_wait3A_177 = tpu.memref_slice %arg6[%dma_wait3A_164, %dma_wait3A_175, %dma_wait3A_176] : memref<10x128x64xf32, #tpu.memory_space<vmem>> -> memref<1x128x64xf32, #tpu.memory_space<vmem>>
    %dma_wait3A_178 = tpu.memref_squeeze %dma_wait3A_177 : memref<1x128x64xf32, #tpu.memory_space<vmem>> -> memref<128x64xf32, #tpu.memory_space<vmem>>
    %dma_wait3A_179 = arith.constant 0 : i32
    %dma_wait3A_180 = arith.constant 0 : i32
    %dma_wait3A_181 = tpu.memref_slice %arg4[%dma_wait3A_179, %dma_wait3A_180] : memref<819200x128xf32, #tpu.memory_space<hbm>> -> memref<128x64xf32, #tpu.memory_space<hbm>>
    tpu.wait_dma2 semaphore(%dma_wait3A_174 : memref<!tpu.dma_semaphore, #tpu.memory_space<semaphore_mem>>) src(%dma_wait3A_181 : memref<128x64xf32, #tpu.memory_space<hbm>>) dst(%dma_wait3A_178 : memref<128x64xf32, #tpu.memory_space<vmem>>)
    %add3A_182 = arith.constant 256 : i32
    %add3A_183 = arith.addi %mul3A_2, %add3A_182 : i32
    %dma_start3A_184 = arith.constant 2 : i32
    %dma_start3A_185 = arith.constant 2 : i32
    %dma_start3A_186 = arith.constant 0 : i32
    %dma_start3A_187 = arith.constant 0 : i32
    %dma_start3A_188 = tpu.memref_slice %arg6[%dma_start3A_184, %dma_start3A_186, %dma_start3A_187] : memref<10x128x64xf32, #tpu.memory_space<vmem>> -> memref<1x128x64xf32, #tpu.memory_space<vmem>>
    %dma_start3A_189 = tpu.memref_squeeze %dma_start3A_188 : memref<1x128x64xf32, #tpu.memory_space<vmem>> -> memref<128x64xf32, #tpu.memory_space<vmem>>
    %dma_start3A_190 = arith.constant 0 : i32
    %dma_start3A_191 = tpu.memref_slice %arg4[%add3A_183, %dma_start3A_190] : memref<819200x128xf32, #tpu.memory_space<hbm>> -> memref<128x64xf32, #tpu.memory_space<hbm>>
    %dma_start3A_192 = tpu.memref_slice %arg8[%dma_start3A_185] : memref<10x!tpu.dma_semaphore, #tpu.memory_space<semaphore_mem>> -> memref<1x!tpu.dma_semaphore, #tpu.memory_space<semaphore_mem>>
    %dma_start3A_193 = tpu.memref_squeeze %dma_start3A_192 : memref<1x!tpu.dma_semaphore, #tpu.memory_space<semaphore_mem>> -> memref<!tpu.dma_semaphore, #tpu.memory_space<semaphore_mem>>
    %dma_start3A_194 = arith.constant 0 : i32
    %dma_start3A_195 = tpu.memref_slice %arg4[%add3A_183, %dma_start3A_194] : memref<819200x128xf32, #tpu.memory_space<hbm>> -> memref<128x64xf32, #tpu.memory_space<hbm>>
    %dma_start3A_196 = arith.constant 0 : i32
    %dma_start3A_197 = arith.constant 0 : i32
    %dma_start3A_198 = tpu.memref_slice %arg6[%dma_start3A_184, %dma_start3A_196, %dma_start3A_197] : memref<10x128x64xf32, #tpu.memory_space<vmem>> -> memref<1x128x64xf32, #tpu.memory_space<vmem>>
    %dma_start3A_199 = tpu.memref_squeeze %dma_start3A_198 : memref<1x128x64xf32, #tpu.memory_space<vmem>> -> memref<128x64xf32, #tpu.memory_space<vmem>>
    tpu.enqueue_dma source(%dma_start3A_199 : memref<128x64xf32, #tpu.memory_space<vmem>>) target(%dma_start3A_195 : memref<128x64xf32, #tpu.memory_space<hbm>>) target_semaphore(%dma_start3A_193 : memref<!tpu.dma_semaphore, #tpu.memory_space<semaphore_mem>>)
    %dma_start3A_200 = arith.constant 7 : i32
    %dma_start3A_201 = arith.constant 7 : i32
    %dma_start3A_202 = arith.constant 0 : i32
    %dma_start3A_203 = arith.constant 0 : i32
    %dma_start3A_204 = tpu.memref_slice %arg6[%dma_start3A_200, %dma_start3A_202, %dma_start3A_203] : memref<10x128x64xf32, #tpu.memory_space<vmem>> -> memref<1x128x64xf32, #tpu.memory_space<vmem>>
    %dma_start3A_205 = tpu.memref_squeeze %dma_start3A_204 : memref<1x128x64xf32, #tpu.memory_space<vmem>> -> memref<128x64xf32, #tpu.memory_space<vmem>>
    %dma_start3A_206 = arith.constant 896 : i32
    %dma_start3A_207 = tpu.memref_slice %arg5[%dma_start3A_206] : memref<25600xi32, #tpu.memory_space<vmem>> -> memref<128xi32, #tpu.memory_space<vmem>>
    %dma_start3A_208 = arith.constant 0 : i32
    %dma_start3A_209 = arith.constant 0 : i32
    %dma_start3A_210 = tpu.memref_slice %arg2[%dma_start3A_208, %dma_start3A_209] : memref<1000000x64xf32, #tpu.memory_space<hbm>> -> memref<1000000x64xf32, #tpu.memory_space<hbm>>
    %dma_start3A_211 = tpu.memref_slice %arg7[%dma_start3A_201] : memref<10x!tpu.dma_semaphore, #tpu.memory_space<semaphore_mem>> -> memref<1x!tpu.dma_semaphore, #tpu.memory_space<semaphore_mem>>
    %dma_start3A_212 = tpu.memref_squeeze %dma_start3A_211 : memref<1x!tpu.dma_semaphore, #tpu.memory_space<semaphore_mem>> -> memref<!tpu.dma_semaphore, #tpu.memory_space<semaphore_mem>>
    tpu.enqueue_indirect_dma source(%dma_start3A_210 : memref<1000000x64xf32, #tpu.memory_space<hbm>>) target(%dma_start3A_205 : memref<128x64xf32, #tpu.memory_space<vmem>>) offsets(%dma_start3A_207 : memref<128xi32, #tpu.memory_space<vmem>>) semaphore(%dma_start3A_212 : memref<!tpu.dma_semaphore, #tpu.memory_space<semaphore_mem>>)
    %dma_wait3A_213 = arith.constant 3 : i32
    %dma_wait3A_214 = arith.constant 3 : i32
    %dma_wait3A_215 = arith.constant 0 : i32
    %dma_wait3A_216 = arith.constant 0 : i32
    %dma_wait3A_217 = tpu.memref_slice %arg6[%dma_wait3A_213, %dma_wait3A_215, %dma_wait3A_216] : memref<10x128x64xf32, #tpu.memory_space<vmem>> -> memref<1x128x64xf32, #tpu.memory_space<vmem>>
    %dma_wait3A_218 = tpu.memref_squeeze %dma_wait3A_217 : memref<1x128x64xf32, #tpu.memory_space<vmem>> -> memref<128x64xf32, #tpu.memory_space<vmem>>
    %dma_wait3A_219 = arith.constant 0 : i32
    %dma_wait3A_220 = arith.constant 0 : i32
    %dma_wait3A_221 = tpu.memref_slice %arg4[%dma_wait3A_219, %dma_wait3A_220] : memref<819200x128xf32, #tpu.memory_space<hbm>> -> memref<128x64xf32, #tpu.memory_space<hbm>>
    %dma_wait3A_222 = tpu.memref_slice %arg7[%dma_wait3A_214] : memref<10x!tpu.dma_semaphore, #tpu.memory_space<semaphore_mem>> -> memref<1x!tpu.dma_semaphore, #tpu.memory_space<semaphore_mem>>
    %dma_wait3A_223 = tpu.memref_squeeze %dma_wait3A_222 : memref<1x!tpu.dma_semaphore, #tpu.memory_space<semaphore_mem>> -> memref<!tpu.dma_semaphore, #tpu.memory_space<semaphore_mem>>
    %dma_wait3A_224 = arith.constant 0 : i32
    %dma_wait3A_225 = arith.constant 0 : i32
    %dma_wait3A_226 = tpu.memref_slice %arg6[%dma_wait3A_213, %dma_wait3A_224, %dma_wait3A_225] : memref<10x128x64xf32, #tpu.memory_space<vmem>> -> memref<1x128x64xf32, #tpu.memory_space<vmem>>
    %dma_wait3A_227 = tpu.memref_squeeze %dma_wait3A_226 : memref<1x128x64xf32, #tpu.memory_space<vmem>> -> memref<128x64xf32, #tpu.memory_space<vmem>>
    %dma_wait3A_228 = arith.constant 0 : i32
    %dma_wait3A_229 = arith.constant 0 : i32
    %dma_wait3A_230 = tpu.memref_slice %arg4[%dma_wait3A_228, %dma_wait3A_229] : memref<819200x128xf32, #tpu.memory_space<hbm>> -> memref<128x64xf32, #tpu.memory_space<hbm>>
    tpu.wait_dma2 semaphore(%dma_wait3A_223 : memref<!tpu.dma_semaphore, #tpu.memory_space<semaphore_mem>>) src(%dma_wait3A_230 : memref<128x64xf32, #tpu.memory_space<hbm>>) dst(%dma_wait3A_227 : memref<128x64xf32, #tpu.memory_space<vmem>>)
    %add3A_231 = arith.constant 384 : i32
    %add3A_232 = arith.addi %mul3A_2, %add3A_231 : i32
    %dma_start3A_233 = arith.constant 3 : i32
    %dma_start3A_234 = arith.constant 3 : i32
    %dma_start3A_235 = arith.constant 0 : i32
    %dma_start3A_236 = arith.constant 0 : i32
    %dma_start3A_237 = tpu.memref_slice %arg6[%dma_start3A_233, %dma_start3A_235, %dma_start3A_236] : memref<10x128x64xf32, #tpu.memory_space<vmem>> -> memref<1x128x64xf32, #tpu.memory_space<vmem>>
    %dma_start3A_238 = tpu.memref_squeeze %dma_start3A_237 : memref<1x128x64xf32, #tpu.memory_space<vmem>> -> memref<128x64xf32, #tpu.memory_space<vmem>>
    %dma_start3A_239 = arith.constant 0 : i32
    %dma_start3A_240 = tpu.memref_slice %arg4[%add3A_232, %dma_start3A_239] : memref<819200x128xf32, #tpu.memory_space<hbm>> -> memref<128x64xf32, #tpu.memory_space<hbm>>
    %dma_start3A_241 = tpu.memref_slice %arg8[%dma_start3A_234] : memref<10x!tpu.dma_semaphore, #tpu.memory_space<semaphore_mem>> -> memref<1x!tpu.dma_semaphore, #tpu.memory_space<semaphore_mem>>
    %dma_start3A_242 = tpu.memref_squeeze %dma_start3A_241 : memref<1x!tpu.dma_semaphore, #tpu.memory_space<semaphore_mem>> -> memref<!tpu.dma_semaphore, #tpu.memory_space<semaphore_mem>>
    %dma_start3A_243 = arith.constant 0 : i32
    %dma_start3A_244 = tpu.memref_slice %arg4[%add3A_232, %dma_start3A_243] : memref<819200x128xf32, #tpu.memory_space<hbm>> -> memref<128x64xf32, #tpu.memory_space<hbm>>
    %dma_start3A_245 = arith.constant 0 : i32
    %dma_start3A_246 = arith.constant 0 : i32
    %dma_start3A_247 = tpu.memref_slice %arg6[%dma_start3A_233, %dma_start3A_245, %dma_start3A_246] : memref<10x128x64xf32, #tpu.memory_space<vmem>> -> memref<1x128x64xf32, #tpu.memory_space<vmem>>
    %dma_start3A_248 = tpu.memref_squeeze %dma_start3A_247 : memref<1x128x64xf32, #tpu.memory_space<vmem>> -> memref<128x64xf32, #tpu.memory_space<vmem>>
    tpu.enqueue_dma source(%dma_start3A_248 : memref<128x64xf32, #tpu.memory_space<vmem>>) target(%dma_start3A_244 : memref<128x64xf32, #tpu.memory_space<hbm>>) target_semaphore(%dma_start3A_242 : memref<!tpu.dma_semaphore, #tpu.memory_space<semaphore_mem>>)
    %dma_start3A_249 = arith.constant 8 : i32
    %dma_start3A_250 = arith.constant 8 : i32
    %dma_start3A_251 = arith.constant 0 : i32
    %dma_start3A_252 = arith.constant 0 : i32
    %dma_start3A_253 = tpu.memref_slice %arg6[%dma_start3A_249, %dma_start3A_251, %dma_start3A_252] : memref<10x128x64xf32, #tpu.memory_space<vmem>> -> memref<1x128x64xf32, #tpu.memory_space<vmem>>
    %dma_start3A_254 = tpu.memref_squeeze %dma_start3A_253 : memref<1x128x64xf32, #tpu.memory_space<vmem>> -> memref<128x64xf32, #tpu.memory_space<vmem>>
    %dma_start3A_255 = arith.constant 1024 : i32
    %dma_start3A_256 = tpu.memref_slice %arg5[%dma_start3A_255] : memref<25600xi32, #tpu.memory_space<vmem>> -> memref<128xi32, #tpu.memory_space<vmem>>
    %dma_start3A_257 = arith.constant 0 : i32
    %dma_start3A_258 = arith.constant 0 : i32
    %dma_start3A_259 = tpu.memref_slice %arg2[%dma_start3A_257, %dma_start3A_258] : memref<1000000x64xf32, #tpu.memory_space<hbm>> -> memref<1000000x64xf32, #tpu.memory_space<hbm>>
    %dma_start3A_260 = tpu.memref_slice %arg7[%dma_start3A_250] : memref<10x!tpu.dma_semaphore, #tpu.memory_space<semaphore_mem>> -> memref<1x!tpu.dma_semaphore, #tpu.memory_space<semaphore_mem>>
    %dma_start3A_261 = tpu.memref_squeeze %dma_start3A_260 : memref<1x!tpu.dma_semaphore, #tpu.memory_space<semaphore_mem>> -> memref<!tpu.dma_semaphore, #tpu.memory_space<semaphore_mem>>
    tpu.enqueue_indirect_dma source(%dma_start3A_259 : memref<1000000x64xf32, #tpu.memory_space<hbm>>) target(%dma_start3A_254 : memref<128x64xf32, #tpu.memory_space<vmem>>) offsets(%dma_start3A_256 : memref<128xi32, #tpu.memory_space<vmem>>) semaphore(%dma_start3A_261 : memref<!tpu.dma_semaphore, #tpu.memory_space<semaphore_mem>>)
    %dma_wait3A_262 = arith.constant 4 : i32
    %dma_wait3A_263 = arith.constant 4 : i32
    %dma_wait3A_264 = arith.constant 0 : i32
    %dma_wait3A_265 = arith.constant 0 : i32
    %dma_wait3A_266 = tpu.memref_slice %arg6[%dma_wait3A_262, %dma_wait3A_264, %dma_wait3A_265] : memref<10x128x64xf32, #tpu.memory_space<vmem>> -> memref<1x128x64xf32, #tpu.memory_space<vmem>>
    %dma_wait3A_267 = tpu.memref_squeeze %dma_wait3A_266 : memref<1x128x64xf32, #tpu.memory_space<vmem>> -> memref<128x64xf32, #tpu.memory_space<vmem>>
    %dma_wait3A_268 = arith.constant 0 : i32
    %dma_wait3A_269 = arith.constant 0 : i32
    %dma_wait3A_270 = tpu.memref_slice %arg4[%dma_wait3A_268, %dma_wait3A_269] : memref<819200x128xf32, #tpu.memory_space<hbm>> -> memref<128x64xf32, #tpu.memory_space<hbm>>
    %dma_wait3A_271 = tpu.memref_slice %arg7[%dma_wait3A_263] : memref<10x!tpu.dma_semaphore, #tpu.memory_space<semaphore_mem>> -> memref<1x!tpu.dma_semaphore, #tpu.memory_space<semaphore_mem>>
    %dma_wait3A_272 = tpu.memref_squeeze %dma_wait3A_271 : memref<1x!tpu.dma_semaphore, #tpu.memory_space<semaphore_mem>> -> memref<!tpu.dma_semaphore, #tpu.memory_space<semaphore_mem>>
    %dma_wait3A_273 = arith.constant 0 : i32
    %dma_wait3A_274 = arith.constant 0 : i32
    %dma_wait3A_275 = tpu.memref_slice %arg6[%dma_wait3A_262, %dma_wait3A_273, %dma_wait3A_274] : memref<10x128x64xf32, #tpu.memory_space<vmem>> -> memref<1x128x64xf32, #tpu.memory_space<vmem>>
    %dma_wait3A_276 = tpu.memref_squeeze %dma_wait3A_275 : memref<1x128x64xf32, #tpu.memory_space<vmem>> -> memref<128x64xf32, #tpu.memory_space<vmem>>
    %dma_wait3A_277 = arith.constant 0 : i32
    %dma_wait3A_278 = arith.constant 0 : i32
    %dma_wait3A_279 = tpu.memref_slice %arg4[%dma_wait3A_277, %dma_wait3A_278] : memref<819200x128xf32, #tpu.memory_space<hbm>> -> memref<128x64xf32, #tpu.memory_space<hbm>>
    tpu.wait_dma2 semaphore(%dma_wait3A_272 : memref<!tpu.dma_semaphore, #tpu.memory_space<semaphore_mem>>) src(%dma_wait3A_279 : memref<128x64xf32, #tpu.memory_space<hbm>>) dst(%dma_wait3A_276 : memref<128x64xf32, #tpu.memory_space<vmem>>)
    %add3A_280 = arith.constant 512 : i32
    %add3A_281 = arith.addi %mul3A_2, %add3A_280 : i32
    %dma_start3A_282 = arith.constant 4 : i32
    %dma_start3A_283 = arith.constant 4 : i32
    %dma_start3A_284 = arith.constant 0 : i32
    %dma_start3A_285 = arith.constant 0 : i32
    %dma_start3A_286 = tpu.memref_slice %arg6[%dma_start3A_282, %dma_start3A_284, %dma_start3A_285] : memref<10x128x64xf32, #tpu.memory_space<vmem>> -> memref<1x128x64xf32, #tpu.memory_space<vmem>>
    %dma_start3A_287 = tpu.memref_squeeze %dma_start3A_286 : memref<1x128x64xf32, #tpu.memory_space<vmem>> -> memref<128x64xf32, #tpu.memory_space<vmem>>
    %dma_start3A_288 = arith.constant 0 : i32
    %dma_start3A_289 = tpu.memref_slice %arg4[%add3A_281, %dma_start3A_288] : memref<819200x128xf32, #tpu.memory_space<hbm>> -> memref<128x64xf32, #tpu.memory_space<hbm>>
    %dma_start3A_290 = tpu.memref_slice %arg8[%dma_start3A_283] : memref<10x!tpu.dma_semaphore, #tpu.memory_space<semaphore_mem>> -> memref<1x!tpu.dma_semaphore, #tpu.memory_space<semaphore_mem>>
    %dma_start3A_291 = tpu.memref_squeeze %dma_start3A_290 : memref<1x!tpu.dma_semaphore, #tpu.memory_space<semaphore_mem>> -> memref<!tpu.dma_semaphore, #tpu.memory_space<semaphore_mem>>
    %dma_start3A_292 = arith.constant 0 : i32
    %dma_start3A_293 = tpu.memref_slice %arg4[%add3A_281, %dma_start3A_292] : memref<819200x128xf32, #tpu.memory_space<hbm>> -> memref<128x64xf32, #tpu.memory_space<hbm>>
    %dma_start3A_294 = arith.constant 0 : i32
    %dma_start3A_295 = arith.constant 0 : i32
    %dma_start3A_296 = tpu.memref_slice %arg6[%dma_start3A_282, %dma_start3A_294, %dma_start3A_295] : memref<10x128x64xf32, #tpu.memory_space<vmem>> -> memref<1x128x64xf32, #tpu.memory_space<vmem>>
    %dma_start3A_297 = tpu.memref_squeeze %dma_start3A_296 : memref<1x128x64xf32, #tpu.memory_space<vmem>> -> memref<128x64xf32, #tpu.memory_space<vmem>>
    tpu.enqueue_dma source(%dma_start3A_297 : memref<128x64xf32, #tpu.memory_space<vmem>>) target(%dma_start3A_293 : memref<128x64xf32, #tpu.memory_space<hbm>>) target_semaphore(%dma_start3A_291 : memref<!tpu.dma_semaphore, #tpu.memory_space<semaphore_mem>>)
    %dma_start3A_298 = arith.constant 9 : i32
    %dma_start3A_299 = arith.constant 9 : i32
    %dma_start3A_300 = arith.constant 0 : i32
    %dma_start3A_301 = arith.constant 0 : i32
    %dma_start3A_302 = tpu.memref_slice %arg6[%dma_start3A_298, %dma_start3A_300, %dma_start3A_301] : memref<10x128x64xf32, #tpu.memory_space<vmem>> -> memref<1x128x64xf32, #tpu.memory_space<vmem>>
    %dma_start3A_303 = tpu.memref_squeeze %dma_start3A_302 : memref<1x128x64xf32, #tpu.memory_space<vmem>> -> memref<128x64xf32, #tpu.memory_space<vmem>>
    %dma_start3A_304 = arith.constant 1152 : i32
    %dma_start3A_305 = tpu.memref_slice %arg5[%dma_start3A_304] : memref<25600xi32, #tpu.memory_space<vmem>> -> memref<128xi32, #tpu.memory_space<vmem>>
    %dma_start3A_306 = arith.constant 0 : i32
    %dma_start3A_307 = arith.constant 0 : i32
    %dma_start3A_308 = tpu.memref_slice %arg2[%dma_start3A_306, %dma_start3A_307] : memref<1000000x64xf32, #tpu.memory_space<hbm>> -> memref<1000000x64xf32, #tpu.memory_space<hbm>>
    %dma_start3A_309 = tpu.memref_slice %arg7[%dma_start3A_299] : memref<10x!tpu.dma_semaphore, #tpu.memory_space<semaphore_mem>> -> memref<1x!tpu.dma_semaphore, #tpu.memory_space<semaphore_mem>>
    %dma_start3A_310 = tpu.memref_squeeze %dma_start3A_309 : memref<1x!tpu.dma_semaphore, #tpu.memory_space<semaphore_mem>> -> memref<!tpu.dma_semaphore, #tpu.memory_space<semaphore_mem>>
    tpu.enqueue_indirect_dma source(%dma_start3A_308 : memref<1000000x64xf32, #tpu.memory_space<hbm>>) target(%dma_start3A_303 : memref<128x64xf32, #tpu.memory_space<vmem>>) offsets(%dma_start3A_305 : memref<128xi32, #tpu.memory_space<vmem>>) semaphore(%dma_start3A_310 : memref<!tpu.dma_semaphore, #tpu.memory_space<semaphore_mem>>)
    %dma_wait3A_311 = arith.constant 5 : i32
    %dma_wait3A_312 = arith.constant 5 : i32
    %dma_wait3A_313 = arith.constant 0 : i32
    %dma_wait3A_314 = arith.constant 0 : i32
    %dma_wait3A_315 = tpu.memref_slice %arg6[%dma_wait3A_311, %dma_wait3A_313, %dma_wait3A_314] : memref<10x128x64xf32, #tpu.memory_space<vmem>> -> memref<1x128x64xf32, #tpu.memory_space<vmem>>
    %dma_wait3A_316 = tpu.memref_squeeze %dma_wait3A_315 : memref<1x128x64xf32, #tpu.memory_space<vmem>> -> memref<128x64xf32, #tpu.memory_space<vmem>>
    %dma_wait3A_317 = arith.constant 0 : i32
    %dma_wait3A_318 = arith.constant 0 : i32
    %dma_wait3A_319 = tpu.memref_slice %arg4[%dma_wait3A_317, %dma_wait3A_318] : memref<819200x128xf32, #tpu.memory_space<hbm>> -> memref<128x64xf32, #tpu.memory_space<hbm>>
    %dma_wait3A_320 = tpu.memref_slice %arg7[%dma_wait3A_312] : memref<10x!tpu.dma_semaphore, #tpu.memory_space<semaphore_mem>> -> memref<1x!tpu.dma_semaphore, #tpu.memory_space<semaphore_mem>>
    %dma_wait3A_321 = tpu.memref_squeeze %dma_wait3A_320 : memref<1x!tpu.dma_semaphore, #tpu.memory_space<semaphore_mem>> -> memref<!tpu.dma_semaphore, #tpu.memory_space<semaphore_mem>>
    %dma_wait3A_322 = arith.constant 0 : i32
    %dma_wait3A_323 = arith.constant 0 : i32
    %dma_wait3A_324 = tpu.memref_slice %arg6[%dma_wait3A_311, %dma_wait3A_322, %dma_wait3A_323] : memref<10x128x64xf32, #tpu.memory_space<vmem>> -> memref<1x128x64xf32, #tpu.memory_space<vmem>>
    %dma_wait3A_325 = tpu.memref_squeeze %dma_wait3A_324 : memref<1x128x64xf32, #tpu.memory_space<vmem>> -> memref<128x64xf32, #tpu.memory_space<vmem>>
    %dma_wait3A_326 = arith.constant 0 : i32
    %dma_wait3A_327 = arith.constant 0 : i32
    %dma_wait3A_328 = tpu.memref_slice %arg4[%dma_wait3A_326, %dma_wait3A_327] : memref<819200x128xf32, #tpu.memory_space<hbm>> -> memref<128x64xf32, #tpu.memory_space<hbm>>
    tpu.wait_dma2 semaphore(%dma_wait3A_321 : memref<!tpu.dma_semaphore, #tpu.memory_space<semaphore_mem>>) src(%dma_wait3A_328 : memref<128x64xf32, #tpu.memory_space<hbm>>) dst(%dma_wait3A_325 : memref<128x64xf32, #tpu.memory_space<vmem>>)
    %add3A_329 = arith.constant 640 : i32
    %add3A_330 = arith.addi %mul3A_2, %add3A_329 : i32
    %dma_start3A_331 = arith.constant 5 : i32
    %dma_start3A_332 = arith.constant 5 : i32
    %dma_start3A_333 = arith.constant 0 : i32
    %dma_start3A_334 = arith.constant 0 : i32
    %dma_start3A_335 = tpu.memref_slice %arg6[%dma_start3A_331, %dma_start3A_333, %dma_start3A_334] : memref<10x128x64xf32, #tpu.memory_space<vmem>> -> memref<1x128x64xf32, #tpu.memory_space<vmem>>
    %dma_start3A_336 = tpu.memref_squeeze %dma_start3A_335 : memref<1x128x64xf32, #tpu.memory_space<vmem>> -> memref<128x64xf32, #tpu.memory_space<vmem>>
    %dma_start3A_337 = arith.constant 0 : i32
    %dma_start3A_338 = tpu.memref_slice %arg4[%add3A_330, %dma_start3A_337] : memref<819200x128xf32, #tpu.memory_space<hbm>> -> memref<128x64xf32, #tpu.memory_space<hbm>>
    %dma_start3A_339 = tpu.memref_slice %arg8[%dma_start3A_332] : memref<10x!tpu.dma_semaphore, #tpu.memory_space<semaphore_mem>> -> memref<1x!tpu.dma_semaphore, #tpu.memory_space<semaphore_mem>>
    %dma_start3A_340 = tpu.memref_squeeze %dma_start3A_339 : memref<1x!tpu.dma_semaphore, #tpu.memory_space<semaphore_mem>> -> memref<!tpu.dma_semaphore, #tpu.memory_space<semaphore_mem>>
    %dma_start3A_341 = arith.constant 0 : i32
    %dma_start3A_342 = tpu.memref_slice %arg4[%add3A_330, %dma_start3A_341] : memref<819200x128xf32, #tpu.memory_space<hbm>> -> memref<128x64xf32, #tpu.memory_space<hbm>>
    %dma_start3A_343 = arith.constant 0 : i32
    %dma_start3A_344 = arith.constant 0 : i32
    %dma_start3A_345 = tpu.memref_slice %arg6[%dma_start3A_331, %dma_start3A_343, %dma_start3A_344] : memref<10x128x64xf32, #tpu.memory_space<vmem>> -> memref<1x128x64xf32, #tpu.memory_space<vmem>>
    %dma_start3A_346 = tpu.memref_squeeze %dma_start3A_345 : memref<1x128x64xf32, #tpu.memory_space<vmem>> -> memref<128x64xf32, #tpu.memory_space<vmem>>
    tpu.enqueue_dma source(%dma_start3A_346 : memref<128x64xf32, #tpu.memory_space<vmem>>) target(%dma_start3A_342 : memref<128x64xf32, #tpu.memory_space<hbm>>) target_semaphore(%dma_start3A_340 : memref<!tpu.dma_semaphore, #tpu.memory_space<semaphore_mem>>)
    %dma_wait3A_347 = arith.constant 0 : i32
    %dma_wait3A_348 = arith.constant 0 : i32
    %dma_wait3A_349 = arith.constant 0 : i32
    %dma_wait3A_350 = arith.constant 0 : i32
    %dma_wait3A_351 = tpu.memref_slice %arg6[%dma_wait3A_347, %dma_wait3A_349, %dma_wait3A_350] : memref<10x128x64xf32, #tpu.memory_space<vmem>> -> memref<1x128x64xf32, #tpu.memory_space<vmem>>
    %dma_wait3A_352 = tpu.memref_squeeze %dma_wait3A_351 : memref<1x128x64xf32, #tpu.memory_space<vmem>> -> memref<128x64xf32, #tpu.memory_space<vmem>>
    %dma_wait3A_353 = arith.constant 0 : i32
    %dma_wait3A_354 = arith.constant 0 : i32
    %dma_wait3A_355 = tpu.memref_slice %arg4[%dma_wait3A_353, %dma_wait3A_354] : memref<819200x128xf32, #tpu.memory_space<hbm>> -> memref<128x64xf32, #tpu.memory_space<hbm>>
    %dma_wait3A_356 = tpu.memref_slice %arg8[%dma_wait3A_348] : memref<10x!tpu.dma_semaphore, #tpu.memory_space<semaphore_mem>> -> memref<1x!tpu.dma_semaphore, #tpu.memory_space<semaphore_mem>>
    %dma_wait3A_357 = tpu.memref_squeeze %dma_wait3A_356 : memref<1x!tpu.dma_semaphore, #tpu.memory_space<semaphore_mem>> -> memref<!tpu.dma_semaphore, #tpu.memory_space<semaphore_mem>>
    %dma_wait3A_358 = arith.constant 0 : i32
    %dma_wait3A_359 = arith.constant 0 : i32
    %dma_wait3A_360 = tpu.memref_slice %arg4[%dma_wait3A_358, %dma_wait3A_359] : memref<819200x128xf32, #tpu.memory_space<hbm>> -> memref<128x64xf32, #tpu.memory_space<hbm>>
    %dma_wait3A_361 = arith.constant 0 : i32
    %dma_wait3A_362 = arith.constant 0 : i32
    %dma_wait3A_363 = tpu.memref_slice %arg6[%dma_wait3A_347, %dma_wait3A_361, %dma_wait3A_362] : memref<10x128x64xf32, #tpu.memory_space<vmem>> -> memref<1x128x64xf32, #tpu.memory_space<vmem>>
    %dma_wait3A_364 = tpu.memref_squeeze %dma_wait3A_363 : memref<1x128x64xf32, #tpu.memory_space<vmem>> -> memref<128x64xf32, #tpu.memory_space<vmem>>
    tpu.wait_dma2 semaphore(%dma_wait3A_357 : memref<!tpu.dma_semaphore, #tpu.memory_space<semaphore_mem>>) src(%dma_wait3A_364 : memref<128x64xf32, #tpu.memory_space<vmem>>) dst(%dma_wait3A_360 : memref<128x64xf32, #tpu.memory_space<hbm>>)
    %dma_start3A_365 = arith.constant 0 : i32
    %dma_start3A_366 = arith.constant 0 : i32
    %dma_start3A_367 = arith.constant 0 : i32
    %dma_start3A_368 = arith.constant 0 : i32
    %dma_start3A_369 = tpu.memref_slice %arg6[%dma_start3A_365, %dma_start3A_367, %dma_start3A_368] : memref<10x128x64xf32, #tpu.memory_space<vmem>> -> memref<1x128x64xf32, #tpu.memory_space<vmem>>
    %dma_start3A_370 = tpu.memref_squeeze %dma_start3A_369 : memref<1x128x64xf32, #tpu.memory_space<vmem>> -> memref<128x64xf32, #tpu.memory_space<vmem>>
    %dma_start3A_371 = arith.constant 1280 : i32
    %dma_start3A_372 = tpu.memref_slice %arg5[%dma_start3A_371] : memref<25600xi32, #tpu.memory_space<vmem>> -> memref<128xi32, #tpu.memory_space<vmem>>
    %dma_start3A_373 = arith.constant 0 : i32
    %dma_start3A_374 = arith.constant 0 : i32
    %dma_start3A_375 = tpu.memref_slice %arg2[%dma_start3A_373, %dma_start3A_374] : memref<1000000x64xf32, #tpu.memory_space<hbm>> -> memref<1000000x64xf32, #tpu.memory_space<hbm>>
    %dma_start3A_376 = tpu.memref_slice %arg7[%dma_start3A_366] : memref<10x!tpu.dma_semaphore, #tpu.memory_space<semaphore_mem>> -> memref<1x!tpu.dma_semaphore, #tpu.memory_space<semaphore_mem>>
    %dma_start3A_377 = tpu.memref_squeeze %dma_start3A_376 : memref<1x!tpu.dma_semaphore, #tpu.memory_space<semaphore_mem>> -> memref<!tpu.dma_semaphore, #tpu.memory_space<semaphore_mem>>
    tpu.enqueue_indirect_dma source(%dma_start3A_375 : memref<1000000x64xf32, #tpu.memory_space<hbm>>) target(%dma_start3A_370 : memref<128x64xf32, #tpu.memory_space<vmem>>) offsets(%dma_start3A_372 : memref<128xi32, #tpu.memory_space<vmem>>) semaphore(%dma_start3A_377 : memref<!tpu.dma_semaphore, #tpu.memory_space<semaphore_mem>>)
    %dma_wait3A_378 = arith.constant 6 : i32
    %dma_wait3A_379 = arith.constant 6 : i32
    %dma_wait3A_380 = arith.constant 0 : i32
    %dma_wait3A_381 = arith.constant 0 : i32
    %dma_wait3A_382 = tpu.memref_slice %arg6[%dma_wait3A_378, %dma_wait3A_380, %dma_wait3A_381] : memref<10x128x64xf32, #tpu.memory_space<vmem>> -> memref<1x128x64xf32, #tpu.memory_space<vmem>>
    %dma_wait3A_383 = tpu.memref_squeeze %dma_wait3A_382 : memref<1x128x64xf32, #tpu.memory_space<vmem>> -> memref<128x64xf32, #tpu.memory_space<vmem>>
    %dma_wait3A_384 = arith.constant 0 : i32
    %dma_wait3A_385 = arith.constant 0 : i32
    %dma_wait3A_386 = tpu.memref_slice %arg4[%dma_wait3A_384, %dma_wait3A_385] : memref<819200x128xf32, #tpu.memory_space<hbm>> -> memref<128x64xf32, #tpu.memory_space<hbm>>
    %dma_wait3A_387 = tpu.memref_slice %arg7[%dma_wait3A_379] : memref<10x!tpu.dma_semaphore, #tpu.memory_space<semaphore_mem>> -> memref<1x!tpu.dma_semaphore, #tpu.memory_space<semaphore_mem>>
    %dma_wait3A_388 = tpu.memref_squeeze %dma_wait3A_387 : memref<1x!tpu.dma_semaphore, #tpu.memory_space<semaphore_mem>> -> memref<!tpu.dma_semaphore, #tpu.memory_space<semaphore_mem>>
    %dma_wait3A_389 = arith.constant 0 : i32
    %dma_wait3A_390 = arith.constant 0 : i32
    %dma_wait3A_391 = tpu.memref_slice %arg6[%dma_wait3A_378, %dma_wait3A_389, %dma_wait3A_390] : memref<10x128x64xf32, #tpu.memory_space<vmem>> -> memref<1x128x64xf32, #tpu.memory_space<vmem>>
    %dma_wait3A_392 = tpu.memref_squeeze %dma_wait3A_391 : memref<1x128x64xf32, #tpu.memory_space<vmem>> -> memref<128x64xf32, #tpu.memory_space<vmem>>
    %dma_wait3A_393 = arith.constant 0 : i32
    %dma_wait3A_394 = arith.constant 0 : i32
    %dma_wait3A_395 = tpu.memref_slice %arg4[%dma_wait3A_393, %dma_wait3A_394] : memref<819200x128xf32, #tpu.memory_space<hbm>> -> memref<128x64xf32, #tpu.memory_space<hbm>>
    tpu.wait_dma2 semaphore(%dma_wait3A_388 : memref<!tpu.dma_semaphore, #tpu.memory_space<semaphore_mem>>) src(%dma_wait3A_395 : memref<128x64xf32, #tpu.memory_space<hbm>>) dst(%dma_wait3A_392 : memref<128x64xf32, #tpu.memory_space<vmem>>)
    %add3A_396 = arith.constant 768 : i32
    %add3A_397 = arith.addi %mul3A_2, %add3A_396 : i32
    %dma_start3A_398 = arith.constant 6 : i32
    %dma_start3A_399 = arith.constant 6 : i32
    %dma_start3A_400 = arith.constant 0 : i32
    %dma_start3A_401 = arith.constant 0 : i32
    %dma_start3A_402 = tpu.memref_slice %arg6[%dma_start3A_398, %dma_start3A_400, %dma_start3A_401] : memref<10x128x64xf32, #tpu.memory_space<vmem>> -> memref<1x128x64xf32, #tpu.memory_space<vmem>>
    %dma_start3A_403 = tpu.memref_squeeze %dma_start3A_402 : memref<1x128x64xf32, #tpu.memory_space<vmem>> -> memref<128x64xf32, #tpu.memory_space<vmem>>
    %dma_start3A_404 = arith.constant 0 : i32
    %dma_start3A_405 = tpu.memref_slice %arg4[%add3A_397, %dma_start3A_404] : memref<819200x128xf32, #tpu.memory_space<hbm>> -> memref<128x64xf32, #tpu.memory_space<hbm>>
    %dma_start3A_406 = tpu.memref_slice %arg8[%dma_start3A_399] : memref<10x!tpu.dma_semaphore, #tpu.memory_space<semaphore_mem>> -> memref<1x!tpu.dma_semaphore, #tpu.memory_space<semaphore_mem>>
    %dma_start3A_407 = tpu.memref_squeeze %dma_start3A_406 : memref<1x!tpu.dma_semaphore, #tpu.memory_space<semaphore_mem>> -> memref<!tpu.dma_semaphore, #tpu.memory_space<semaphore_mem>>
    %dma_start3A_408 = arith.constant 0 : i32
    %dma_start3A_409 = tpu.memref_slice %arg4[%add3A_397, %dma_start3A_408] : memref<819200x128xf32, #tpu.memory_space<hbm>> -> memref<128x64xf32, #tpu.memory_space<hbm>>
    %dma_start3A_410 = arith.constant 0 : i32
    %dma_start3A_411 = arith.constant 0 : i32
    %dma_start3A_412 = tpu.memref_slice %arg6[%dma_start3A_398, %dma_start3A_410, %dma_start3A_411] : memref<10x128x64xf32, #tpu.memory_space<vmem>> -> memref<1x128x64xf32, #tpu.memory_space<vmem>>
    %dma_start3A_413 = tpu.memref_squeeze %dma_start3A_412 : memref<1x128x64xf32, #tpu.memory_space<vmem>> -> memref<128x64xf32, #tpu.memory_space<vmem>>
    tpu.enqueue_dma source(%dma_start3A_413 : memref<128x64xf32, #tpu.memory_space<vmem>>) target(%dma_start3A_409 : memref<128x64xf32, #tpu.memory_space<hbm>>) target_semaphore(%dma_start3A_407 : memref<!tpu.dma_semaphore, #tpu.memory_space<semaphore_mem>>)
    %dma_wait3A_414 = arith.constant 1 : i32
    %dma_wait3A_415 = arith.constant 1 : i32
    %dma_wait3A_416 = arith.constant 0 : i32
    %dma_wait3A_417 = arith.constant 0 : i32
    %dma_wait3A_418 = tpu.memref_slice %arg6[%dma_wait3A_414, %dma_wait3A_416, %dma_wait3A_417] : memref<10x128x64xf32, #tpu.memory_space<vmem>> -> memref<1x128x64xf32, #tpu.memory_space<vmem>>
    %dma_wait3A_419 = tpu.memref_squeeze %dma_wait3A_418 : memref<1x128x64xf32, #tpu.memory_space<vmem>> -> memref<128x64xf32, #tpu.memory_space<vmem>>
    %dma_wait3A_420 = arith.constant 0 : i32
    %dma_wait3A_421 = arith.constant 0 : i32
    %dma_wait3A_422 = tpu.memref_slice %arg4[%dma_wait3A_420, %dma_wait3A_421] : memref<819200x128xf32, #tpu.memory_space<hbm>> -> memref<128x64xf32, #tpu.memory_space<hbm>>
    %dma_wait3A_423 = tpu.memref_slice %arg8[%dma_wait3A_415] : memref<10x!tpu.dma_semaphore, #tpu.memory_space<semaphore_mem>> -> memref<1x!tpu.dma_semaphore, #tpu.memory_space<semaphore_mem>>
    %dma_wait3A_424 = tpu.memref_squeeze %dma_wait3A_423 : memref<1x!tpu.dma_semaphore, #tpu.memory_space<semaphore_mem>> -> memref<!tpu.dma_semaphore, #tpu.memory_space<semaphore_mem>>
    %dma_wait3A_425 = arith.constant 0 : i32
    %dma_wait3A_426 = arith.constant 0 : i32
    %dma_wait3A_427 = tpu.memref_slice %arg4[%dma_wait3A_425, %dma_wait3A_426] : memref<819200x128xf32, #tpu.memory_space<hbm>> -> memref<128x64xf32, #tpu.memory_space<hbm>>
    %dma_wait3A_428 = arith.constant 0 : i32
    %dma_wait3A_429 = arith.constant 0 : i32
    %dma_wait3A_430 = tpu.memref_slice %arg6[%dma_wait3A_414, %dma_wait3A_428, %dma_wait3A_429] : memref<10x128x64xf32, #tpu.memory_space<vmem>> -> memref<1x128x64xf32, #tpu.memory_space<vmem>>
    %dma_wait3A_431 = tpu.memref_squeeze %dma_wait3A_430 : memref<1x128x64xf32, #tpu.memory_space<vmem>> -> memref<128x64xf32, #tpu.memory_space<vmem>>
    tpu.wait_dma2 semaphore(%dma_wait3A_424 : memref<!tpu.dma_semaphore, #tpu.memory_space<semaphore_mem>>) src(%dma_wait3A_431 : memref<128x64xf32, #tpu.memory_space<vmem>>) dst(%dma_wait3A_427 : memref<128x64xf32, #tpu.memory_space<hbm>>)
    %dma_start3A_432 = arith.constant 1 : i32
    %dma_start3A_433 = arith.constant 1 : i32
    %dma_start3A_434 = arith.constant 0 : i32
    %dma_start3A_435 = arith.constant 0 : i32
    %dma_start3A_436 = tpu.memref_slice %arg6[%dma_start3A_432, %dma_start3A_434, %dma_start3A_435] : memref<10x128x64xf32, #tpu.memory_space<vmem>> -> memref<1x128x64xf32, #tpu.memory_space<vmem>>
    %dma_start3A_437 = tpu.memref_squeeze %dma_start3A_436 : memref<1x128x64xf32, #tpu.memory_space<vmem>> -> memref<128x64xf32, #tpu.memory_space<vmem>>
    %dma_start3A_438 = arith.constant 1408 : i32
    %dma_start3A_439 = tpu.memref_slice %arg5[%dma_start3A_438] : memref<25600xi32, #tpu.memory_space<vmem>> -> memref<128xi32, #tpu.memory_space<vmem>>
    %dma_start3A_440 = arith.constant 0 : i32
    %dma_start3A_441 = arith.constant 0 : i32
    %dma_start3A_442 = tpu.memref_slice %arg2[%dma_start3A_440, %dma_start3A_441] : memref<1000000x64xf32, #tpu.memory_space<hbm>> -> memref<1000000x64xf32, #tpu.memory_space<hbm>>
    %dma_start3A_443 = tpu.memref_slice %arg7[%dma_start3A_433] : memref<10x!tpu.dma_semaphore, #tpu.memory_space<semaphore_mem>> -> memref<1x!tpu.dma_semaphore, #tpu.memory_space<semaphore_mem>>
    %dma_start3A_444 = tpu.memref_squeeze %dma_start3A_443 : memref<1x!tpu.dma_semaphore, #tpu.memory_space<semaphore_mem>> -> memref<!tpu.dma_semaphore, #tpu.memory_space<semaphore_mem>>
    tpu.enqueue_indirect_dma source(%dma_start3A_442 : memref<1000000x64xf32, #tpu.memory_space<hbm>>) target(%dma_start3A_437 : memref<128x64xf32, #tpu.memory_space<vmem>>) offsets(%dma_start3A_439 : memref<128xi32, #tpu.memory_space<vmem>>) semaphore(%dma_start3A_444 : memref<!tpu.dma_semaphore, #tpu.memory_space<semaphore_mem>>)
    %dma_wait3A_445 = arith.constant 7 : i32
    %dma_wait3A_446 = arith.constant 7 : i32
    %dma_wait3A_447 = arith.constant 0 : i32
    %dma_wait3A_448 = arith.constant 0 : i32
    %dma_wait3A_449 = tpu.memref_slice %arg6[%dma_wait3A_445, %dma_wait3A_447, %dma_wait3A_448] : memref<10x128x64xf32, #tpu.memory_space<vmem>> -> memref<1x128x64xf32, #tpu.memory_space<vmem>>
    %dma_wait3A_450 = tpu.memref_squeeze %dma_wait3A_449 : memref<1x128x64xf32, #tpu.memory_space<vmem>> -> memref<128x64xf32, #tpu.memory_space<vmem>>
    %dma_wait3A_451 = arith.constant 0 : i32
    %dma_wait3A_452 = arith.constant 0 : i32
    %dma_wait3A_453 = tpu.memref_slice %arg4[%dma_wait3A_451, %dma_wait3A_452] : memref<819200x128xf32, #tpu.memory_space<hbm>> -> memref<128x64xf32, #tpu.memory_space<hbm>>
    %dma_wait3A_454 = tpu.memref_slice %arg7[%dma_wait3A_446] : memref<10x!tpu.dma_semaphore, #tpu.memory_space<semaphore_mem>> -> memref<1x!tpu.dma_semaphore, #tpu.memory_space<semaphore_mem>>
    %dma_wait3A_455 = tpu.memref_squeeze %dma_wait3A_454 : memref<1x!tpu.dma_semaphore, #tpu.memory_space<semaphore_mem>> -> memref<!tpu.dma_semaphore, #tpu.memory_space<semaphore_mem>>
    %dma_wait3A_456 = arith.constant 0 : i32
    %dma_wait3A_457 = arith.constant 0 : i32
    %dma_wait3A_458 = tpu.memref_slice %arg6[%dma_wait3A_445, %dma_wait3A_456, %dma_wait3A_457] : memref<10x128x64xf32, #tpu.memory_space<vmem>> -> memref<1x128x64xf32, #tpu.memory_space<vmem>>
    %dma_wait3A_459 = tpu.memref_squeeze %dma_wait3A_458 : memref<1x128x64xf32, #tpu.memory_space<vmem>> -> memref<128x64xf32, #tpu.memory_space<vmem>>
    %dma_wait3A_460 = arith.constant 0 : i32
    %dma_wait3A_461 = arith.constant 0 : i32
    %dma_wait3A_462 = tpu.memref_slice %arg4[%dma_wait3A_460, %dma_wait3A_461] : memref<819200x128xf32, #tpu.memory_space<hbm>> -> memref<128x64xf32, #tpu.memory_space<hbm>>
    tpu.wait_dma2 semaphore(%dma_wait3A_455 : memref<!tpu.dma_semaphore, #tpu.memory_space<semaphore_mem>>) src(%dma_wait3A_462 : memref<128x64xf32, #tpu.memory_space<hbm>>) dst(%dma_wait3A_459 : memref<128x64xf32, #tpu.memory_space<vmem>>)
    %add3A_463 = arith.constant 896 : i32
    %add3A_464 = arith.addi %mul3A_2, %add3A_463 : i32
    %dma_start3A_465 = arith.constant 7 : i32
    %dma_start3A_466 = arith.constant 7 : i32
    %dma_start3A_467 = arith.constant 0 : i32
    %dma_start3A_468 = arith.constant 0 : i32
    %dma_start3A_469 = tpu.memref_slice %arg6[%dma_start3A_465, %dma_start3A_467, %dma_start3A_468] : memref<10x128x64xf32, #tpu.memory_space<vmem>> -> memref<1x128x64xf32, #tpu.memory_space<vmem>>
    %dma_start3A_470 = tpu.memref_squeeze %dma_start3A_469 : memref<1x128x64xf32, #tpu.memory_space<vmem>> -> memref<128x64xf32, #tpu.memory_space<vmem>>
    %dma_start3A_471 = arith.constant 0 : i32
    %dma_start3A_472 = tpu.memref_slice %arg4[%add3A_464, %dma_start3A_471] : memref<819200x128xf32, #tpu.memory_space<hbm>> -> memref<128x64xf32, #tpu.memory_space<hbm>>
    %dma_start3A_473 = tpu.memref_slice %arg8[%dma_start3A_466] : memref<10x!tpu.dma_semaphore, #tpu.memory_space<semaphore_mem>> -> memref<1x!tpu.dma_semaphore, #tpu.memory_space<semaphore_mem>>
    %dma_start3A_474 = tpu.memref_squeeze %dma_start3A_473 : memref<1x!tpu.dma_semaphore, #tpu.memory_space<semaphore_mem>> -> memref<!tpu.dma_semaphore, #tpu.memory_space<semaphore_mem>>
    %dma_start3A_475 = arith.constant 0 : i32
    %dma_start3A_476 = tpu.memref_slice %arg4[%add3A_464, %dma_start3A_475] : memref<819200x128xf32, #tpu.memory_space<hbm>> -> memref<128x64xf32, #tpu.memory_space<hbm>>
    %dma_start3A_477 = arith.constant 0 : i32
    %dma_start3A_478 = arith.constant 0 : i32
    %dma_start3A_479 = tpu.memref_slice %arg6[%dma_start3A_465, %dma_start3A_477, %dma_start3A_478] : memref<10x128x64xf32, #tpu.memory_space<vmem>> -> memref<1x128x64xf32, #tpu.memory_space<vmem>>
    %dma_start3A_480 = tpu.memref_squeeze %dma_start3A_479 : memref<1x128x64xf32, #tpu.memory_space<vmem>> -> memref<128x64xf32, #tpu.memory_space<vmem>>
    tpu.enqueue_dma source(%dma_start3A_480 : memref<128x64xf32, #tpu.memory_space<vmem>>) target(%dma_start3A_476 : memref<128x64xf32, #tpu.memory_space<hbm>>) target_semaphore(%dma_start3A_474 : memref<!tpu.dma_semaphore, #tpu.memory_space<semaphore_mem>>)
    %dma_wait3A_481 = arith.constant 2 : i32
    %dma_wait3A_482 = arith.constant 2 : i32
    %dma_wait3A_483 = arith.constant 0 : i32
    %dma_wait3A_484 = arith.constant 0 : i32
    %dma_wait3A_485 = tpu.memref_slice %arg6[%dma_wait3A_481, %dma_wait3A_483, %dma_wait3A_484] : memref<10x128x64xf32, #tpu.memory_space<vmem>> -> memref<1x128x64xf32, #tpu.memory_space<vmem>>
    %dma_wait3A_486 = tpu.memref_squeeze %dma_wait3A_485 : memref<1x128x64xf32, #tpu.memory_space<vmem>> -> memref<128x64xf32, #tpu.memory_space<vmem>>
    %dma_wait3A_487 = arith.constant 0 : i32
    %dma_wait3A_488 = arith.constant 0 : i32
    %dma_wait3A_489 = tpu.memref_slice %arg4[%dma_wait3A_487, %dma_wait3A_488] : memref<819200x128xf32, #tpu.memory_space<hbm>> -> memref<128x64xf32, #tpu.memory_space<hbm>>
    %dma_wait3A_490 = tpu.memref_slice %arg8[%dma_wait3A_482] : memref<10x!tpu.dma_semaphore, #tpu.memory_space<semaphore_mem>> -> memref<1x!tpu.dma_semaphore, #tpu.memory_space<semaphore_mem>>
    %dma_wait3A_491 = tpu.memref_squeeze %dma_wait3A_490 : memref<1x!tpu.dma_semaphore, #tpu.memory_space<semaphore_mem>> -> memref<!tpu.dma_semaphore, #tpu.memory_space<semaphore_mem>>
    %dma_wait3A_492 = arith.constant 0 : i32
    %dma_wait3A_493 = arith.constant 0 : i32
    %dma_wait3A_494 = tpu.memref_slice %arg4[%dma_wait3A_492, %dma_wait3A_493] : memref<819200x128xf32, #tpu.memory_space<hbm>> -> memref<128x64xf32, #tpu.memory_space<hbm>>
    %dma_wait3A_495 = arith.constant 0 : i32
    %dma_wait3A_496 = arith.constant 0 : i32
    %dma_wait3A_497 = tpu.memref_slice %arg6[%dma_wait3A_481, %dma_wait3A_495, %dma_wait3A_496] : memref<10x128x64xf32, #tpu.memory_space<vmem>> -> memref<1x128x64xf32, #tpu.memory_space<vmem>>
    %dma_wait3A_498 = tpu.memref_squeeze %dma_wait3A_497 : memref<1x128x64xf32, #tpu.memory_space<vmem>> -> memref<128x64xf32, #tpu.memory_space<vmem>>
    tpu.wait_dma2 semaphore(%dma_wait3A_491 : memref<!tpu.dma_semaphore, #tpu.memory_space<semaphore_mem>>) src(%dma_wait3A_498 : memref<128x64xf32, #tpu.memory_space<vmem>>) dst(%dma_wait3A_494 : memref<128x64xf32, #tpu.memory_space<hbm>>)
    %dma_start3A_499 = arith.constant 2 : i32
    %dma_start3A_500 = arith.constant 2 : i32
    %dma_start3A_501 = arith.constant 0 : i32
    %dma_start3A_502 = arith.constant 0 : i32
    %dma_start3A_503 = tpu.memref_slice %arg6[%dma_start3A_499, %dma_start3A_501, %dma_start3A_502] : memref<10x128x64xf32, #tpu.memory_space<vmem>> -> memref<1x128x64xf32, #tpu.memory_space<vmem>>
    %dma_start3A_504 = tpu.memref_squeeze %dma_start3A_503 : memref<1x128x64xf32, #tpu.memory_space<vmem>> -> memref<128x64xf32, #tpu.memory_space<vmem>>
    %dma_start3A_505 = arith.constant 1536 : i32
    %dma_start3A_506 = tpu.memref_slice %arg5[%dma_start3A_505] : memref<25600xi32, #tpu.memory_space<vmem>> -> memref<128xi32, #tpu.memory_space<vmem>>
    %dma_start3A_507 = arith.constant 0 : i32
    %dma_start3A_508 = arith.constant 0 : i32
    %dma_start3A_509 = tpu.memref_slice %arg2[%dma_start3A_507, %dma_start3A_508] : memref<1000000x64xf32, #tpu.memory_space<hbm>> -> memref<1000000x64xf32, #tpu.memory_space<hbm>>
    %dma_start3A_510 = tpu.memref_slice %arg7[%dma_start3A_500] : memref<10x!tpu.dma_semaphore, #tpu.memory_space<semaphore_mem>> -> memref<1x!tpu.dma_semaphore, #tpu.memory_space<semaphore_mem>>
    %dma_start3A_511 = tpu.memref_squeeze %dma_start3A_510 : memref<1x!tpu.dma_semaphore, #tpu.memory_space<semaphore_mem>> -> memref<!tpu.dma_semaphore, #tpu.memory_space<semaphore_mem>>
    tpu.enqueue_indirect_dma source(%dma_start3A_509 : memref<1000000x64xf32, #tpu.memory_space<hbm>>) target(%dma_start3A_504 : memref<128x64xf32, #tpu.memory_space<vmem>>) offsets(%dma_start3A_506 : memref<128xi32, #tpu.memory_space<vmem>>) semaphore(%dma_start3A_511 : memref<!tpu.dma_semaphore, #tpu.memory_space<semaphore_mem>>)
    %dma_wait3A_512 = arith.constant 8 : i32
    %dma_wait3A_513 = arith.constant 8 : i32
    %dma_wait3A_514 = arith.constant 0 : i32
    %dma_wait3A_515 = arith.constant 0 : i32
    %dma_wait3A_516 = tpu.memref_slice %arg6[%dma_wait3A_512, %dma_wait3A_514, %dma_wait3A_515] : memref<10x128x64xf32, #tpu.memory_space<vmem>> -> memref<1x128x64xf32, #tpu.memory_space<vmem>>
    %dma_wait3A_517 = tpu.memref_squeeze %dma_wait3A_516 : memref<1x128x64xf32, #tpu.memory_space<vmem>> -> memref<128x64xf32, #tpu.memory_space<vmem>>
    %dma_wait3A_518 = arith.constant 0 : i32
    %dma_wait3A_519 = arith.constant 0 : i32
    %dma_wait3A_520 = tpu.memref_slice %arg4[%dma_wait3A_518, %dma_wait3A_519] : memref<819200x128xf32, #tpu.memory_space<hbm>> -> memref<128x64xf32, #tpu.memory_space<hbm>>
    %dma_wait3A_521 = tpu.memref_slice %arg7[%dma_wait3A_513] : memref<10x!tpu.dma_semaphore, #tpu.memory_space<semaphore_mem>> -> memref<1x!tpu.dma_semaphore, #tpu.memory_space<semaphore_mem>>
    %dma_wait3A_522 = tpu.memref_squeeze %dma_wait3A_521 : memref<1x!tpu.dma_semaphore, #tpu.memory_space<semaphore_mem>> -> memref<!tpu.dma_semaphore, #tpu.memory_space<semaphore_mem>>
    %dma_wait3A_523 = arith.constant 0 : i32
    %dma_wait3A_524 = arith.constant 0 : i32
    %dma_wait3A_525 = tpu.memref_slice %arg6[%dma_wait3A_512, %dma_wait3A_523, %dma_wait3A_524] : memref<10x128x64xf32, #tpu.memory_space<vmem>> -> memref<1x128x64xf32, #tpu.memory_space<vmem>>
    %dma_wait3A_526 = tpu.memref_squeeze %dma_wait3A_525 : memref<1x128x64xf32, #tpu.memory_space<vmem>> -> memref<128x64xf32, #tpu.memory_space<vmem>>
    %dma_wait3A_527 = arith.constant 0 : i32
    %dma_wait3A_528 = arith.constant 0 : i32
    %dma_wait3A_529 = tpu.memref_slice %arg4[%dma_wait3A_527, %dma_wait3A_528] : memref<819200x128xf32, #tpu.memory_space<hbm>> -> memref<128x64xf32, #tpu.memory_space<hbm>>
    tpu.wait_dma2 semaphore(%dma_wait3A_522 : memref<!tpu.dma_semaphore, #tpu.memory_space<semaphore_mem>>) src(%dma_wait3A_529 : memref<128x64xf32, #tpu.memory_space<hbm>>) dst(%dma_wait3A_526 : memref<128x64xf32, #tpu.memory_space<vmem>>)
    %add3A_530 = arith.constant 1024 : i32
    %add3A_531 = arith.addi %mul3A_2, %add3A_530 : i32
    %dma_start3A_532 = arith.constant 8 : i32
    %dma_start3A_533 = arith.constant 8 : i32
    %dma_start3A_534 = arith.constant 0 : i32
    %dma_start3A_535 = arith.constant 0 : i32
    %dma_start3A_536 = tpu.memref_slice %arg6[%dma_start3A_532, %dma_start3A_534, %dma_start3A_535] : memref<10x128x64xf32, #tpu.memory_space<vmem>> -> memref<1x128x64xf32, #tpu.memory_space<vmem>>
    %dma_start3A_537 = tpu.memref_squeeze %dma_start3A_536 : memref<1x128x64xf32, #tpu.memory_space<vmem>> -> memref<128x64xf32, #tpu.memory_space<vmem>>
    %dma_start3A_538 = arith.constant 0 : i32
    %dma_start3A_539 = tpu.memref_slice %arg4[%add3A_531, %dma_start3A_538] : memref<819200x128xf32, #tpu.memory_space<hbm>> -> memref<128x64xf32, #tpu.memory_space<hbm>>
    %dma_start3A_540 = tpu.memref_slice %arg8[%dma_start3A_533] : memref<10x!tpu.dma_semaphore, #tpu.memory_space<semaphore_mem>> -> memref<1x!tpu.dma_semaphore, #tpu.memory_space<semaphore_mem>>
    %dma_start3A_541 = tpu.memref_squeeze %dma_start3A_540 : memref<1x!tpu.dma_semaphore, #tpu.memory_space<semaphore_mem>> -> memref<!tpu.dma_semaphore, #tpu.memory_space<semaphore_mem>>
    %dma_start3A_542 = arith.constant 0 : i32
    %dma_start3A_543 = tpu.memref_slice %arg4[%add3A_531, %dma_start3A_542] : memref<819200x128xf32, #tpu.memory_space<hbm>> -> memref<128x64xf32, #tpu.memory_space<hbm>>
    %dma_start3A_544 = arith.constant 0 : i32
    %dma_start3A_545 = arith.constant 0 : i32
    %dma_start3A_546 = tpu.memref_slice %arg6[%dma_start3A_532, %dma_start3A_544, %dma_start3A_545] : memref<10x128x64xf32, #tpu.memory_space<vmem>> -> memref<1x128x64xf32, #tpu.memory_space<vmem>>
    %dma_start3A_547 = tpu.memref_squeeze %dma_start3A_546 : memref<1x128x64xf32, #tpu.memory_space<vmem>> -> memref<128x64xf32, #tpu.memory_space<vmem>>
    tpu.enqueue_dma source(%dma_start3A_547 : memref<128x64xf32, #tpu.memory_space<vmem>>) target(%dma_start3A_543 : memref<128x64xf32, #tpu.memory_space<hbm>>) target_semaphore(%dma_start3A_541 : memref<!tpu.dma_semaphore, #tpu.memory_space<semaphore_mem>>)
    %dma_wait3A_548 = arith.constant 3 : i32
    %dma_wait3A_549 = arith.constant 3 : i32
    %dma_wait3A_550 = arith.constant 0 : i32
    %dma_wait3A_551 = arith.constant 0 : i32
    %dma_wait3A_552 = tpu.memref_slice %arg6[%dma_wait3A_548, %dma_wait3A_550, %dma_wait3A_551] : memref<10x128x64xf32, #tpu.memory_space<vmem>> -> memref<1x128x64xf32, #tpu.memory_space<vmem>>
    %dma_wait3A_553 = tpu.memref_squeeze %dma_wait3A_552 : memref<1x128x64xf32, #tpu.memory_space<vmem>> -> memref<128x64xf32, #tpu.memory_space<vmem>>
    %dma_wait3A_554 = arith.constant 0 : i32
    %dma_wait3A_555 = arith.constant 0 : i32
    %dma_wait3A_556 = tpu.memref_slice %arg4[%dma_wait3A_554, %dma_wait3A_555] : memref<819200x128xf32, #tpu.memory_space<hbm>> -> memref<128x64xf32, #tpu.memory_space<hbm>>
    %dma_wait3A_557 = tpu.memref_slice %arg8[%dma_wait3A_549] : memref<10x!tpu.dma_semaphore, #tpu.memory_space<semaphore_mem>> -> memref<1x!tpu.dma_semaphore, #tpu.memory_space<semaphore_mem>>
    %dma_wait3A_558 = tpu.memref_squeeze %dma_wait3A_557 : memref<1x!tpu.dma_semaphore, #tpu.memory_space<semaphore_mem>> -> memref<!tpu.dma_semaphore, #tpu.memory_space<semaphore_mem>>
    %dma_wait3A_559 = arith.constant 0 : i32
    %dma_wait3A_560 = arith.constant 0 : i32
    %dma_wait3A_561 = tpu.memref_slice %arg4[%dma_wait3A_559, %dma_wait3A_560] : memref<819200x128xf32, #tpu.memory_space<hbm>> -> memref<128x64xf32, #tpu.memory_space<hbm>>
    %dma_wait3A_562 = arith.constant 0 : i32
    %dma_wait3A_563 = arith.constant 0 : i32
    %dma_wait3A_564 = tpu.memref_slice %arg6[%dma_wait3A_548, %dma_wait3A_562, %dma_wait3A_563] : memref<10x128x64xf32, #tpu.memory_space<vmem>> -> memref<1x128x64xf32, #tpu.memory_space<vmem>>
    %dma_wait3A_565 = tpu.memref_squeeze %dma_wait3A_564 : memref<1x128x64xf32, #tpu.memory_space<vmem>> -> memref<128x64xf32, #tpu.memory_space<vmem>>
    tpu.wait_dma2 semaphore(%dma_wait3A_558 : memref<!tpu.dma_semaphore, #tpu.memory_space<semaphore_mem>>) src(%dma_wait3A_565 : memref<128x64xf32, #tpu.memory_space<vmem>>) dst(%dma_wait3A_561 : memref<128x64xf32, #tpu.memory_space<hbm>>)
    %dma_start3A_566 = arith.constant 3 : i32
    %dma_start3A_567 = arith.constant 3 : i32
    %dma_start3A_568 = arith.constant 0 : i32
    %dma_start3A_569 = arith.constant 0 : i32
    %dma_start3A_570 = tpu.memref_slice %arg6[%dma_start3A_566, %dma_start3A_568, %dma_start3A_569] : memref<10x128x64xf32, #tpu.memory_space<vmem>> -> memref<1x128x64xf32, #tpu.memory_space<vmem>>
    %dma_start3A_571 = tpu.memref_squeeze %dma_start3A_570 : memref<1x128x64xf32, #tpu.memory_space<vmem>> -> memref<128x64xf32, #tpu.memory_space<vmem>>
    %dma_start3A_572 = arith.constant 1664 : i32
    %dma_start3A_573 = tpu.memref_slice %arg5[%dma_start3A_572] : memref<25600xi32, #tpu.memory_space<vmem>> -> memref<128xi32, #tpu.memory_space<vmem>>
    %dma_start3A_574 = arith.constant 0 : i32
    %dma_start3A_575 = arith.constant 0 : i32
    %dma_start3A_576 = tpu.memref_slice %arg2[%dma_start3A_574, %dma_start3A_575] : memref<1000000x64xf32, #tpu.memory_space<hbm>> -> memref<1000000x64xf32, #tpu.memory_space<hbm>>
    %dma_start3A_577 = tpu.memref_slice %arg7[%dma_start3A_567] : memref<10x!tpu.dma_semaphore, #tpu.memory_space<semaphore_mem>> -> memref<1x!tpu.dma_semaphore, #tpu.memory_space<semaphore_mem>>
    %dma_start3A_578 = tpu.memref_squeeze %dma_start3A_577 : memref<1x!tpu.dma_semaphore, #tpu.memory_space<semaphore_mem>> -> memref<!tpu.dma_semaphore, #tpu.memory_space<semaphore_mem>>
    tpu.enqueue_indirect_dma source(%dma_start3A_576 : memref<1000000x64xf32, #tpu.memory_space<hbm>>) target(%dma_start3A_571 : memref<128x64xf32, #tpu.memory_space<vmem>>) offsets(%dma_start3A_573 : memref<128xi32, #tpu.memory_space<vmem>>) semaphore(%dma_start3A_578 : memref<!tpu.dma_semaphore, #tpu.memory_space<semaphore_mem>>)
    %dma_wait3A_579 = arith.constant 9 : i32
    %dma_wait3A_580 = arith.constant 9 : i32
    %dma_wait3A_581 = arith.constant 0 : i32
    %dma_wait3A_582 = arith.constant 0 : i32
    %dma_wait3A_583 = tpu.memref_slice %arg6[%dma_wait3A_579, %dma_wait3A_581, %dma_wait3A_582] : memref<10x128x64xf32, #tpu.memory_space<vmem>> -> memref<1x128x64xf32, #tpu.memory_space<vmem>>
    %dma_wait3A_584 = tpu.memref_squeeze %dma_wait3A_583 : memref<1x128x64xf32, #tpu.memory_space<vmem>> -> memref<128x64xf32, #tpu.memory_space<vmem>>
    %dma_wait3A_585 = arith.constant 0 : i32
    %dma_wait3A_586 = arith.constant 0 : i32
    %dma_wait3A_587 = tpu.memref_slice %arg4[%dma_wait3A_585, %dma_wait3A_586] : memref<819200x128xf32, #tpu.memory_space<hbm>> -> memref<128x64xf32, #tpu.memory_space<hbm>>
    %dma_wait3A_588 = tpu.memref_slice %arg7[%dma_wait3A_580] : memref<10x!tpu.dma_semaphore, #tpu.memory_space<semaphore_mem>> -> memref<1x!tpu.dma_semaphore, #tpu.memory_space<semaphore_mem>>
    %dma_wait3A_589 = tpu.memref_squeeze %dma_wait3A_588 : memref<1x!tpu.dma_semaphore, #tpu.memory_space<semaphore_mem>> -> memref<!tpu.dma_semaphore, #tpu.memory_space<semaphore_mem>>
    %dma_wait3A_590 = arith.constant 0 : i32
    %dma_wait3A_591 = arith.constant 0 : i32
    %dma_wait3A_592 = tpu.memref_slice %arg6[%dma_wait3A_579, %dma_wait3A_590, %dma_wait3A_591] : memref<10x128x64xf32, #tpu.memory_space<vmem>> -> memref<1x128x64xf32, #tpu.memory_space<vmem>>
    %dma_wait3A_593 = tpu.memref_squeeze %dma_wait3A_592 : memref<1x128x64xf32, #tpu.memory_space<vmem>> -> memref<128x64xf32, #tpu.memory_space<vmem>>
    %dma_wait3A_594 = arith.constant 0 : i32
    %dma_wait3A_595 = arith.constant 0 : i32
    %dma_wait3A_596 = tpu.memref_slice %arg4[%dma_wait3A_594, %dma_wait3A_595] : memref<819200x128xf32, #tpu.memory_space<hbm>> -> memref<128x64xf32, #tpu.memory_space<hbm>>
    tpu.wait_dma2 semaphore(%dma_wait3A_589 : memref<!tpu.dma_semaphore, #tpu.memory_space<semaphore_mem>>) src(%dma_wait3A_596 : memref<128x64xf32, #tpu.memory_space<hbm>>) dst(%dma_wait3A_593 : memref<128x64xf32, #tpu.memory_space<vmem>>)
    %add3A_597 = arith.constant 1152 : i32
    %add3A_598 = arith.addi %mul3A_2, %add3A_597 : i32
    %dma_start3A_599 = arith.constant 9 : i32
    %dma_start3A_600 = arith.constant 9 : i32
    %dma_start3A_601 = arith.constant 0 : i32
    %dma_start3A_602 = arith.constant 0 : i32
    %dma_start3A_603 = tpu.memref_slice %arg6[%dma_start3A_599, %dma_start3A_601, %dma_start3A_602] : memref<10x128x64xf32, #tpu.memory_space<vmem>> -> memref<1x128x64xf32, #tpu.memory_space<vmem>>
    %dma_start3A_604 = tpu.memref_squeeze %dma_start3A_603 : memref<1x128x64xf32, #tpu.memory_space<vmem>> -> memref<128x64xf32, #tpu.memory_space<vmem>>
    %dma_start3A_605 = arith.constant 0 : i32
    %dma_start3A_606 = tpu.memref_slice %arg4[%add3A_598, %dma_start3A_605] : memref<819200x128xf32, #tpu.memory_space<hbm>> -> memref<128x64xf32, #tpu.memory_space<hbm>>
    %dma_start3A_607 = tpu.memref_slice %arg8[%dma_start3A_600] : memref<10x!tpu.dma_semaphore, #tpu.memory_space<semaphore_mem>> -> memref<1x!tpu.dma_semaphore, #tpu.memory_space<semaphore_mem>>
    %dma_start3A_608 = tpu.memref_squeeze %dma_start3A_607 : memref<1x!tpu.dma_semaphore, #tpu.memory_space<semaphore_mem>> -> memref<!tpu.dma_semaphore, #tpu.memory_space<semaphore_mem>>
    %dma_start3A_609 = arith.constant 0 : i32
    %dma_start3A_610 = tpu.memref_slice %arg4[%add3A_598, %dma_start3A_609] : memref<819200x128xf32, #tpu.memory_space<hbm>> -> memref<128x64xf32, #tpu.memory_space<hbm>>
    %dma_start3A_611 = arith.constant 0 : i32
    %dma_start3A_612 = arith.constant 0 : i32
    %dma_start3A_613 = tpu.memref_slice %arg6[%dma_start3A_599, %dma_start3A_611, %dma_start3A_612] : memref<10x128x64xf32, #tpu.memory_space<vmem>> -> memref<1x128x64xf32, #tpu.memory_space<vmem>>
    %dma_start3A_614 = tpu.memref_squeeze %dma_start3A_613 : memref<1x128x64xf32, #tpu.memory_space<vmem>> -> memref<128x64xf32, #tpu.memory_space<vmem>>
    tpu.enqueue_dma source(%dma_start3A_614 : memref<128x64xf32, #tpu.memory_space<vmem>>) target(%dma_start3A_610 : memref<128x64xf32, #tpu.memory_space<hbm>>) target_semaphore(%dma_start3A_608 : memref<!tpu.dma_semaphore, #tpu.memory_space<semaphore_mem>>)
    %dma_wait3A_615 = arith.constant 4 : i32
    %dma_wait3A_616 = arith.constant 4 : i32
    %dma_wait3A_617 = arith.constant 0 : i32
    %dma_wait3A_618 = arith.constant 0 : i32
    %dma_wait3A_619 = tpu.memref_slice %arg6[%dma_wait3A_615, %dma_wait3A_617, %dma_wait3A_618] : memref<10x128x64xf32, #tpu.memory_space<vmem>> -> memref<1x128x64xf32, #tpu.memory_space<vmem>>
    %dma_wait3A_620 = tpu.memref_squeeze %dma_wait3A_619 : memref<1x128x64xf32, #tpu.memory_space<vmem>> -> memref<128x64xf32, #tpu.memory_space<vmem>>
    %dma_wait3A_621 = arith.constant 0 : i32
    %dma_wait3A_622 = arith.constant 0 : i32
    %dma_wait3A_623 = tpu.memref_slice %arg4[%dma_wait3A_621, %dma_wait3A_622] : memref<819200x128xf32, #tpu.memory_space<hbm>> -> memref<128x64xf32, #tpu.memory_space<hbm>>
    %dma_wait3A_624 = tpu.memref_slice %arg8[%dma_wait3A_616] : memref<10x!tpu.dma_semaphore, #tpu.memory_space<semaphore_mem>> -> memref<1x!tpu.dma_semaphore, #tpu.memory_space<semaphore_mem>>
    %dma_wait3A_625 = tpu.memref_squeeze %dma_wait3A_624 : memref<1x!tpu.dma_semaphore, #tpu.memory_space<semaphore_mem>> -> memref<!tpu.dma_semaphore, #tpu.memory_space<semaphore_mem>>
    %dma_wait3A_626 = arith.constant 0 : i32
    %dma_wait3A_627 = arith.constant 0 : i32
    %dma_wait3A_628 = tpu.memref_slice %arg4[%dma_wait3A_626, %dma_wait3A_627] : memref<819200x128xf32, #tpu.memory_space<hbm>> -> memref<128x64xf32, #tpu.memory_space<hbm>>
    %dma_wait3A_629 = arith.constant 0 : i32
    %dma_wait3A_630 = arith.constant 0 : i32
    %dma_wait3A_631 = tpu.memref_slice %arg6[%dma_wait3A_615, %dma_wait3A_629, %dma_wait3A_630] : memref<10x128x64xf32, #tpu.memory_space<vmem>> -> memref<1x128x64xf32, #tpu.memory_space<vmem>>
    %dma_wait3A_632 = tpu.memref_squeeze %dma_wait3A_631 : memref<1x128x64xf32, #tpu.memory_space<vmem>> -> memref<128x64xf32, #tpu.memory_space<vmem>>
    tpu.wait_dma2 semaphore(%dma_wait3A_625 : memref<!tpu.dma_semaphore, #tpu.memory_space<semaphore_mem>>) src(%dma_wait3A_632 : memref<128x64xf32, #tpu.memory_space<vmem>>) dst(%dma_wait3A_628 : memref<128x64xf32, #tpu.memory_space<hbm>>)
    %dma_start3A_633 = arith.constant 4 : i32
    %dma_start3A_634 = arith.constant 4 : i32
    %dma_start3A_635 = arith.constant 0 : i32
    %dma_start3A_636 = arith.constant 0 : i32
    %dma_start3A_637 = tpu.memref_slice %arg6[%dma_start3A_633, %dma_start3A_635, %dma_start3A_636] : memref<10x128x64xf32, #tpu.memory_space<vmem>> -> memref<1x128x64xf32, #tpu.memory_space<vmem>>
    %dma_start3A_638 = tpu.memref_squeeze %dma_start3A_637 : memref<1x128x64xf32, #tpu.memory_space<vmem>> -> memref<128x64xf32, #tpu.memory_space<vmem>>
    %dma_start3A_639 = arith.constant 1792 : i32
    %dma_start3A_640 = tpu.memref_slice %arg5[%dma_start3A_639] : memref<25600xi32, #tpu.memory_space<vmem>> -> memref<128xi32, #tpu.memory_space<vmem>>
    %dma_start3A_641 = arith.constant 0 : i32
    %dma_start3A_642 = arith.constant 0 : i32
    %dma_start3A_643 = tpu.memref_slice %arg2[%dma_start3A_641, %dma_start3A_642] : memref<1000000x64xf32, #tpu.memory_space<hbm>> -> memref<1000000x64xf32, #tpu.memory_space<hbm>>
    %dma_start3A_644 = tpu.memref_slice %arg7[%dma_start3A_634] : memref<10x!tpu.dma_semaphore, #tpu.memory_space<semaphore_mem>> -> memref<1x!tpu.dma_semaphore, #tpu.memory_space<semaphore_mem>>
    %dma_start3A_645 = tpu.memref_squeeze %dma_start3A_644 : memref<1x!tpu.dma_semaphore, #tpu.memory_space<semaphore_mem>> -> memref<!tpu.dma_semaphore, #tpu.memory_space<semaphore_mem>>
    tpu.enqueue_indirect_dma source(%dma_start3A_643 : memref<1000000x64xf32, #tpu.memory_space<hbm>>) target(%dma_start3A_638 : memref<128x64xf32, #tpu.memory_space<vmem>>) offsets(%dma_start3A_640 : memref<128xi32, #tpu.memory_space<vmem>>) semaphore(%dma_start3A_645 : memref<!tpu.dma_semaphore, #tpu.memory_space<semaphore_mem>>)
    %scan3A = arith.constant 0 : i32
    %scan3A_646 = arith.constant 18 : i32
    %scan3A_647 = arith.addi %scan3A, %scan3A_646 : i32
    %scan3A_648 = arith.constant 1 : i32
    scf.for %scan3A_1345 = %scan3A to %scan3A_647 step %scan3A_648  : i32 {
      %mul3A_1346 = arith.constant 10 : i32
      %mul3A_1347 = arith.muli %scan3A_1345, %mul3A_1346 : i32
      %add3A_1348 = arith.constant 10 : i32
      %add3A_1349 = arith.addi %add3A_1348, %mul3A_1347 : i32
      %add3A_1350 = arith.constant 0 : i32
      %add3A_1351 = arith.addi %add3A_1349, %add3A_1350 : i32
      %dma_wait3A_1352 = arith.constant 0 : i32
      %dma_wait3A_1353 = arith.constant 0 : i32
      %dma_wait3A_1354 = arith.constant 0 : i32
      %dma_wait3A_1355 = arith.constant 0 : i32
      %dma_wait3A_1356 = tpu.memref_slice %arg6[%dma_wait3A_1352, %dma_wait3A_1354, %dma_wait3A_1355] : memref<10x128x64xf32, #tpu.memory_space<vmem>> -> memref<1x128x64xf32, #tpu.memory_space<vmem>>
      %dma_wait3A_1357 = tpu.memref_squeeze %dma_wait3A_1356 : memref<1x128x64xf32, #tpu.memory_space<vmem>> -> memref<128x64xf32, #tpu.memory_space<vmem>>
      %dma_wait3A_1358 = arith.constant 0 : i32
      %dma_wait3A_1359 = arith.constant 0 : i32
      %dma_wait3A_1360 = tpu.memref_slice %arg4[%dma_wait3A_1358, %dma_wait3A_1359] : memref<819200x128xf32, #tpu.memory_space<hbm>> -> memref<128x64xf32, #tpu.memory_space<hbm>>
      %dma_wait3A_1361 = tpu.memref_slice %arg7[%dma_wait3A_1353] : memref<10x!tpu.dma_semaphore, #tpu.memory_space<semaphore_mem>> -> memref<1x!tpu.dma_semaphore, #tpu.memory_space<semaphore_mem>>
      %dma_wait3A_1362 = tpu.memref_squeeze %dma_wait3A_1361 : memref<1x!tpu.dma_semaphore, #tpu.memory_space<semaphore_mem>> -> memref<!tpu.dma_semaphore, #tpu.memory_space<semaphore_mem>>
      %dma_wait3A_1363 = arith.constant 0 : i32
      %dma_wait3A_1364 = arith.constant 0 : i32
      %dma_wait3A_1365 = tpu.memref_slice %arg6[%dma_wait3A_1352, %dma_wait3A_1363, %dma_wait3A_1364] : memref<10x128x64xf32, #tpu.memory_space<vmem>> -> memref<1x128x64xf32, #tpu.memory_space<vmem>>
      %dma_wait3A_1366 = tpu.memref_squeeze %dma_wait3A_1365 : memref<1x128x64xf32, #tpu.memory_space<vmem>> -> memref<128x64xf32, #tpu.memory_space<vmem>>
      %dma_wait3A_1367 = arith.constant 0 : i32
      %dma_wait3A_1368 = arith.constant 0 : i32
      %dma_wait3A_1369 = tpu.memref_slice %arg4[%dma_wait3A_1367, %dma_wait3A_1368] : memref<819200x128xf32, #tpu.memory_space<hbm>> -> memref<128x64xf32, #tpu.memory_space<hbm>>
      tpu.wait_dma2 semaphore(%dma_wait3A_1362 : memref<!tpu.dma_semaphore, #tpu.memory_space<semaphore_mem>>) src(%dma_wait3A_1369 : memref<128x64xf32, #tpu.memory_space<hbm>>) dst(%dma_wait3A_1366 : memref<128x64xf32, #tpu.memory_space<vmem>>)
      %mul3A_1370 = arith.constant 128 : i32
      %mul3A_1371 = arith.muli %add3A_1351, %mul3A_1370 : i32
      %add3A_1372 = arith.addi %mul3A_2, %mul3A_1371 : i32
      %dma_start3A_1373 = arith.constant 0 : i32
      %dma_start3A_1374 = arith.constant 0 : i32
      %dma_start3A_1375 = arith.constant 0 : i32
      %dma_start3A_1376 = arith.constant 0 : i32
      %dma_start3A_1377 = tpu.memref_slice %arg6[%dma_start3A_1373, %dma_start3A_1375, %dma_start3A_1376] : memref<10x128x64xf32, #tpu.memory_space<vmem>> -> memref<1x128x64xf32, #tpu.memory_space<vmem>>
      %dma_start3A_1378 = tpu.memref_squeeze %dma_start3A_1377 : memref<1x128x64xf32, #tpu.memory_space<vmem>> -> memref<128x64xf32, #tpu.memory_space<vmem>>
      %dma_start3A_1379 = arith.constant 0 : i32
      %dma_start3A_1380 = tpu.memref_slice %arg4[%add3A_1372, %dma_start3A_1379] : memref<819200x128xf32, #tpu.memory_space<hbm>> -> memref<128x64xf32, #tpu.memory_space<hbm>>
      %dma_start3A_1381 = tpu.memref_slice %arg8[%dma_start3A_1374] : memref<10x!tpu.dma_semaphore, #tpu.memory_space<semaphore_mem>> -> memref<1x!tpu.dma_semaphore, #tpu.memory_space<semaphore_mem>>
      %dma_start3A_1382 = tpu.memref_squeeze %dma_start3A_1381 : memref<1x!tpu.dma_semaphore, #tpu.memory_space<semaphore_mem>> -> memref<!tpu.dma_semaphore, #tpu.memory_space<semaphore_mem>>
      %dma_start3A_1383 = arith.constant 0 : i32
      %dma_start3A_1384 = tpu.memref_slice %arg4[%add3A_1372, %dma_start3A_1383] : memref<819200x128xf32, #tpu.memory_space<hbm>> -> memref<128x64xf32, #tpu.memory_space<hbm>>
      %dma_start3A_1385 = arith.constant 0 : i32
      %dma_start3A_1386 = arith.constant 0 : i32
      %dma_start3A_1387 = tpu.memref_slice %arg6[%dma_start3A_1373, %dma_start3A_1385, %dma_start3A_1386] : memref<10x128x64xf32, #tpu.memory_space<vmem>> -> memref<1x128x64xf32, #tpu.memory_space<vmem>>
      %dma_start3A_1388 = tpu.memref_squeeze %dma_start3A_1387 : memref<1x128x64xf32, #tpu.memory_space<vmem>> -> memref<128x64xf32, #tpu.memory_space<vmem>>
      tpu.enqueue_dma source(%dma_start3A_1388 : memref<128x64xf32, #tpu.memory_space<vmem>>) target(%dma_start3A_1384 : memref<128x64xf32, #tpu.memory_space<hbm>>) target_semaphore(%dma_start3A_1382 : memref<!tpu.dma_semaphore, #tpu.memory_space<semaphore_mem>>)
      %dma_wait3A_1389 = arith.constant 5 : i32
      %dma_wait3A_1390 = arith.constant 5 : i32
      %dma_wait3A_1391 = arith.constant 0 : i32
      %dma_wait3A_1392 = arith.constant 0 : i32
      %dma_wait3A_1393 = tpu.memref_slice %arg6[%dma_wait3A_1389, %dma_wait3A_1391, %dma_wait3A_1392] : memref<10x128x64xf32, #tpu.memory_space<vmem>> -> memref<1x128x64xf32, #tpu.memory_space<vmem>>
      %dma_wait3A_1394 = tpu.memref_squeeze %dma_wait3A_1393 : memref<1x128x64xf32, #tpu.memory_space<vmem>> -> memref<128x64xf32, #tpu.memory_space<vmem>>
      %dma_wait3A_1395 = arith.constant 0 : i32
      %dma_wait3A_1396 = arith.constant 0 : i32
      %dma_wait3A_1397 = tpu.memref_slice %arg4[%dma_wait3A_1395, %dma_wait3A_1396] : memref<819200x128xf32, #tpu.memory_space<hbm>> -> memref<128x64xf32, #tpu.memory_space<hbm>>
      %dma_wait3A_1398 = tpu.memref_slice %arg8[%dma_wait3A_1390] : memref<10x!tpu.dma_semaphore, #tpu.memory_space<semaphore_mem>> -> memref<1x!tpu.dma_semaphore, #tpu.memory_space<semaphore_mem>>
      %dma_wait3A_1399 = tpu.memref_squeeze %dma_wait3A_1398 : memref<1x!tpu.dma_semaphore, #tpu.memory_space<semaphore_mem>> -> memref<!tpu.dma_semaphore, #tpu.memory_space<semaphore_mem>>
      %dma_wait3A_1400 = arith.constant 0 : i32
      %dma_wait3A_1401 = arith.constant 0 : i32
      %dma_wait3A_1402 = tpu.memref_slice %arg4[%dma_wait3A_1400, %dma_wait3A_1401] : memref<819200x128xf32, #tpu.memory_space<hbm>> -> memref<128x64xf32, #tpu.memory_space<hbm>>
      %dma_wait3A_1403 = arith.constant 0 : i32
      %dma_wait3A_1404 = arith.constant 0 : i32
      %dma_wait3A_1405 = tpu.memref_slice %arg6[%dma_wait3A_1389, %dma_wait3A_1403, %dma_wait3A_1404] : memref<10x128x64xf32, #tpu.memory_space<vmem>> -> memref<1x128x64xf32, #tpu.memory_space<vmem>>
      %dma_wait3A_1406 = tpu.memref_squeeze %dma_wait3A_1405 : memref<1x128x64xf32, #tpu.memory_space<vmem>> -> memref<128x64xf32, #tpu.memory_space<vmem>>
      tpu.wait_dma2 semaphore(%dma_wait3A_1399 : memref<!tpu.dma_semaphore, #tpu.memory_space<semaphore_mem>>) src(%dma_wait3A_1406 : memref<128x64xf32, #tpu.memory_space<vmem>>) dst(%dma_wait3A_1402 : memref<128x64xf32, #tpu.memory_space<hbm>>)
      %add3A_1407 = arith.constant 5 : i32
      %add3A_1408 = arith.addi %add3A_1351, %add3A_1407 : i32
      %mul3A_1409 = arith.constant 128 : i32
      %mul3A_1410 = arith.muli %add3A_1408, %mul3A_1409 : i32
      %dma_start3A_1411 = arith.constant 5 : i32
      %dma_start3A_1412 = arith.constant 5 : i32
      %dma_start3A_1413 = arith.constant 0 : i32
      %dma_start3A_1414 = arith.constant 0 : i32
      %dma_start3A_1415 = tpu.memref_slice %arg6[%dma_start3A_1411, %dma_start3A_1413, %dma_start3A_1414] : memref<10x128x64xf32, #tpu.memory_space<vmem>> -> memref<1x128x64xf32, #tpu.memory_space<vmem>>
      %dma_start3A_1416 = tpu.memref_squeeze %dma_start3A_1415 : memref<1x128x64xf32, #tpu.memory_space<vmem>> -> memref<128x64xf32, #tpu.memory_space<vmem>>
      %dma_start3A_1417 = tpu.memref_slice %arg5[%mul3A_1410] : memref<25600xi32, #tpu.memory_space<vmem>> -> memref<128xi32, #tpu.memory_space<vmem>>
      %dma_start3A_1418 = arith.constant 0 : i32
      %dma_start3A_1419 = arith.constant 0 : i32
      %dma_start3A_1420 = tpu.memref_slice %arg2[%dma_start3A_1418, %dma_start3A_1419] : memref<1000000x64xf32, #tpu.memory_space<hbm>> -> memref<1000000x64xf32, #tpu.memory_space<hbm>>
      %dma_start3A_1421 = tpu.memref_slice %arg7[%dma_start3A_1412] : memref<10x!tpu.dma_semaphore, #tpu.memory_space<semaphore_mem>> -> memref<1x!tpu.dma_semaphore, #tpu.memory_space<semaphore_mem>>
      %dma_start3A_1422 = tpu.memref_squeeze %dma_start3A_1421 : memref<1x!tpu.dma_semaphore, #tpu.memory_space<semaphore_mem>> -> memref<!tpu.dma_semaphore, #tpu.memory_space<semaphore_mem>>
      tpu.enqueue_indirect_dma source(%dma_start3A_1420 : memref<1000000x64xf32, #tpu.memory_space<hbm>>) target(%dma_start3A_1416 : memref<128x64xf32, #tpu.memory_space<vmem>>) offsets(%dma_start3A_1417 : memref<128xi32, #tpu.memory_space<vmem>>) semaphore(%dma_start3A_1422 : memref<!tpu.dma_semaphore, #tpu.memory_space<semaphore_mem>>)
      %add3A_1423 = arith.constant 1 : i32
      %add3A_1424 = arith.addi %add3A_1349, %add3A_1423 : i32
      %dma_wait3A_1425 = arith.constant 1 : i32
      %dma_wait3A_1426 = arith.constant 1 : i32
      %dma_wait3A_1427 = arith.constant 0 : i32
      %dma_wait3A_1428 = arith.constant 0 : i32
      %dma_wait3A_1429 = tpu.memref_slice %arg6[%dma_wait3A_1425, %dma_wait3A_1427, %dma_wait3A_1428] : memref<10x128x64xf32, #tpu.memory_space<vmem>> -> memref<1x128x64xf32, #tpu.memory_space<vmem>>
      %dma_wait3A_1430 = tpu.memref_squeeze %dma_wait3A_1429 : memref<1x128x64xf32, #tpu.memory_space<vmem>> -> memref<128x64xf32, #tpu.memory_space<vmem>>
      %dma_wait3A_1431 = arith.constant 0 : i32
      %dma_wait3A_1432 = arith.constant 0 : i32
      %dma_wait3A_1433 = tpu.memref_slice %arg4[%dma_wait3A_1431, %dma_wait3A_1432] : memref<819200x128xf32, #tpu.memory_space<hbm>> -> memref<128x64xf32, #tpu.memory_space<hbm>>
      %dma_wait3A_1434 = tpu.memref_slice %arg7[%dma_wait3A_1426] : memref<10x!tpu.dma_semaphore, #tpu.memory_space<semaphore_mem>> -> memref<1x!tpu.dma_semaphore, #tpu.memory_space<semaphore_mem>>
      %dma_wait3A_1435 = tpu.memref_squeeze %dma_wait3A_1434 : memref<1x!tpu.dma_semaphore, #tpu.memory_space<semaphore_mem>> -> memref<!tpu.dma_semaphore, #tpu.memory_space<semaphore_mem>>
      %dma_wait3A_1436 = arith.constant 0 : i32
      %dma_wait3A_1437 = arith.constant 0 : i32
      %dma_wait3A_1438 = tpu.memref_slice %arg6[%dma_wait3A_1425, %dma_wait3A_1436, %dma_wait3A_1437] : memref<10x128x64xf32, #tpu.memory_space<vmem>> -> memref<1x128x64xf32, #tpu.memory_space<vmem>>
      %dma_wait3A_1439 = tpu.memref_squeeze %dma_wait3A_1438 : memref<1x128x64xf32, #tpu.memory_space<vmem>> -> memref<128x64xf32, #tpu.memory_space<vmem>>
      %dma_wait3A_1440 = arith.constant 0 : i32
      %dma_wait3A_1441 = arith.constant 0 : i32
      %dma_wait3A_1442 = tpu.memref_slice %arg4[%dma_wait3A_1440, %dma_wait3A_1441] : memref<819200x128xf32, #tpu.memory_space<hbm>> -> memref<128x64xf32, #tpu.memory_space<hbm>>
      tpu.wait_dma2 semaphore(%dma_wait3A_1435 : memref<!tpu.dma_semaphore, #tpu.memory_space<semaphore_mem>>) src(%dma_wait3A_1442 : memref<128x64xf32, #tpu.memory_space<hbm>>) dst(%dma_wait3A_1439 : memref<128x64xf32, #tpu.memory_space<vmem>>)
      %mul3A_1443 = arith.constant 128 : i32
      %mul3A_1444 = arith.muli %add3A_1424, %mul3A_1443 : i32
      %add3A_1445 = arith.addi %mul3A_2, %mul3A_1444 : i32
      %dma_start3A_1446 = arith.constant 1 : i32
      %dma_start3A_1447 = arith.constant 1 : i32
      %dma_start3A_1448 = arith.constant 0 : i32
      %dma_start3A_1449 = arith.constant 0 : i32
      %dma_start3A_1450 = tpu.memref_slice %arg6[%dma_start3A_1446, %dma_start3A_1448, %dma_start3A_1449] : memref<10x128x64xf32, #tpu.memory_space<vmem>> -> memref<1x128x64xf32, #tpu.memory_space<vmem>>
      %dma_start3A_1451 = tpu.memref_squeeze %dma_start3A_1450 : memref<1x128x64xf32, #tpu.memory_space<vmem>> -> memref<128x64xf32, #tpu.memory_space<vmem>>
      %dma_start3A_1452 = arith.constant 0 : i32
      %dma_start3A_1453 = tpu.memref_slice %arg4[%add3A_1445, %dma_start3A_1452] : memref<819200x128xf32, #tpu.memory_space<hbm>> -> memref<128x64xf32, #tpu.memory_space<hbm>>
      %dma_start3A_1454 = tpu.memref_slice %arg8[%dma_start3A_1447] : memref<10x!tpu.dma_semaphore, #tpu.memory_space<semaphore_mem>> -> memref<1x!tpu.dma_semaphore, #tpu.memory_space<semaphore_mem>>
      %dma_start3A_1455 = tpu.memref_squeeze %dma_start3A_1454 : memref<1x!tpu.dma_semaphore, #tpu.memory_space<semaphore_mem>> -> memref<!tpu.dma_semaphore, #tpu.memory_space<semaphore_mem>>
      %dma_start3A_1456 = arith.constant 0 : i32
      %dma_start3A_1457 = tpu.memref_slice %arg4[%add3A_1445, %dma_start3A_1456] : memref<819200x128xf32, #tpu.memory_space<hbm>> -> memref<128x64xf32, #tpu.memory_space<hbm>>
      %dma_start3A_1458 = arith.constant 0 : i32
      %dma_start3A_1459 = arith.constant 0 : i32
      %dma_start3A_1460 = tpu.memref_slice %arg6[%dma_start3A_1446, %dma_start3A_1458, %dma_start3A_1459] : memref<10x128x64xf32, #tpu.memory_space<vmem>> -> memref<1x128x64xf32, #tpu.memory_space<vmem>>
      %dma_start3A_1461 = tpu.memref_squeeze %dma_start3A_1460 : memref<1x128x64xf32, #tpu.memory_space<vmem>> -> memref<128x64xf32, #tpu.memory_space<vmem>>
      tpu.enqueue_dma source(%dma_start3A_1461 : memref<128x64xf32, #tpu.memory_space<vmem>>) target(%dma_start3A_1457 : memref<128x64xf32, #tpu.memory_space<hbm>>) target_semaphore(%dma_start3A_1455 : memref<!tpu.dma_semaphore, #tpu.memory_space<semaphore_mem>>)
      %dma_wait3A_1462 = arith.constant 6 : i32
      %dma_wait3A_1463 = arith.constant 6 : i32
      %dma_wait3A_1464 = arith.constant 0 : i32
      %dma_wait3A_1465 = arith.constant 0 : i32
      %dma_wait3A_1466 = tpu.memref_slice %arg6[%dma_wait3A_1462, %dma_wait3A_1464, %dma_wait3A_1465] : memref<10x128x64xf32, #tpu.memory_space<vmem>> -> memref<1x128x64xf32, #tpu.memory_space<vmem>>
      %dma_wait3A_1467 = tpu.memref_squeeze %dma_wait3A_1466 : memref<1x128x64xf32, #tpu.memory_space<vmem>> -> memref<128x64xf32, #tpu.memory_space<vmem>>
      %dma_wait3A_1468 = arith.constant 0 : i32
      %dma_wait3A_1469 = arith.constant 0 : i32
      %dma_wait3A_1470 = tpu.memref_slice %arg4[%dma_wait3A_1468, %dma_wait3A_1469] : memref<819200x128xf32, #tpu.memory_space<hbm>> -> memref<128x64xf32, #tpu.memory_space<hbm>>
      %dma_wait3A_1471 = tpu.memref_slice %arg8[%dma_wait3A_1463] : memref<10x!tpu.dma_semaphore, #tpu.memory_space<semaphore_mem>> -> memref<1x!tpu.dma_semaphore, #tpu.memory_space<semaphore_mem>>
      %dma_wait3A_1472 = tpu.memref_squeeze %dma_wait3A_1471 : memref<1x!tpu.dma_semaphore, #tpu.memory_space<semaphore_mem>> -> memref<!tpu.dma_semaphore, #tpu.memory_space<semaphore_mem>>
      %dma_wait3A_1473 = arith.constant 0 : i32
      %dma_wait3A_1474 = arith.constant 0 : i32
      %dma_wait3A_1475 = tpu.memref_slice %arg4[%dma_wait3A_1473, %dma_wait3A_1474] : memref<819200x128xf32, #tpu.memory_space<hbm>> -> memref<128x64xf32, #tpu.memory_space<hbm>>
      %dma_wait3A_1476 = arith.constant 0 : i32
      %dma_wait3A_1477 = arith.constant 0 : i32
      %dma_wait3A_1478 = tpu.memref_slice %arg6[%dma_wait3A_1462, %dma_wait3A_1476, %dma_wait3A_1477] : memref<10x128x64xf32, #tpu.memory_space<vmem>> -> memref<1x128x64xf32, #tpu.memory_space<vmem>>
      %dma_wait3A_1479 = tpu.memref_squeeze %dma_wait3A_1478 : memref<1x128x64xf32, #tpu.memory_space<vmem>> -> memref<128x64xf32, #tpu.memory_space<vmem>>
      tpu.wait_dma2 semaphore(%dma_wait3A_1472 : memref<!tpu.dma_semaphore, #tpu.memory_space<semaphore_mem>>) src(%dma_wait3A_1479 : memref<128x64xf32, #tpu.memory_space<vmem>>) dst(%dma_wait3A_1475 : memref<128x64xf32, #tpu.memory_space<hbm>>)
      %add3A_1480 = arith.constant 5 : i32
      %add3A_1481 = arith.addi %add3A_1424, %add3A_1480 : i32
      %mul3A_1482 = arith.constant 128 : i32
      %mul3A_1483 = arith.muli %add3A_1481, %mul3A_1482 : i32
      %dma_start3A_1484 = arith.constant 6 : i32
      %dma_start3A_1485 = arith.constant 6 : i32
      %dma_start3A_1486 = arith.constant 0 : i32
      %dma_start3A_1487 = arith.constant 0 : i32
      %dma_start3A_1488 = tpu.memref_slice %arg6[%dma_start3A_1484, %dma_start3A_1486, %dma_start3A_1487] : memref<10x128x64xf32, #tpu.memory_space<vmem>> -> memref<1x128x64xf32, #tpu.memory_space<vmem>>
      %dma_start3A_1489 = tpu.memref_squeeze %dma_start3A_1488 : memref<1x128x64xf32, #tpu.memory_space<vmem>> -> memref<128x64xf32, #tpu.memory_space<vmem>>
      %dma_start3A_1490 = tpu.memref_slice %arg5[%mul3A_1483] : memref<25600xi32, #tpu.memory_space<vmem>> -> memref<128xi32, #tpu.memory_space<vmem>>
      %dma_start3A_1491 = arith.constant 0 : i32
      %dma_start3A_1492 = arith.constant 0 : i32
      %dma_start3A_1493 = tpu.memref_slice %arg2[%dma_start3A_1491, %dma_start3A_1492] : memref<1000000x64xf32, #tpu.memory_space<hbm>> -> memref<1000000x64xf32, #tpu.memory_space<hbm>>
      %dma_start3A_1494 = tpu.memref_slice %arg7[%dma_start3A_1485] : memref<10x!tpu.dma_semaphore, #tpu.memory_space<semaphore_mem>> -> memref<1x!tpu.dma_semaphore, #tpu.memory_space<semaphore_mem>>
      %dma_start3A_1495 = tpu.memref_squeeze %dma_start3A_1494 : memref<1x!tpu.dma_semaphore, #tpu.memory_space<semaphore_mem>> -> memref<!tpu.dma_semaphore, #tpu.memory_space<semaphore_mem>>
      tpu.enqueue_indirect_dma source(%dma_start3A_1493 : memref<1000000x64xf32, #tpu.memory_space<hbm>>) target(%dma_start3A_1489 : memref<128x64xf32, #tpu.memory_space<vmem>>) offsets(%dma_start3A_1490 : memref<128xi32, #tpu.memory_space<vmem>>) semaphore(%dma_start3A_1495 : memref<!tpu.dma_semaphore, #tpu.memory_space<semaphore_mem>>)
      %add3A_1496 = arith.constant 2 : i32
      %add3A_1497 = arith.addi %add3A_1349, %add3A_1496 : i32
      %dma_wait3A_1498 = arith.constant 2 : i32
      %dma_wait3A_1499 = arith.constant 2 : i32
      %dma_wait3A_1500 = arith.constant 0 : i32
      %dma_wait3A_1501 = arith.constant 0 : i32
      %dma_wait3A_1502 = tpu.memref_slice %arg6[%dma_wait3A_1498, %dma_wait3A_1500, %dma_wait3A_1501] : memref<10x128x64xf32, #tpu.memory_space<vmem>> -> memref<1x128x64xf32, #tpu.memory_space<vmem>>
      %dma_wait3A_1503 = tpu.memref_squeeze %dma_wait3A_1502 : memref<1x128x64xf32, #tpu.memory_space<vmem>> -> memref<128x64xf32, #tpu.memory_space<vmem>>
      %dma_wait3A_1504 = arith.constant 0 : i32
      %dma_wait3A_1505 = arith.constant 0 : i32
      %dma_wait3A_1506 = tpu.memref_slice %arg4[%dma_wait3A_1504, %dma_wait3A_1505] : memref<819200x128xf32, #tpu.memory_space<hbm>> -> memref<128x64xf32, #tpu.memory_space<hbm>>
      %dma_wait3A_1507 = tpu.memref_slice %arg7[%dma_wait3A_1499] : memref<10x!tpu.dma_semaphore, #tpu.memory_space<semaphore_mem>> -> memref<1x!tpu.dma_semaphore, #tpu.memory_space<semaphore_mem>>
      %dma_wait3A_1508 = tpu.memref_squeeze %dma_wait3A_1507 : memref<1x!tpu.dma_semaphore, #tpu.memory_space<semaphore_mem>> -> memref<!tpu.dma_semaphore, #tpu.memory_space<semaphore_mem>>
      %dma_wait3A_1509 = arith.constant 0 : i32
      %dma_wait3A_1510 = arith.constant 0 : i32
      %dma_wait3A_1511 = tpu.memref_slice %arg6[%dma_wait3A_1498, %dma_wait3A_1509, %dma_wait3A_1510] : memref<10x128x64xf32, #tpu.memory_space<vmem>> -> memref<1x128x64xf32, #tpu.memory_space<vmem>>
      %dma_wait3A_1512 = tpu.memref_squeeze %dma_wait3A_1511 : memref<1x128x64xf32, #tpu.memory_space<vmem>> -> memref<128x64xf32, #tpu.memory_space<vmem>>
      %dma_wait3A_1513 = arith.constant 0 : i32
      %dma_wait3A_1514 = arith.constant 0 : i32
      %dma_wait3A_1515 = tpu.memref_slice %arg4[%dma_wait3A_1513, %dma_wait3A_1514] : memref<819200x128xf32, #tpu.memory_space<hbm>> -> memref<128x64xf32, #tpu.memory_space<hbm>>
      tpu.wait_dma2 semaphore(%dma_wait3A_1508 : memref<!tpu.dma_semaphore, #tpu.memory_space<semaphore_mem>>) src(%dma_wait3A_1515 : memref<128x64xf32, #tpu.memory_space<hbm>>) dst(%dma_wait3A_1512 : memref<128x64xf32, #tpu.memory_space<vmem>>)
      %mul3A_1516 = arith.constant 128 : i32
      %mul3A_1517 = arith.muli %add3A_1497, %mul3A_1516 : i32
      %add3A_1518 = arith.addi %mul3A_2, %mul3A_1517 : i32
      %dma_start3A_1519 = arith.constant 2 : i32
      %dma_start3A_1520 = arith.constant 2 : i32
      %dma_start3A_1521 = arith.constant 0 : i32
      %dma_start3A_1522 = arith.constant 0 : i32
      %dma_start3A_1523 = tpu.memref_slice %arg6[%dma_start3A_1519, %dma_start3A_1521, %dma_start3A_1522] : memref<10x128x64xf32, #tpu.memory_space<vmem>> -> memref<1x128x64xf32, #tpu.memory_space<vmem>>
      %dma_start3A_1524 = tpu.memref_squeeze %dma_start3A_1523 : memref<1x128x64xf32, #tpu.memory_space<vmem>> -> memref<128x64xf32, #tpu.memory_space<vmem>>
      %dma_start3A_1525 = arith.constant 0 : i32
      %dma_start3A_1526 = tpu.memref_slice %arg4[%add3A_1518, %dma_start3A_1525] : memref<819200x128xf32, #tpu.memory_space<hbm>> -> memref<128x64xf32, #tpu.memory_space<hbm>>
      %dma_start3A_1527 = tpu.memref_slice %arg8[%dma_start3A_1520] : memref<10x!tpu.dma_semaphore, #tpu.memory_space<semaphore_mem>> -> memref<1x!tpu.dma_semaphore, #tpu.memory_space<semaphore_mem>>
      %dma_start3A_1528 = tpu.memref_squeeze %dma_start3A_1527 : memref<1x!tpu.dma_semaphore, #tpu.memory_space<semaphore_mem>> -> memref<!tpu.dma_semaphore, #tpu.memory_space<semaphore_mem>>
      %dma_start3A_1529 = arith.constant 0 : i32
      %dma_start3A_1530 = tpu.memref_slice %arg4[%add3A_1518, %dma_start3A_1529] : memref<819200x128xf32, #tpu.memory_space<hbm>> -> memref<128x64xf32, #tpu.memory_space<hbm>>
      %dma_start3A_1531 = arith.constant 0 : i32
      %dma_start3A_1532 = arith.constant 0 : i32
      %dma_start3A_1533 = tpu.memref_slice %arg6[%dma_start3A_1519, %dma_start3A_1531, %dma_start3A_1532] : memref<10x128x64xf32, #tpu.memory_space<vmem>> -> memref<1x128x64xf32, #tpu.memory_space<vmem>>
      %dma_start3A_1534 = tpu.memref_squeeze %dma_start3A_1533 : memref<1x128x64xf32, #tpu.memory_space<vmem>> -> memref<128x64xf32, #tpu.memory_space<vmem>>
      tpu.enqueue_dma source(%dma_start3A_1534 : memref<128x64xf32, #tpu.memory_space<vmem>>) target(%dma_start3A_1530 : memref<128x64xf32, #tpu.memory_space<hbm>>) target_semaphore(%dma_start3A_1528 : memref<!tpu.dma_semaphore, #tpu.memory_space<semaphore_mem>>)
      %dma_wait3A_1535 = arith.constant 7 : i32
      %dma_wait3A_1536 = arith.constant 7 : i32
      %dma_wait3A_1537 = arith.constant 0 : i32
      %dma_wait3A_1538 = arith.constant 0 : i32
      %dma_wait3A_1539 = tpu.memref_slice %arg6[%dma_wait3A_1535, %dma_wait3A_1537, %dma_wait3A_1538] : memref<10x128x64xf32, #tpu.memory_space<vmem>> -> memref<1x128x64xf32, #tpu.memory_space<vmem>>
      %dma_wait3A_1540 = tpu.memref_squeeze %dma_wait3A_1539 : memref<1x128x64xf32, #tpu.memory_space<vmem>> -> memref<128x64xf32, #tpu.memory_space<vmem>>
      %dma_wait3A_1541 = arith.constant 0 : i32
      %dma_wait3A_1542 = arith.constant 0 : i32
      %dma_wait3A_1543 = tpu.memref_slice %arg4[%dma_wait3A_1541, %dma_wait3A_1542] : memref<819200x128xf32, #tpu.memory_space<hbm>> -> memref<128x64xf32, #tpu.memory_space<hbm>>
      %dma_wait3A_1544 = tpu.memref_slice %arg8[%dma_wait3A_1536] : memref<10x!tpu.dma_semaphore, #tpu.memory_space<semaphore_mem>> -> memref<1x!tpu.dma_semaphore, #tpu.memory_space<semaphore_mem>>
      %dma_wait3A_1545 = tpu.memref_squeeze %dma_wait3A_1544 : memref<1x!tpu.dma_semaphore, #tpu.memory_space<semaphore_mem>> -> memref<!tpu.dma_semaphore, #tpu.memory_space<semaphore_mem>>
      %dma_wait3A_1546 = arith.constant 0 : i32
      %dma_wait3A_1547 = arith.constant 0 : i32
      %dma_wait3A_1548 = tpu.memref_slice %arg4[%dma_wait3A_1546, %dma_wait3A_1547] : memref<819200x128xf32, #tpu.memory_space<hbm>> -> memref<128x64xf32, #tpu.memory_space<hbm>>
      %dma_wait3A_1549 = arith.constant 0 : i32
      %dma_wait3A_1550 = arith.constant 0 : i32
      %dma_wait3A_1551 = tpu.memref_slice %arg6[%dma_wait3A_1535, %dma_wait3A_1549, %dma_wait3A_1550] : memref<10x128x64xf32, #tpu.memory_space<vmem>> -> memref<1x128x64xf32, #tpu.memory_space<vmem>>
      %dma_wait3A_1552 = tpu.memref_squeeze %dma_wait3A_1551 : memref<1x128x64xf32, #tpu.memory_space<vmem>> -> memref<128x64xf32, #tpu.memory_space<vmem>>
      tpu.wait_dma2 semaphore(%dma_wait3A_1545 : memref<!tpu.dma_semaphore, #tpu.memory_space<semaphore_mem>>) src(%dma_wait3A_1552 : memref<128x64xf32, #tpu.memory_space<vmem>>) dst(%dma_wait3A_1548 : memref<128x64xf32, #tpu.memory_space<hbm>>)
      %add3A_1553 = arith.constant 5 : i32
      %add3A_1554 = arith.addi %add3A_1497, %add3A_1553 : i32
      %mul3A_1555 = arith.constant 128 : i32
      %mul3A_1556 = arith.muli %add3A_1554, %mul3A_1555 : i32
      %dma_start3A_1557 = arith.constant 7 : i32
      %dma_start3A_1558 = arith.constant 7 : i32
      %dma_start3A_1559 = arith.constant 0 : i32
      %dma_start3A_1560 = arith.constant 0 : i32
      %dma_start3A_1561 = tpu.memref_slice %arg6[%dma_start3A_1557, %dma_start3A_1559, %dma_start3A_1560] : memref<10x128x64xf32, #tpu.memory_space<vmem>> -> memref<1x128x64xf32, #tpu.memory_space<vmem>>
      %dma_start3A_1562 = tpu.memref_squeeze %dma_start3A_1561 : memref<1x128x64xf32, #tpu.memory_space<vmem>> -> memref<128x64xf32, #tpu.memory_space<vmem>>
      %dma_start3A_1563 = tpu.memref_slice %arg5[%mul3A_1556] : memref<25600xi32, #tpu.memory_space<vmem>> -> memref<128xi32, #tpu.memory_space<vmem>>
      %dma_start3A_1564 = arith.constant 0 : i32
      %dma_start3A_1565 = arith.constant 0 : i32
      %dma_start3A_1566 = tpu.memref_slice %arg2[%dma_start3A_1564, %dma_start3A_1565] : memref<1000000x64xf32, #tpu.memory_space<hbm>> -> memref<1000000x64xf32, #tpu.memory_space<hbm>>
      %dma_start3A_1567 = tpu.memref_slice %arg7[%dma_start3A_1558] : memref<10x!tpu.dma_semaphore, #tpu.memory_space<semaphore_mem>> -> memref<1x!tpu.dma_semaphore, #tpu.memory_space<semaphore_mem>>
      %dma_start3A_1568 = tpu.memref_squeeze %dma_start3A_1567 : memref<1x!tpu.dma_semaphore, #tpu.memory_space<semaphore_mem>> -> memref<!tpu.dma_semaphore, #tpu.memory_space<semaphore_mem>>
      tpu.enqueue_indirect_dma source(%dma_start3A_1566 : memref<1000000x64xf32, #tpu.memory_space<hbm>>) target(%dma_start3A_1562 : memref<128x64xf32, #tpu.memory_space<vmem>>) offsets(%dma_start3A_1563 : memref<128xi32, #tpu.memory_space<vmem>>) semaphore(%dma_start3A_1568 : memref<!tpu.dma_semaphore, #tpu.memory_space<semaphore_mem>>)
      %add3A_1569 = arith.constant 3 : i32
      %add3A_1570 = arith.addi %add3A_1349, %add3A_1569 : i32
      %dma_wait3A_1571 = arith.constant 3 : i32
      %dma_wait3A_1572 = arith.constant 3 : i32
      %dma_wait3A_1573 = arith.constant 0 : i32
      %dma_wait3A_1574 = arith.constant 0 : i32
      %dma_wait3A_1575 = tpu.memref_slice %arg6[%dma_wait3A_1571, %dma_wait3A_1573, %dma_wait3A_1574] : memref<10x128x64xf32, #tpu.memory_space<vmem>> -> memref<1x128x64xf32, #tpu.memory_space<vmem>>
      %dma_wait3A_1576 = tpu.memref_squeeze %dma_wait3A_1575 : memref<1x128x64xf32, #tpu.memory_space<vmem>> -> memref<128x64xf32, #tpu.memory_space<vmem>>
      %dma_wait3A_1577 = arith.constant 0 : i32
      %dma_wait3A_1578 = arith.constant 0 : i32
      %dma_wait3A_1579 = tpu.memref_slice %arg4[%dma_wait3A_1577, %dma_wait3A_1578] : memref<819200x128xf32, #tpu.memory_space<hbm>> -> memref<128x64xf32, #tpu.memory_space<hbm>>
      %dma_wait3A_1580 = tpu.memref_slice %arg7[%dma_wait3A_1572] : memref<10x!tpu.dma_semaphore, #tpu.memory_space<semaphore_mem>> -> memref<1x!tpu.dma_semaphore, #tpu.memory_space<semaphore_mem>>
      %dma_wait3A_1581 = tpu.memref_squeeze %dma_wait3A_1580 : memref<1x!tpu.dma_semaphore, #tpu.memory_space<semaphore_mem>> -> memref<!tpu.dma_semaphore, #tpu.memory_space<semaphore_mem>>
      %dma_wait3A_1582 = arith.constant 0 : i32
      %dma_wait3A_1583 = arith.constant 0 : i32
      %dma_wait3A_1584 = tpu.memref_slice %arg6[%dma_wait3A_1571, %dma_wait3A_1582, %dma_wait3A_1583] : memref<10x128x64xf32, #tpu.memory_space<vmem>> -> memref<1x128x64xf32, #tpu.memory_space<vmem>>
      %dma_wait3A_1585 = tpu.memref_squeeze %dma_wait3A_1584 : memref<1x128x64xf32, #tpu.memory_space<vmem>> -> memref<128x64xf32, #tpu.memory_space<vmem>>
      %dma_wait3A_1586 = arith.constant 0 : i32
      %dma_wait3A_1587 = arith.constant 0 : i32
      %dma_wait3A_1588 = tpu.memref_slice %arg4[%dma_wait3A_1586, %dma_wait3A_1587] : memref<819200x128xf32, #tpu.memory_space<hbm>> -> memref<128x64xf32, #tpu.memory_space<hbm>>
      tpu.wait_dma2 semaphore(%dma_wait3A_1581 : memref<!tpu.dma_semaphore, #tpu.memory_space<semaphore_mem>>) src(%dma_wait3A_1588 : memref<128x64xf32, #tpu.memory_space<hbm>>) dst(%dma_wait3A_1585 : memref<128x64xf32, #tpu.memory_space<vmem>>)
      %mul3A_1589 = arith.constant 128 : i32
      %mul3A_1590 = arith.muli %add3A_1570, %mul3A_1589 : i32
      %add3A_1591 = arith.addi %mul3A_2, %mul3A_1590 : i32
      %dma_start3A_1592 = arith.constant 3 : i32
      %dma_start3A_1593 = arith.constant 3 : i32
      %dma_start3A_1594 = arith.constant 0 : i32
      %dma_start3A_1595 = arith.constant 0 : i32
      %dma_start3A_1596 = tpu.memref_slice %arg6[%dma_start3A_1592, %dma_start3A_1594, %dma_start3A_1595] : memref<10x128x64xf32, #tpu.memory_space<vmem>> -> memref<1x128x64xf32, #tpu.memory_space<vmem>>
      %dma_start3A_1597 = tpu.memref_squeeze %dma_start3A_1596 : memref<1x128x64xf32, #tpu.memory_space<vmem>> -> memref<128x64xf32, #tpu.memory_space<vmem>>
      %dma_start3A_1598 = arith.constant 0 : i32
      %dma_start3A_1599 = tpu.memref_slice %arg4[%add3A_1591, %dma_start3A_1598] : memref<819200x128xf32, #tpu.memory_space<hbm>> -> memref<128x64xf32, #tpu.memory_space<hbm>>
      %dma_start3A_1600 = tpu.memref_slice %arg8[%dma_start3A_1593] : memref<10x!tpu.dma_semaphore, #tpu.memory_space<semaphore_mem>> -> memref<1x!tpu.dma_semaphore, #tpu.memory_space<semaphore_mem>>
      %dma_start3A_1601 = tpu.memref_squeeze %dma_start3A_1600 : memref<1x!tpu.dma_semaphore, #tpu.memory_space<semaphore_mem>> -> memref<!tpu.dma_semaphore, #tpu.memory_space<semaphore_mem>>
      %dma_start3A_1602 = arith.constant 0 : i32
      %dma_start3A_1603 = tpu.memref_slice %arg4[%add3A_1591, %dma_start3A_1602] : memref<819200x128xf32, #tpu.memory_space<hbm>> -> memref<128x64xf32, #tpu.memory_space<hbm>>
      %dma_start3A_1604 = arith.constant 0 : i32
      %dma_start3A_1605 = arith.constant 0 : i32
      %dma_start3A_1606 = tpu.memref_slice %arg6[%dma_start3A_1592, %dma_start3A_1604, %dma_start3A_1605] : memref<10x128x64xf32, #tpu.memory_space<vmem>> -> memref<1x128x64xf32, #tpu.memory_space<vmem>>
      %dma_start3A_1607 = tpu.memref_squeeze %dma_start3A_1606 : memref<1x128x64xf32, #tpu.memory_space<vmem>> -> memref<128x64xf32, #tpu.memory_space<vmem>>
      tpu.enqueue_dma source(%dma_start3A_1607 : memref<128x64xf32, #tpu.memory_space<vmem>>) target(%dma_start3A_1603 : memref<128x64xf32, #tpu.memory_space<hbm>>) target_semaphore(%dma_start3A_1601 : memref<!tpu.dma_semaphore, #tpu.memory_space<semaphore_mem>>)
      %dma_wait3A_1608 = arith.constant 8 : i32
      %dma_wait3A_1609 = arith.constant 8 : i32
      %dma_wait3A_1610 = arith.constant 0 : i32
      %dma_wait3A_1611 = arith.constant 0 : i32
      %dma_wait3A_1612 = tpu.memref_slice %arg6[%dma_wait3A_1608, %dma_wait3A_1610, %dma_wait3A_1611] : memref<10x128x64xf32, #tpu.memory_space<vmem>> -> memref<1x128x64xf32, #tpu.memory_space<vmem>>
      %dma_wait3A_1613 = tpu.memref_squeeze %dma_wait3A_1612 : memref<1x128x64xf32, #tpu.memory_space<vmem>> -> memref<128x64xf32, #tpu.memory_space<vmem>>
      %dma_wait3A_1614 = arith.constant 0 : i32
      %dma_wait3A_1615 = arith.constant 0 : i32
      %dma_wait3A_1616 = tpu.memref_slice %arg4[%dma_wait3A_1614, %dma_wait3A_1615] : memref<819200x128xf32, #tpu.memory_space<hbm>> -> memref<128x64xf32, #tpu.memory_space<hbm>>
      %dma_wait3A_1617 = tpu.memref_slice %arg8[%dma_wait3A_1609] : memref<10x!tpu.dma_semaphore, #tpu.memory_space<semaphore_mem>> -> memref<1x!tpu.dma_semaphore, #tpu.memory_space<semaphore_mem>>
      %dma_wait3A_1618 = tpu.memref_squeeze %dma_wait3A_1617 : memref<1x!tpu.dma_semaphore, #tpu.memory_space<semaphore_mem>> -> memref<!tpu.dma_semaphore, #tpu.memory_space<semaphore_mem>>
      %dma_wait3A_1619 = arith.constant 0 : i32
      %dma_wait3A_1620 = arith.constant 0 : i32
      %dma_wait3A_1621 = tpu.memref_slice %arg4[%dma_wait3A_1619, %dma_wait3A_1620] : memref<819200x128xf32, #tpu.memory_space<hbm>> -> memref<128x64xf32, #tpu.memory_space<hbm>>
      %dma_wait3A_1622 = arith.constant 0 : i32
      %dma_wait3A_1623 = arith.constant 0 : i32
      %dma_wait3A_1624 = tpu.memref_slice %arg6[%dma_wait3A_1608, %dma_wait3A_1622, %dma_wait3A_1623] : memref<10x128x64xf32, #tpu.memory_space<vmem>> -> memref<1x128x64xf32, #tpu.memory_space<vmem>>
      %dma_wait3A_1625 = tpu.memref_squeeze %dma_wait3A_1624 : memref<1x128x64xf32, #tpu.memory_space<vmem>> -> memref<128x64xf32, #tpu.memory_space<vmem>>
      tpu.wait_dma2 semaphore(%dma_wait3A_1618 : memref<!tpu.dma_semaphore, #tpu.memory_space<semaphore_mem>>) src(%dma_wait3A_1625 : memref<128x64xf32, #tpu.memory_space<vmem>>) dst(%dma_wait3A_1621 : memref<128x64xf32, #tpu.memory_space<hbm>>)
      %add3A_1626 = arith.constant 5 : i32
      %add3A_1627 = arith.addi %add3A_1570, %add3A_1626 : i32
      %mul3A_1628 = arith.constant 128 : i32
      %mul3A_1629 = arith.muli %add3A_1627, %mul3A_1628 : i32
      %dma_start3A_1630 = arith.constant 8 : i32
      %dma_start3A_1631 = arith.constant 8 : i32
      %dma_start3A_1632 = arith.constant 0 : i32
      %dma_start3A_1633 = arith.constant 0 : i32
      %dma_start3A_1634 = tpu.memref_slice %arg6[%dma_start3A_1630, %dma_start3A_1632, %dma_start3A_1633] : memref<10x128x64xf32, #tpu.memory_space<vmem>> -> memref<1x128x64xf32, #tpu.memory_space<vmem>>
      %dma_start3A_1635 = tpu.memref_squeeze %dma_start3A_1634 : memref<1x128x64xf32, #tpu.memory_space<vmem>> -> memref<128x64xf32, #tpu.memory_space<vmem>>
      %dma_start3A_1636 = tpu.memref_slice %arg5[%mul3A_1629] : memref<25600xi32, #tpu.memory_space<vmem>> -> memref<128xi32, #tpu.memory_space<vmem>>
      %dma_start3A_1637 = arith.constant 0 : i32
      %dma_start3A_1638 = arith.constant 0 : i32
      %dma_start3A_1639 = tpu.memref_slice %arg2[%dma_start3A_1637, %dma_start3A_1638] : memref<1000000x64xf32, #tpu.memory_space<hbm>> -> memref<1000000x64xf32, #tpu.memory_space<hbm>>
      %dma_start3A_1640 = tpu.memref_slice %arg7[%dma_start3A_1631] : memref<10x!tpu.dma_semaphore, #tpu.memory_space<semaphore_mem>> -> memref<1x!tpu.dma_semaphore, #tpu.memory_space<semaphore_mem>>
      %dma_start3A_1641 = tpu.memref_squeeze %dma_start3A_1640 : memref<1x!tpu.dma_semaphore, #tpu.memory_space<semaphore_mem>> -> memref<!tpu.dma_semaphore, #tpu.memory_space<semaphore_mem>>
      tpu.enqueue_indirect_dma source(%dma_start3A_1639 : memref<1000000x64xf32, #tpu.memory_space<hbm>>) target(%dma_start3A_1635 : memref<128x64xf32, #tpu.memory_space<vmem>>) offsets(%dma_start3A_1636 : memref<128xi32, #tpu.memory_space<vmem>>) semaphore(%dma_start3A_1641 : memref<!tpu.dma_semaphore, #tpu.memory_space<semaphore_mem>>)
      %add3A_1642 = arith.constant 4 : i32
      %add3A_1643 = arith.addi %add3A_1349, %add3A_1642 : i32
      %dma_wait3A_1644 = arith.constant 4 : i32
      %dma_wait3A_1645 = arith.constant 4 : i32
      %dma_wait3A_1646 = arith.constant 0 : i32
      %dma_wait3A_1647 = arith.constant 0 : i32
      %dma_wait3A_1648 = tpu.memref_slice %arg6[%dma_wait3A_1644, %dma_wait3A_1646, %dma_wait3A_1647] : memref<10x128x64xf32, #tpu.memory_space<vmem>> -> memref<1x128x64xf32, #tpu.memory_space<vmem>>
      %dma_wait3A_1649 = tpu.memref_squeeze %dma_wait3A_1648 : memref<1x128x64xf32, #tpu.memory_space<vmem>> -> memref<128x64xf32, #tpu.memory_space<vmem>>
      %dma_wait3A_1650 = arith.constant 0 : i32
      %dma_wait3A_1651 = arith.constant 0 : i32
      %dma_wait3A_1652 = tpu.memref_slice %arg4[%dma_wait3A_1650, %dma_wait3A_1651] : memref<819200x128xf32, #tpu.memory_space<hbm>> -> memref<128x64xf32, #tpu.memory_space<hbm>>
      %dma_wait3A_1653 = tpu.memref_slice %arg7[%dma_wait3A_1645] : memref<10x!tpu.dma_semaphore, #tpu.memory_space<semaphore_mem>> -> memref<1x!tpu.dma_semaphore, #tpu.memory_space<semaphore_mem>>
      %dma_wait3A_1654 = tpu.memref_squeeze %dma_wait3A_1653 : memref<1x!tpu.dma_semaphore, #tpu.memory_space<semaphore_mem>> -> memref<!tpu.dma_semaphore, #tpu.memory_space<semaphore_mem>>
      %dma_wait3A_1655 = arith.constant 0 : i32
      %dma_wait3A_1656 = arith.constant 0 : i32
      %dma_wait3A_1657 = tpu.memref_slice %arg6[%dma_wait3A_1644, %dma_wait3A_1655, %dma_wait3A_1656] : memref<10x128x64xf32, #tpu.memory_space<vmem>> -> memref<1x128x64xf32, #tpu.memory_space<vmem>>
      %dma_wait3A_1658 = tpu.memref_squeeze %dma_wait3A_1657 : memref<1x128x64xf32, #tpu.memory_space<vmem>> -> memref<128x64xf32, #tpu.memory_space<vmem>>
      %dma_wait3A_1659 = arith.constant 0 : i32
      %dma_wait3A_1660 = arith.constant 0 : i32
      %dma_wait3A_1661 = tpu.memref_slice %arg4[%dma_wait3A_1659, %dma_wait3A_1660] : memref<819200x128xf32, #tpu.memory_space<hbm>> -> memref<128x64xf32, #tpu.memory_space<hbm>>
      tpu.wait_dma2 semaphore(%dma_wait3A_1654 : memref<!tpu.dma_semaphore, #tpu.memory_space<semaphore_mem>>) src(%dma_wait3A_1661 : memref<128x64xf32, #tpu.memory_space<hbm>>) dst(%dma_wait3A_1658 : memref<128x64xf32, #tpu.memory_space<vmem>>)
      %mul3A_1662 = arith.constant 128 : i32
      %mul3A_1663 = arith.muli %add3A_1643, %mul3A_1662 : i32
      %add3A_1664 = arith.addi %mul3A_2, %mul3A_1663 : i32
      %dma_start3A_1665 = arith.constant 4 : i32
      %dma_start3A_1666 = arith.constant 4 : i32
      %dma_start3A_1667 = arith.constant 0 : i32
      %dma_start3A_1668 = arith.constant 0 : i32
      %dma_start3A_1669 = tpu.memref_slice %arg6[%dma_start3A_1665, %dma_start3A_1667, %dma_start3A_1668] : memref<10x128x64xf32, #tpu.memory_space<vmem>> -> memref<1x128x64xf32, #tpu.memory_space<vmem>>
      %dma_start3A_1670 = tpu.memref_squeeze %dma_start3A_1669 : memref<1x128x64xf32, #tpu.memory_space<vmem>> -> memref<128x64xf32, #tpu.memory_space<vmem>>
      %dma_start3A_1671 = arith.constant 0 : i32
      %dma_start3A_1672 = tpu.memref_slice %arg4[%add3A_1664, %dma_start3A_1671] : memref<819200x128xf32, #tpu.memory_space<hbm>> -> memref<128x64xf32, #tpu.memory_space<hbm>>
      %dma_start3A_1673 = tpu.memref_slice %arg8[%dma_start3A_1666] : memref<10x!tpu.dma_semaphore, #tpu.memory_space<semaphore_mem>> -> memref<1x!tpu.dma_semaphore, #tpu.memory_space<semaphore_mem>>
      %dma_start3A_1674 = tpu.memref_squeeze %dma_start3A_1673 : memref<1x!tpu.dma_semaphore, #tpu.memory_space<semaphore_mem>> -> memref<!tpu.dma_semaphore, #tpu.memory_space<semaphore_mem>>
      %dma_start3A_1675 = arith.constant 0 : i32
      %dma_start3A_1676 = tpu.memref_slice %arg4[%add3A_1664, %dma_start3A_1675] : memref<819200x128xf32, #tpu.memory_space<hbm>> -> memref<128x64xf32, #tpu.memory_space<hbm>>
      %dma_start3A_1677 = arith.constant 0 : i32
      %dma_start3A_1678 = arith.constant 0 : i32
      %dma_start3A_1679 = tpu.memref_slice %arg6[%dma_start3A_1665, %dma_start3A_1677, %dma_start3A_1678] : memref<10x128x64xf32, #tpu.memory_space<vmem>> -> memref<1x128x64xf32, #tpu.memory_space<vmem>>
      %dma_start3A_1680 = tpu.memref_squeeze %dma_start3A_1679 : memref<1x128x64xf32, #tpu.memory_space<vmem>> -> memref<128x64xf32, #tpu.memory_space<vmem>>
      tpu.enqueue_dma source(%dma_start3A_1680 : memref<128x64xf32, #tpu.memory_space<vmem>>) target(%dma_start3A_1676 : memref<128x64xf32, #tpu.memory_space<hbm>>) target_semaphore(%dma_start3A_1674 : memref<!tpu.dma_semaphore, #tpu.memory_space<semaphore_mem>>)
      %dma_wait3A_1681 = arith.constant 9 : i32
      %dma_wait3A_1682 = arith.constant 9 : i32
      %dma_wait3A_1683 = arith.constant 0 : i32
      %dma_wait3A_1684 = arith.constant 0 : i32
      %dma_wait3A_1685 = tpu.memref_slice %arg6[%dma_wait3A_1681, %dma_wait3A_1683, %dma_wait3A_1684] : memref<10x128x64xf32, #tpu.memory_space<vmem>> -> memref<1x128x64xf32, #tpu.memory_space<vmem>>
      %dma_wait3A_1686 = tpu.memref_squeeze %dma_wait3A_1685 : memref<1x128x64xf32, #tpu.memory_space<vmem>> -> memref<128x64xf32, #tpu.memory_space<vmem>>
      %dma_wait3A_1687 = arith.constant 0 : i32
      %dma_wait3A_1688 = arith.constant 0 : i32
      %dma_wait3A_1689 = tpu.memref_slice %arg4[%dma_wait3A_1687, %dma_wait3A_1688] : memref<819200x128xf32, #tpu.memory_space<hbm>> -> memref<128x64xf32, #tpu.memory_space<hbm>>
      %dma_wait3A_1690 = tpu.memref_slice %arg8[%dma_wait3A_1682] : memref<10x!tpu.dma_semaphore, #tpu.memory_space<semaphore_mem>> -> memref<1x!tpu.dma_semaphore, #tpu.memory_space<semaphore_mem>>
      %dma_wait3A_1691 = tpu.memref_squeeze %dma_wait3A_1690 : memref<1x!tpu.dma_semaphore, #tpu.memory_space<semaphore_mem>> -> memref<!tpu.dma_semaphore, #tpu.memory_space<semaphore_mem>>
      %dma_wait3A_1692 = arith.constant 0 : i32
      %dma_wait3A_1693 = arith.constant 0 : i32
      %dma_wait3A_1694 = tpu.memref_slice %arg4[%dma_wait3A_1692, %dma_wait3A_1693] : memref<819200x128xf32, #tpu.memory_space<hbm>> -> memref<128x64xf32, #tpu.memory_space<hbm>>
      %dma_wait3A_1695 = arith.constant 0 : i32
      %dma_wait3A_1696 = arith.constant 0 : i32
      %dma_wait3A_1697 = tpu.memref_slice %arg6[%dma_wait3A_1681, %dma_wait3A_1695, %dma_wait3A_1696] : memref<10x128x64xf32, #tpu.memory_space<vmem>> -> memref<1x128x64xf32, #tpu.memory_space<vmem>>
      %dma_wait3A_1698 = tpu.memref_squeeze %dma_wait3A_1697 : memref<1x128x64xf32, #tpu.memory_space<vmem>> -> memref<128x64xf32, #tpu.memory_space<vmem>>
      tpu.wait_dma2 semaphore(%dma_wait3A_1691 : memref<!tpu.dma_semaphore, #tpu.memory_space<semaphore_mem>>) src(%dma_wait3A_1698 : memref<128x64xf32, #tpu.memory_space<vmem>>) dst(%dma_wait3A_1694 : memref<128x64xf32, #tpu.memory_space<hbm>>)
      %add3A_1699 = arith.constant 5 : i32
      %add3A_1700 = arith.addi %add3A_1643, %add3A_1699 : i32
      %mul3A_1701 = arith.constant 128 : i32
      %mul3A_1702 = arith.muli %add3A_1700, %mul3A_1701 : i32
      %dma_start3A_1703 = arith.constant 9 : i32
      %dma_start3A_1704 = arith.constant 9 : i32
      %dma_start3A_1705 = arith.constant 0 : i32
      %dma_start3A_1706 = arith.constant 0 : i32
      %dma_start3A_1707 = tpu.memref_slice %arg6[%dma_start3A_1703, %dma_start3A_1705, %dma_start3A_1706] : memref<10x128x64xf32, #tpu.memory_space<vmem>> -> memref<1x128x64xf32, #tpu.memory_space<vmem>>
      %dma_start3A_1708 = tpu.memref_squeeze %dma_start3A_1707 : memref<1x128x64xf32, #tpu.memory_space<vmem>> -> memref<128x64xf32, #tpu.memory_space<vmem>>
      %dma_start3A_1709 = tpu.memref_slice %arg5[%mul3A_1702] : memref<25600xi32, #tpu.memory_space<vmem>> -> memref<128xi32, #tpu.memory_space<vmem>>
      %dma_start3A_1710 = arith.constant 0 : i32
      %dma_start3A_1711 = arith.constant 0 : i32
      %dma_start3A_1712 = tpu.memref_slice %arg2[%dma_start3A_1710, %dma_start3A_1711] : memref<1000000x64xf32, #tpu.memory_space<hbm>> -> memref<1000000x64xf32, #tpu.memory_space<hbm>>
      %dma_start3A_1713 = tpu.memref_slice %arg7[%dma_start3A_1704] : memref<10x!tpu.dma_semaphore, #tpu.memory_space<semaphore_mem>> -> memref<1x!tpu.dma_semaphore, #tpu.memory_space<semaphore_mem>>
      %dma_start3A_1714 = tpu.memref_squeeze %dma_start3A_1713 : memref<1x!tpu.dma_semaphore, #tpu.memory_space<semaphore_mem>> -> memref<!tpu.dma_semaphore, #tpu.memory_space<semaphore_mem>>
      tpu.enqueue_indirect_dma source(%dma_start3A_1712 : memref<1000000x64xf32, #tpu.memory_space<hbm>>) target(%dma_start3A_1708 : memref<128x64xf32, #tpu.memory_space<vmem>>) offsets(%dma_start3A_1709 : memref<128xi32, #tpu.memory_space<vmem>>) semaphore(%dma_start3A_1714 : memref<!tpu.dma_semaphore, #tpu.memory_space<semaphore_mem>>)
      %add3A_1715 = arith.constant 5 : i32
      %add3A_1716 = arith.addi %add3A_1349, %add3A_1715 : i32
      %dma_wait3A_1717 = arith.constant 5 : i32
      %dma_wait3A_1718 = arith.constant 5 : i32
      %dma_wait3A_1719 = arith.constant 0 : i32
      %dma_wait3A_1720 = arith.constant 0 : i32
      %dma_wait3A_1721 = tpu.memref_slice %arg6[%dma_wait3A_1717, %dma_wait3A_1719, %dma_wait3A_1720] : memref<10x128x64xf32, #tpu.memory_space<vmem>> -> memref<1x128x64xf32, #tpu.memory_space<vmem>>
      %dma_wait3A_1722 = tpu.memref_squeeze %dma_wait3A_1721 : memref<1x128x64xf32, #tpu.memory_space<vmem>> -> memref<128x64xf32, #tpu.memory_space<vmem>>
      %dma_wait3A_1723 = arith.constant 0 : i32
      %dma_wait3A_1724 = arith.constant 0 : i32
      %dma_wait3A_1725 = tpu.memref_slice %arg4[%dma_wait3A_1723, %dma_wait3A_1724] : memref<819200x128xf32, #tpu.memory_space<hbm>> -> memref<128x64xf32, #tpu.memory_space<hbm>>
      %dma_wait3A_1726 = tpu.memref_slice %arg7[%dma_wait3A_1718] : memref<10x!tpu.dma_semaphore, #tpu.memory_space<semaphore_mem>> -> memref<1x!tpu.dma_semaphore, #tpu.memory_space<semaphore_mem>>
      %dma_wait3A_1727 = tpu.memref_squeeze %dma_wait3A_1726 : memref<1x!tpu.dma_semaphore, #tpu.memory_space<semaphore_mem>> -> memref<!tpu.dma_semaphore, #tpu.memory_space<semaphore_mem>>
      %dma_wait3A_1728 = arith.constant 0 : i32
      %dma_wait3A_1729 = arith.constant 0 : i32
      %dma_wait3A_1730 = tpu.memref_slice %arg6[%dma_wait3A_1717, %dma_wait3A_1728, %dma_wait3A_1729] : memref<10x128x64xf32, #tpu.memory_space<vmem>> -> memref<1x128x64xf32, #tpu.memory_space<vmem>>
      %dma_wait3A_1731 = tpu.memref_squeeze %dma_wait3A_1730 : memref<1x128x64xf32, #tpu.memory_space<vmem>> -> memref<128x64xf32, #tpu.memory_space<vmem>>
      %dma_wait3A_1732 = arith.constant 0 : i32
      %dma_wait3A_1733 = arith.constant 0 : i32
      %dma_wait3A_1734 = tpu.memref_slice %arg4[%dma_wait3A_1732, %dma_wait3A_1733] : memref<819200x128xf32, #tpu.memory_space<hbm>> -> memref<128x64xf32, #tpu.memory_space<hbm>>
      tpu.wait_dma2 semaphore(%dma_wait3A_1727 : memref<!tpu.dma_semaphore, #tpu.memory_space<semaphore_mem>>) src(%dma_wait3A_1734 : memref<128x64xf32, #tpu.memory_space<hbm>>) dst(%dma_wait3A_1731 : memref<128x64xf32, #tpu.memory_space<vmem>>)
      %mul3A_1735 = arith.constant 128 : i32
      %mul3A_1736 = arith.muli %add3A_1716, %mul3A_1735 : i32
      %add3A_1737 = arith.addi %mul3A_2, %mul3A_1736 : i32
      %dma_start3A_1738 = arith.constant 5 : i32
      %dma_start3A_1739 = arith.constant 5 : i32
      %dma_start3A_1740 = arith.constant 0 : i32
      %dma_start3A_1741 = arith.constant 0 : i32
      %dma_start3A_1742 = tpu.memref_slice %arg6[%dma_start3A_1738, %dma_start3A_1740, %dma_start3A_1741] : memref<10x128x64xf32, #tpu.memory_space<vmem>> -> memref<1x128x64xf32, #tpu.memory_space<vmem>>
      %dma_start3A_1743 = tpu.memref_squeeze %dma_start3A_1742 : memref<1x128x64xf32, #tpu.memory_space<vmem>> -> memref<128x64xf32, #tpu.memory_space<vmem>>
      %dma_start3A_1744 = arith.constant 0 : i32
      %dma_start3A_1745 = tpu.memref_slice %arg4[%add3A_1737, %dma_start3A_1744] : memref<819200x128xf32, #tpu.memory_space<hbm>> -> memref<128x64xf32, #tpu.memory_space<hbm>>
      %dma_start3A_1746 = tpu.memref_slice %arg8[%dma_start3A_1739] : memref<10x!tpu.dma_semaphore, #tpu.memory_space<semaphore_mem>> -> memref<1x!tpu.dma_semaphore, #tpu.memory_space<semaphore_mem>>
      %dma_start3A_1747 = tpu.memref_squeeze %dma_start3A_1746 : memref<1x!tpu.dma_semaphore, #tpu.memory_space<semaphore_mem>> -> memref<!tpu.dma_semaphore, #tpu.memory_space<semaphore_mem>>
      %dma_start3A_1748 = arith.constant 0 : i32
      %dma_start3A_1749 = tpu.memref_slice %arg4[%add3A_1737, %dma_start3A_1748] : memref<819200x128xf32, #tpu.memory_space<hbm>> -> memref<128x64xf32, #tpu.memory_space<hbm>>
      %dma_start3A_1750 = arith.constant 0 : i32
      %dma_start3A_1751 = arith.constant 0 : i32
      %dma_start3A_1752 = tpu.memref_slice %arg6[%dma_start3A_1738, %dma_start3A_1750, %dma_start3A_1751] : memref<10x128x64xf32, #tpu.memory_space<vmem>> -> memref<1x128x64xf32, #tpu.memory_space<vmem>>
      %dma_start3A_1753 = tpu.memref_squeeze %dma_start3A_1752 : memref<1x128x64xf32, #tpu.memory_space<vmem>> -> memref<128x64xf32, #tpu.memory_space<vmem>>
      tpu.enqueue_dma source(%dma_start3A_1753 : memref<128x64xf32, #tpu.memory_space<vmem>>) target(%dma_start3A_1749 : memref<128x64xf32, #tpu.memory_space<hbm>>) target_semaphore(%dma_start3A_1747 : memref<!tpu.dma_semaphore, #tpu.memory_space<semaphore_mem>>)
      %dma_wait3A_1754 = arith.constant 0 : i32
      %dma_wait3A_1755 = arith.constant 0 : i32
      %dma_wait3A_1756 = arith.constant 0 : i32
      %dma_wait3A_1757 = arith.constant 0 : i32
      %dma_wait3A_1758 = tpu.memref_slice %arg6[%dma_wait3A_1754, %dma_wait3A_1756, %dma_wait3A_1757] : memref<10x128x64xf32, #tpu.memory_space<vmem>> -> memref<1x128x64xf32, #tpu.memory_space<vmem>>
      %dma_wait3A_1759 = tpu.memref_squeeze %dma_wait3A_1758 : memref<1x128x64xf32, #tpu.memory_space<vmem>> -> memref<128x64xf32, #tpu.memory_space<vmem>>
      %dma_wait3A_1760 = arith.constant 0 : i32
      %dma_wait3A_1761 = arith.constant 0 : i32
      %dma_wait3A_1762 = tpu.memref_slice %arg4[%dma_wait3A_1760, %dma_wait3A_1761] : memref<819200x128xf32, #tpu.memory_space<hbm>> -> memref<128x64xf32, #tpu.memory_space<hbm>>
      %dma_wait3A_1763 = tpu.memref_slice %arg8[%dma_wait3A_1755] : memref<10x!tpu.dma_semaphore, #tpu.memory_space<semaphore_mem>> -> memref<1x!tpu.dma_semaphore, #tpu.memory_space<semaphore_mem>>
      %dma_wait3A_1764 = tpu.memref_squeeze %dma_wait3A_1763 : memref<1x!tpu.dma_semaphore, #tpu.memory_space<semaphore_mem>> -> memref<!tpu.dma_semaphore, #tpu.memory_space<semaphore_mem>>
      %dma_wait3A_1765 = arith.constant 0 : i32
      %dma_wait3A_1766 = arith.constant 0 : i32
      %dma_wait3A_1767 = tpu.memref_slice %arg4[%dma_wait3A_1765, %dma_wait3A_1766] : memref<819200x128xf32, #tpu.memory_space<hbm>> -> memref<128x64xf32, #tpu.memory_space<hbm>>
      %dma_wait3A_1768 = arith.constant 0 : i32
      %dma_wait3A_1769 = arith.constant 0 : i32
      %dma_wait3A_1770 = tpu.memref_slice %arg6[%dma_wait3A_1754, %dma_wait3A_1768, %dma_wait3A_1769] : memref<10x128x64xf32, #tpu.memory_space<vmem>> -> memref<1x128x64xf32, #tpu.memory_space<vmem>>
      %dma_wait3A_1771 = tpu.memref_squeeze %dma_wait3A_1770 : memref<1x128x64xf32, #tpu.memory_space<vmem>> -> memref<128x64xf32, #tpu.memory_space<vmem>>
      tpu.wait_dma2 semaphore(%dma_wait3A_1764 : memref<!tpu.dma_semaphore, #tpu.memory_space<semaphore_mem>>) src(%dma_wait3A_1771 : memref<128x64xf32, #tpu.memory_space<vmem>>) dst(%dma_wait3A_1767 : memref<128x64xf32, #tpu.memory_space<hbm>>)
      %add3A_1772 = arith.constant 5 : i32
      %add3A_1773 = arith.addi %add3A_1716, %add3A_1772 : i32
      %mul3A_1774 = arith.constant 128 : i32
      %mul3A_1775 = arith.muli %add3A_1773, %mul3A_1774 : i32
      %dma_start3A_1776 = arith.constant 0 : i32
      %dma_start3A_1777 = arith.constant 0 : i32
      %dma_start3A_1778 = arith.constant 0 : i32
      %dma_start3A_1779 = arith.constant 0 : i32
      %dma_start3A_1780 = tpu.memref_slice %arg6[%dma_start3A_1776, %dma_start3A_1778, %dma_start3A_1779] : memref<10x128x64xf32, #tpu.memory_space<vmem>> -> memref<1x128x64xf32, #tpu.memory_space<vmem>>
      %dma_start3A_1781 = tpu.memref_squeeze %dma_start3A_1780 : memref<1x128x64xf32, #tpu.memory_space<vmem>> -> memref<128x64xf32, #tpu.memory_space<vmem>>
      %dma_start3A_1782 = tpu.memref_slice %arg5[%mul3A_1775] : memref<25600xi32, #tpu.memory_space<vmem>> -> memref<128xi32, #tpu.memory_space<vmem>>
      %dma_start3A_1783 = arith.constant 0 : i32
      %dma_start3A_1784 = arith.constant 0 : i32
      %dma_start3A_1785 = tpu.memref_slice %arg2[%dma_start3A_1783, %dma_start3A_1784] : memref<1000000x64xf32, #tpu.memory_space<hbm>> -> memref<1000000x64xf32, #tpu.memory_space<hbm>>
      %dma_start3A_1786 = tpu.memref_slice %arg7[%dma_start3A_1777] : memref<10x!tpu.dma_semaphore, #tpu.memory_space<semaphore_mem>> -> memref<1x!tpu.dma_semaphore, #tpu.memory_space<semaphore_mem>>
      %dma_start3A_1787 = tpu.memref_squeeze %dma_start3A_1786 : memref<1x!tpu.dma_semaphore, #tpu.memory_space<semaphore_mem>> -> memref<!tpu.dma_semaphore, #tpu.memory_space<semaphore_mem>>
      tpu.enqueue_indirect_dma source(%dma_start3A_1785 : memref<1000000x64xf32, #tpu.memory_space<hbm>>) target(%dma_start3A_1781 : memref<128x64xf32, #tpu.memory_space<vmem>>) offsets(%dma_start3A_1782 : memref<128xi32, #tpu.memory_space<vmem>>) semaphore(%dma_start3A_1787 : memref<!tpu.dma_semaphore, #tpu.memory_space<semaphore_mem>>)
      %add3A_1788 = arith.constant 6 : i32
      %add3A_1789 = arith.addi %add3A_1349, %add3A_1788 : i32
      %dma_wait3A_1790 = arith.constant 6 : i32
      %dma_wait3A_1791 = arith.constant 6 : i32
      %dma_wait3A_1792 = arith.constant 0 : i32
      %dma_wait3A_1793 = arith.constant 0 : i32
      %dma_wait3A_1794 = tpu.memref_slice %arg6[%dma_wait3A_1790, %dma_wait3A_1792, %dma_wait3A_1793] : memref<10x128x64xf32, #tpu.memory_space<vmem>> -> memref<1x128x64xf32, #tpu.memory_space<vmem>>
      %dma_wait3A_1795 = tpu.memref_squeeze %dma_wait3A_1794 : memref<1x128x64xf32, #tpu.memory_space<vmem>> -> memref<128x64xf32, #tpu.memory_space<vmem>>
      %dma_wait3A_1796 = arith.constant 0 : i32
      %dma_wait3A_1797 = arith.constant 0 : i32
      %dma_wait3A_1798 = tpu.memref_slice %arg4[%dma_wait3A_1796, %dma_wait3A_1797] : memref<819200x128xf32, #tpu.memory_space<hbm>> -> memref<128x64xf32, #tpu.memory_space<hbm>>
      %dma_wait3A_1799 = tpu.memref_slice %arg7[%dma_wait3A_1791] : memref<10x!tpu.dma_semaphore, #tpu.memory_space<semaphore_mem>> -> memref<1x!tpu.dma_semaphore, #tpu.memory_space<semaphore_mem>>
      %dma_wait3A_1800 = tpu.memref_squeeze %dma_wait3A_1799 : memref<1x!tpu.dma_semaphore, #tpu.memory_space<semaphore_mem>> -> memref<!tpu.dma_semaphore, #tpu.memory_space<semaphore_mem>>
      %dma_wait3A_1801 = arith.constant 0 : i32
      %dma_wait3A_1802 = arith.constant 0 : i32
      %dma_wait3A_1803 = tpu.memref_slice %arg6[%dma_wait3A_1790, %dma_wait3A_1801, %dma_wait3A_1802] : memref<10x128x64xf32, #tpu.memory_space<vmem>> -> memref<1x128x64xf32, #tpu.memory_space<vmem>>
      %dma_wait3A_1804 = tpu.memref_squeeze %dma_wait3A_1803 : memref<1x128x64xf32, #tpu.memory_space<vmem>> -> memref<128x64xf32, #tpu.memory_space<vmem>>
      %dma_wait3A_1805 = arith.constant 0 : i32
      %dma_wait3A_1806 = arith.constant 0 : i32
      %dma_wait3A_1807 = tpu.memref_slice %arg4[%dma_wait3A_1805, %dma_wait3A_1806] : memref<819200x128xf32, #tpu.memory_space<hbm>> -> memref<128x64xf32, #tpu.memory_space<hbm>>
      tpu.wait_dma2 semaphore(%dma_wait3A_1800 : memref<!tpu.dma_semaphore, #tpu.memory_space<semaphore_mem>>) src(%dma_wait3A_1807 : memref<128x64xf32, #tpu.memory_space<hbm>>) dst(%dma_wait3A_1804 : memref<128x64xf32, #tpu.memory_space<vmem>>)
      %mul3A_1808 = arith.constant 128 : i32
      %mul3A_1809 = arith.muli %add3A_1789, %mul3A_1808 : i32
      %add3A_1810 = arith.addi %mul3A_2, %mul3A_1809 : i32
      %dma_start3A_1811 = arith.constant 6 : i32
      %dma_start3A_1812 = arith.constant 6 : i32
      %dma_start3A_1813 = arith.constant 0 : i32
      %dma_start3A_1814 = arith.constant 0 : i32
      %dma_start3A_1815 = tpu.memref_slice %arg6[%dma_start3A_1811, %dma_start3A_1813, %dma_start3A_1814] : memref<10x128x64xf32, #tpu.memory_space<vmem>> -> memref<1x128x64xf32, #tpu.memory_space<vmem>>
      %dma_start3A_1816 = tpu.memref_squeeze %dma_start3A_1815 : memref<1x128x64xf32, #tpu.memory_space<vmem>> -> memref<128x64xf32, #tpu.memory_space<vmem>>
      %dma_start3A_1817 = arith.constant 0 : i32
      %dma_start3A_1818 = tpu.memref_slice %arg4[%add3A_1810, %dma_start3A_1817] : memref<819200x128xf32, #tpu.memory_space<hbm>> -> memref<128x64xf32, #tpu.memory_space<hbm>>
      %dma_start3A_1819 = tpu.memref_slice %arg8[%dma_start3A_1812] : memref<10x!tpu.dma_semaphore, #tpu.memory_space<semaphore_mem>> -> memref<1x!tpu.dma_semaphore, #tpu.memory_space<semaphore_mem>>
      %dma_start3A_1820 = tpu.memref_squeeze %dma_start3A_1819 : memref<1x!tpu.dma_semaphore, #tpu.memory_space<semaphore_mem>> -> memref<!tpu.dma_semaphore, #tpu.memory_space<semaphore_mem>>
      %dma_start3A_1821 = arith.constant 0 : i32
      %dma_start3A_1822 = tpu.memref_slice %arg4[%add3A_1810, %dma_start3A_1821] : memref<819200x128xf32, #tpu.memory_space<hbm>> -> memref<128x64xf32, #tpu.memory_space<hbm>>
      %dma_start3A_1823 = arith.constant 0 : i32
      %dma_start3A_1824 = arith.constant 0 : i32
      %dma_start3A_1825 = tpu.memref_slice %arg6[%dma_start3A_1811, %dma_start3A_1823, %dma_start3A_1824] : memref<10x128x64xf32, #tpu.memory_space<vmem>> -> memref<1x128x64xf32, #tpu.memory_space<vmem>>
      %dma_start3A_1826 = tpu.memref_squeeze %dma_start3A_1825 : memref<1x128x64xf32, #tpu.memory_space<vmem>> -> memref<128x64xf32, #tpu.memory_space<vmem>>
      tpu.enqueue_dma source(%dma_start3A_1826 : memref<128x64xf32, #tpu.memory_space<vmem>>) target(%dma_start3A_1822 : memref<128x64xf32, #tpu.memory_space<hbm>>) target_semaphore(%dma_start3A_1820 : memref<!tpu.dma_semaphore, #tpu.memory_space<semaphore_mem>>)
      %dma_wait3A_1827 = arith.constant 1 : i32
      %dma_wait3A_1828 = arith.constant 1 : i32
      %dma_wait3A_1829 = arith.constant 0 : i32
      %dma_wait3A_1830 = arith.constant 0 : i32
      %dma_wait3A_1831 = tpu.memref_slice %arg6[%dma_wait3A_1827, %dma_wait3A_1829, %dma_wait3A_1830] : memref<10x128x64xf32, #tpu.memory_space<vmem>> -> memref<1x128x64xf32, #tpu.memory_space<vmem>>
      %dma_wait3A_1832 = tpu.memref_squeeze %dma_wait3A_1831 : memref<1x128x64xf32, #tpu.memory_space<vmem>> -> memref<128x64xf32, #tpu.memory_space<vmem>>
      %dma_wait3A_1833 = arith.constant 0 : i32
      %dma_wait3A_1834 = arith.constant 0 : i32
      %dma_wait3A_1835 = tpu.memref_slice %arg4[%dma_wait3A_1833, %dma_wait3A_1834] : memref<819200x128xf32, #tpu.memory_space<hbm>> -> memref<128x64xf32, #tpu.memory_space<hbm>>
      %dma_wait3A_1836 = tpu.memref_slice %arg8[%dma_wait3A_1828] : memref<10x!tpu.dma_semaphore, #tpu.memory_space<semaphore_mem>> -> memref<1x!tpu.dma_semaphore, #tpu.memory_space<semaphore_mem>>
      %dma_wait3A_1837 = tpu.memref_squeeze %dma_wait3A_1836 : memref<1x!tpu.dma_semaphore, #tpu.memory_space<semaphore_mem>> -> memref<!tpu.dma_semaphore, #tpu.memory_space<semaphore_mem>>
      %dma_wait3A_1838 = arith.constant 0 : i32
      %dma_wait3A_1839 = arith.constant 0 : i32
      %dma_wait3A_1840 = tpu.memref_slice %arg4[%dma_wait3A_1838, %dma_wait3A_1839] : memref<819200x128xf32, #tpu.memory_space<hbm>> -> memref<128x64xf32, #tpu.memory_space<hbm>>
      %dma_wait3A_1841 = arith.constant 0 : i32
      %dma_wait3A_1842 = arith.constant 0 : i32
      %dma_wait3A_1843 = tpu.memref_slice %arg6[%dma_wait3A_1827, %dma_wait3A_1841, %dma_wait3A_1842] : memref<10x128x64xf32, #tpu.memory_space<vmem>> -> memref<1x128x64xf32, #tpu.memory_space<vmem>>
      %dma_wait3A_1844 = tpu.memref_squeeze %dma_wait3A_1843 : memref<1x128x64xf32, #tpu.memory_space<vmem>> -> memref<128x64xf32, #tpu.memory_space<vmem>>
      tpu.wait_dma2 semaphore(%dma_wait3A_1837 : memref<!tpu.dma_semaphore, #tpu.memory_space<semaphore_mem>>) src(%dma_wait3A_1844 : memref<128x64xf32, #tpu.memory_space<vmem>>) dst(%dma_wait3A_1840 : memref<128x64xf32, #tpu.memory_space<hbm>>)
      %add3A_1845 = arith.constant 5 : i32
      %add3A_1846 = arith.addi %add3A_1789, %add3A_1845 : i32
      %mul3A_1847 = arith.constant 128 : i32
      %mul3A_1848 = arith.muli %add3A_1846, %mul3A_1847 : i32
      %dma_start3A_1849 = arith.constant 1 : i32
      %dma_start3A_1850 = arith.constant 1 : i32
      %dma_start3A_1851 = arith.constant 0 : i32
      %dma_start3A_1852 = arith.constant 0 : i32
      %dma_start3A_1853 = tpu.memref_slice %arg6[%dma_start3A_1849, %dma_start3A_1851, %dma_start3A_1852] : memref<10x128x64xf32, #tpu.memory_space<vmem>> -> memref<1x128x64xf32, #tpu.memory_space<vmem>>
      %dma_start3A_1854 = tpu.memref_squeeze %dma_start3A_1853 : memref<1x128x64xf32, #tpu.memory_space<vmem>> -> memref<128x64xf32, #tpu.memory_space<vmem>>
      %dma_start3A_1855 = tpu.memref_slice %arg5[%mul3A_1848] : memref<25600xi32, #tpu.memory_space<vmem>> -> memref<128xi32, #tpu.memory_space<vmem>>
      %dma_start3A_1856 = arith.constant 0 : i32
      %dma_start3A_1857 = arith.constant 0 : i32
      %dma_start3A_1858 = tpu.memref_slice %arg2[%dma_start3A_1856, %dma_start3A_1857] : memref<1000000x64xf32, #tpu.memory_space<hbm>> -> memref<1000000x64xf32, #tpu.memory_space<hbm>>
      %dma_start3A_1859 = tpu.memref_slice %arg7[%dma_start3A_1850] : memref<10x!tpu.dma_semaphore, #tpu.memory_space<semaphore_mem>> -> memref<1x!tpu.dma_semaphore, #tpu.memory_space<semaphore_mem>>
      %dma_start3A_1860 = tpu.memref_squeeze %dma_start3A_1859 : memref<1x!tpu.dma_semaphore, #tpu.memory_space<semaphore_mem>> -> memref<!tpu.dma_semaphore, #tpu.memory_space<semaphore_mem>>
      tpu.enqueue_indirect_dma source(%dma_start3A_1858 : memref<1000000x64xf32, #tpu.memory_space<hbm>>) target(%dma_start3A_1854 : memref<128x64xf32, #tpu.memory_space<vmem>>) offsets(%dma_start3A_1855 : memref<128xi32, #tpu.memory_space<vmem>>) semaphore(%dma_start3A_1860 : memref<!tpu.dma_semaphore, #tpu.memory_space<semaphore_mem>>)
      %add3A_1861 = arith.constant 7 : i32
      %add3A_1862 = arith.addi %add3A_1349, %add3A_1861 : i32
      %dma_wait3A_1863 = arith.constant 7 : i32
      %dma_wait3A_1864 = arith.constant 7 : i32
      %dma_wait3A_1865 = arith.constant 0 : i32
      %dma_wait3A_1866 = arith.constant 0 : i32
      %dma_wait3A_1867 = tpu.memref_slice %arg6[%dma_wait3A_1863, %dma_wait3A_1865, %dma_wait3A_1866] : memref<10x128x64xf32, #tpu.memory_space<vmem>> -> memref<1x128x64xf32, #tpu.memory_space<vmem>>
      %dma_wait3A_1868 = tpu.memref_squeeze %dma_wait3A_1867 : memref<1x128x64xf32, #tpu.memory_space<vmem>> -> memref<128x64xf32, #tpu.memory_space<vmem>>
      %dma_wait3A_1869 = arith.constant 0 : i32
      %dma_wait3A_1870 = arith.constant 0 : i32
      %dma_wait3A_1871 = tpu.memref_slice %arg4[%dma_wait3A_1869, %dma_wait3A_1870] : memref<819200x128xf32, #tpu.memory_space<hbm>> -> memref<128x64xf32, #tpu.memory_space<hbm>>
      %dma_wait3A_1872 = tpu.memref_slice %arg7[%dma_wait3A_1864] : memref<10x!tpu.dma_semaphore, #tpu.memory_space<semaphore_mem>> -> memref<1x!tpu.dma_semaphore, #tpu.memory_space<semaphore_mem>>
      %dma_wait3A_1873 = tpu.memref_squeeze %dma_wait3A_1872 : memref<1x!tpu.dma_semaphore, #tpu.memory_space<semaphore_mem>> -> memref<!tpu.dma_semaphore, #tpu.memory_space<semaphore_mem>>
      %dma_wait3A_1874 = arith.constant 0 : i32
      %dma_wait3A_1875 = arith.constant 0 : i32
      %dma_wait3A_1876 = tpu.memref_slice %arg6[%dma_wait3A_1863, %dma_wait3A_1874, %dma_wait3A_1875] : memref<10x128x64xf32, #tpu.memory_space<vmem>> -> memref<1x128x64xf32, #tpu.memory_space<vmem>>
      %dma_wait3A_1877 = tpu.memref_squeeze %dma_wait3A_1876 : memref<1x128x64xf32, #tpu.memory_space<vmem>> -> memref<128x64xf32, #tpu.memory_space<vmem>>
      %dma_wait3A_1878 = arith.constant 0 : i32
      %dma_wait3A_1879 = arith.constant 0 : i32
      %dma_wait3A_1880 = tpu.memref_slice %arg4[%dma_wait3A_1878, %dma_wait3A_1879] : memref<819200x128xf32, #tpu.memory_space<hbm>> -> memref<128x64xf32, #tpu.memory_space<hbm>>
      tpu.wait_dma2 semaphore(%dma_wait3A_1873 : memref<!tpu.dma_semaphore, #tpu.memory_space<semaphore_mem>>) src(%dma_wait3A_1880 : memref<128x64xf32, #tpu.memory_space<hbm>>) dst(%dma_wait3A_1877 : memref<128x64xf32, #tpu.memory_space<vmem>>)
      %mul3A_1881 = arith.constant 128 : i32
      %mul3A_1882 = arith.muli %add3A_1862, %mul3A_1881 : i32
      %add3A_1883 = arith.addi %mul3A_2, %mul3A_1882 : i32
      %dma_start3A_1884 = arith.constant 7 : i32
      %dma_start3A_1885 = arith.constant 7 : i32
      %dma_start3A_1886 = arith.constant 0 : i32
      %dma_start3A_1887 = arith.constant 0 : i32
      %dma_start3A_1888 = tpu.memref_slice %arg6[%dma_start3A_1884, %dma_start3A_1886, %dma_start3A_1887] : memref<10x128x64xf32, #tpu.memory_space<vmem>> -> memref<1x128x64xf32, #tpu.memory_space<vmem>>
      %dma_start3A_1889 = tpu.memref_squeeze %dma_start3A_1888 : memref<1x128x64xf32, #tpu.memory_space<vmem>> -> memref<128x64xf32, #tpu.memory_space<vmem>>
      %dma_start3A_1890 = arith.constant 0 : i32
      %dma_start3A_1891 = tpu.memref_slice %arg4[%add3A_1883, %dma_start3A_1890] : memref<819200x128xf32, #tpu.memory_space<hbm>> -> memref<128x64xf32, #tpu.memory_space<hbm>>
      %dma_start3A_1892 = tpu.memref_slice %arg8[%dma_start3A_1885] : memref<10x!tpu.dma_semaphore, #tpu.memory_space<semaphore_mem>> -> memref<1x!tpu.dma_semaphore, #tpu.memory_space<semaphore_mem>>
      %dma_start3A_1893 = tpu.memref_squeeze %dma_start3A_1892 : memref<1x!tpu.dma_semaphore, #tpu.memory_space<semaphore_mem>> -> memref<!tpu.dma_semaphore, #tpu.memory_space<semaphore_mem>>
      %dma_start3A_1894 = arith.constant 0 : i32
      %dma_start3A_1895 = tpu.memref_slice %arg4[%add3A_1883, %dma_start3A_1894] : memref<819200x128xf32, #tpu.memory_space<hbm>> -> memref<128x64xf32, #tpu.memory_space<hbm>>
      %dma_start3A_1896 = arith.constant 0 : i32
      %dma_start3A_1897 = arith.constant 0 : i32
      %dma_start3A_1898 = tpu.memref_slice %arg6[%dma_start3A_1884, %dma_start3A_1896, %dma_start3A_1897] : memref<10x128x64xf32, #tpu.memory_space<vmem>> -> memref<1x128x64xf32, #tpu.memory_space<vmem>>
      %dma_start3A_1899 = tpu.memref_squeeze %dma_start3A_1898 : memref<1x128x64xf32, #tpu.memory_space<vmem>> -> memref<128x64xf32, #tpu.memory_space<vmem>>
      tpu.enqueue_dma source(%dma_start3A_1899 : memref<128x64xf32, #tpu.memory_space<vmem>>) target(%dma_start3A_1895 : memref<128x64xf32, #tpu.memory_space<hbm>>) target_semaphore(%dma_start3A_1893 : memref<!tpu.dma_semaphore, #tpu.memory_space<semaphore_mem>>)
      %dma_wait3A_1900 = arith.constant 2 : i32
      %dma_wait3A_1901 = arith.constant 2 : i32
      %dma_wait3A_1902 = arith.constant 0 : i32
      %dma_wait3A_1903 = arith.constant 0 : i32
      %dma_wait3A_1904 = tpu.memref_slice %arg6[%dma_wait3A_1900, %dma_wait3A_1902, %dma_wait3A_1903] : memref<10x128x64xf32, #tpu.memory_space<vmem>> -> memref<1x128x64xf32, #tpu.memory_space<vmem>>
      %dma_wait3A_1905 = tpu.memref_squeeze %dma_wait3A_1904 : memref<1x128x64xf32, #tpu.memory_space<vmem>> -> memref<128x64xf32, #tpu.memory_space<vmem>>
      %dma_wait3A_1906 = arith.constant 0 : i32
      %dma_wait3A_1907 = arith.constant 0 : i32
      %dma_wait3A_1908 = tpu.memref_slice %arg4[%dma_wait3A_1906, %dma_wait3A_1907] : memref<819200x128xf32, #tpu.memory_space<hbm>> -> memref<128x64xf32, #tpu.memory_space<hbm>>
      %dma_wait3A_1909 = tpu.memref_slice %arg8[%dma_wait3A_1901] : memref<10x!tpu.dma_semaphore, #tpu.memory_space<semaphore_mem>> -> memref<1x!tpu.dma_semaphore, #tpu.memory_space<semaphore_mem>>
      %dma_wait3A_1910 = tpu.memref_squeeze %dma_wait3A_1909 : memref<1x!tpu.dma_semaphore, #tpu.memory_space<semaphore_mem>> -> memref<!tpu.dma_semaphore, #tpu.memory_space<semaphore_mem>>
      %dma_wait3A_1911 = arith.constant 0 : i32
      %dma_wait3A_1912 = arith.constant 0 : i32
      %dma_wait3A_1913 = tpu.memref_slice %arg4[%dma_wait3A_1911, %dma_wait3A_1912] : memref<819200x128xf32, #tpu.memory_space<hbm>> -> memref<128x64xf32, #tpu.memory_space<hbm>>
      %dma_wait3A_1914 = arith.constant 0 : i32
      %dma_wait3A_1915 = arith.constant 0 : i32
      %dma_wait3A_1916 = tpu.memref_slice %arg6[%dma_wait3A_1900, %dma_wait3A_1914, %dma_wait3A_1915] : memref<10x128x64xf32, #tpu.memory_space<vmem>> -> memref<1x128x64xf32, #tpu.memory_space<vmem>>
      %dma_wait3A_1917 = tpu.memref_squeeze %dma_wait3A_1916 : memref<1x128x64xf32, #tpu.memory_space<vmem>> -> memref<128x64xf32, #tpu.memory_space<vmem>>
      tpu.wait_dma2 semaphore(%dma_wait3A_1910 : memref<!tpu.dma_semaphore, #tpu.memory_space<semaphore_mem>>) src(%dma_wait3A_1917 : memref<128x64xf32, #tpu.memory_space<vmem>>) dst(%dma_wait3A_1913 : memref<128x64xf32, #tpu.memory_space<hbm>>)
      %add3A_1918 = arith.constant 5 : i32
      %add3A_1919 = arith.addi %add3A_1862, %add3A_1918 : i32
      %mul3A_1920 = arith.constant 128 : i32
      %mul3A_1921 = arith.muli %add3A_1919, %mul3A_1920 : i32
      %dma_start3A_1922 = arith.constant 2 : i32
      %dma_start3A_1923 = arith.constant 2 : i32
      %dma_start3A_1924 = arith.constant 0 : i32
      %dma_start3A_1925 = arith.constant 0 : i32
      %dma_start3A_1926 = tpu.memref_slice %arg6[%dma_start3A_1922, %dma_start3A_1924, %dma_start3A_1925] : memref<10x128x64xf32, #tpu.memory_space<vmem>> -> memref<1x128x64xf32, #tpu.memory_space<vmem>>
      %dma_start3A_1927 = tpu.memref_squeeze %dma_start3A_1926 : memref<1x128x64xf32, #tpu.memory_space<vmem>> -> memref<128x64xf32, #tpu.memory_space<vmem>>
      %dma_start3A_1928 = tpu.memref_slice %arg5[%mul3A_1921] : memref<25600xi32, #tpu.memory_space<vmem>> -> memref<128xi32, #tpu.memory_space<vmem>>
      %dma_start3A_1929 = arith.constant 0 : i32
      %dma_start3A_1930 = arith.constant 0 : i32
      %dma_start3A_1931 = tpu.memref_slice %arg2[%dma_start3A_1929, %dma_start3A_1930] : memref<1000000x64xf32, #tpu.memory_space<hbm>> -> memref<1000000x64xf32, #tpu.memory_space<hbm>>
      %dma_start3A_1932 = tpu.memref_slice %arg7[%dma_start3A_1923] : memref<10x!tpu.dma_semaphore, #tpu.memory_space<semaphore_mem>> -> memref<1x!tpu.dma_semaphore, #tpu.memory_space<semaphore_mem>>
      %dma_start3A_1933 = tpu.memref_squeeze %dma_start3A_1932 : memref<1x!tpu.dma_semaphore, #tpu.memory_space<semaphore_mem>> -> memref<!tpu.dma_semaphore, #tpu.memory_space<semaphore_mem>>
      tpu.enqueue_indirect_dma source(%dma_start3A_1931 : memref<1000000x64xf32, #tpu.memory_space<hbm>>) target(%dma_start3A_1927 : memref<128x64xf32, #tpu.memory_space<vmem>>) offsets(%dma_start3A_1928 : memref<128xi32, #tpu.memory_space<vmem>>) semaphore(%dma_start3A_1933 : memref<!tpu.dma_semaphore, #tpu.memory_space<semaphore_mem>>)
      %add3A_1934 = arith.constant 8 : i32
      %add3A_1935 = arith.addi %add3A_1349, %add3A_1934 : i32
      %dma_wait3A_1936 = arith.constant 8 : i32
      %dma_wait3A_1937 = arith.constant 8 : i32
      %dma_wait3A_1938 = arith.constant 0 : i32
      %dma_wait3A_1939 = arith.constant 0 : i32
      %dma_wait3A_1940 = tpu.memref_slice %arg6[%dma_wait3A_1936, %dma_wait3A_1938, %dma_wait3A_1939] : memref<10x128x64xf32, #tpu.memory_space<vmem>> -> memref<1x128x64xf32, #tpu.memory_space<vmem>>
      %dma_wait3A_1941 = tpu.memref_squeeze %dma_wait3A_1940 : memref<1x128x64xf32, #tpu.memory_space<vmem>> -> memref<128x64xf32, #tpu.memory_space<vmem>>
      %dma_wait3A_1942 = arith.constant 0 : i32
      %dma_wait3A_1943 = arith.constant 0 : i32
      %dma_wait3A_1944 = tpu.memref_slice %arg4[%dma_wait3A_1942, %dma_wait3A_1943] : memref<819200x128xf32, #tpu.memory_space<hbm>> -> memref<128x64xf32, #tpu.memory_space<hbm>>
      %dma_wait3A_1945 = tpu.memref_slice %arg7[%dma_wait3A_1937] : memref<10x!tpu.dma_semaphore, #tpu.memory_space<semaphore_mem>> -> memref<1x!tpu.dma_semaphore, #tpu.memory_space<semaphore_mem>>
      %dma_wait3A_1946 = tpu.memref_squeeze %dma_wait3A_1945 : memref<1x!tpu.dma_semaphore, #tpu.memory_space<semaphore_mem>> -> memref<!tpu.dma_semaphore, #tpu.memory_space<semaphore_mem>>
      %dma_wait3A_1947 = arith.constant 0 : i32
      %dma_wait3A_1948 = arith.constant 0 : i32
      %dma_wait3A_1949 = tpu.memref_slice %arg6[%dma_wait3A_1936, %dma_wait3A_1947, %dma_wait3A_1948] : memref<10x128x64xf32, #tpu.memory_space<vmem>> -> memref<1x128x64xf32, #tpu.memory_space<vmem>>
      %dma_wait3A_1950 = tpu.memref_squeeze %dma_wait3A_1949 : memref<1x128x64xf32, #tpu.memory_space<vmem>> -> memref<128x64xf32, #tpu.memory_space<vmem>>
      %dma_wait3A_1951 = arith.constant 0 : i32
      %dma_wait3A_1952 = arith.constant 0 : i32
      %dma_wait3A_1953 = tpu.memref_slice %arg4[%dma_wait3A_1951, %dma_wait3A_1952] : memref<819200x128xf32, #tpu.memory_space<hbm>> -> memref<128x64xf32, #tpu.memory_space<hbm>>
      tpu.wait_dma2 semaphore(%dma_wait3A_1946 : memref<!tpu.dma_semaphore, #tpu.memory_space<semaphore_mem>>) src(%dma_wait3A_1953 : memref<128x64xf32, #tpu.memory_space<hbm>>) dst(%dma_wait3A_1950 : memref<128x64xf32, #tpu.memory_space<vmem>>)
      %mul3A_1954 = arith.constant 128 : i32
      %mul3A_1955 = arith.muli %add3A_1935, %mul3A_1954 : i32
      %add3A_1956 = arith.addi %mul3A_2, %mul3A_1955 : i32
      %dma_start3A_1957 = arith.constant 8 : i32
      %dma_start3A_1958 = arith.constant 8 : i32
      %dma_start3A_1959 = arith.constant 0 : i32
      %dma_start3A_1960 = arith.constant 0 : i32
      %dma_start3A_1961 = tpu.memref_slice %arg6[%dma_start3A_1957, %dma_start3A_1959, %dma_start3A_1960] : memref<10x128x64xf32, #tpu.memory_space<vmem>> -> memref<1x128x64xf32, #tpu.memory_space<vmem>>
      %dma_start3A_1962 = tpu.memref_squeeze %dma_start3A_1961 : memref<1x128x64xf32, #tpu.memory_space<vmem>> -> memref<128x64xf32, #tpu.memory_space<vmem>>
      %dma_start3A_1963 = arith.constant 0 : i32
      %dma_start3A_1964 = tpu.memref_slice %arg4[%add3A_1956, %dma_start3A_1963] : memref<819200x128xf32, #tpu.memory_space<hbm>> -> memref<128x64xf32, #tpu.memory_space<hbm>>
      %dma_start3A_1965 = tpu.memref_slice %arg8[%dma_start3A_1958] : memref<10x!tpu.dma_semaphore, #tpu.memory_space<semaphore_mem>> -> memref<1x!tpu.dma_semaphore, #tpu.memory_space<semaphore_mem>>
      %dma_start3A_1966 = tpu.memref_squeeze %dma_start3A_1965 : memref<1x!tpu.dma_semaphore, #tpu.memory_space<semaphore_mem>> -> memref<!tpu.dma_semaphore, #tpu.memory_space<semaphore_mem>>
      %dma_start3A_1967 = arith.constant 0 : i32
      %dma_start3A_1968 = tpu.memref_slice %arg4[%add3A_1956, %dma_start3A_1967] : memref<819200x128xf32, #tpu.memory_space<hbm>> -> memref<128x64xf32, #tpu.memory_space<hbm>>
      %dma_start3A_1969 = arith.constant 0 : i32
      %dma_start3A_1970 = arith.constant 0 : i32
      %dma_start3A_1971 = tpu.memref_slice %arg6[%dma_start3A_1957, %dma_start3A_1969, %dma_start3A_1970] : memref<10x128x64xf32, #tpu.memory_space<vmem>> -> memref<1x128x64xf32, #tpu.memory_space<vmem>>
      %dma_start3A_1972 = tpu.memref_squeeze %dma_start3A_1971 : memref<1x128x64xf32, #tpu.memory_space<vmem>> -> memref<128x64xf32, #tpu.memory_space<vmem>>
      tpu.enqueue_dma source(%dma_start3A_1972 : memref<128x64xf32, #tpu.memory_space<vmem>>) target(%dma_start3A_1968 : memref<128x64xf32, #tpu.memory_space<hbm>>) target_semaphore(%dma_start3A_1966 : memref<!tpu.dma_semaphore, #tpu.memory_space<semaphore_mem>>)
      %dma_wait3A_1973 = arith.constant 3 : i32
      %dma_wait3A_1974 = arith.constant 3 : i32
      %dma_wait3A_1975 = arith.constant 0 : i32
      %dma_wait3A_1976 = arith.constant 0 : i32
      %dma_wait3A_1977 = tpu.memref_slice %arg6[%dma_wait3A_1973, %dma_wait3A_1975, %dma_wait3A_1976] : memref<10x128x64xf32, #tpu.memory_space<vmem>> -> memref<1x128x64xf32, #tpu.memory_space<vmem>>
      %dma_wait3A_1978 = tpu.memref_squeeze %dma_wait3A_1977 : memref<1x128x64xf32, #tpu.memory_space<vmem>> -> memref<128x64xf32, #tpu.memory_space<vmem>>
      %dma_wait3A_1979 = arith.constant 0 : i32
      %dma_wait3A_1980 = arith.constant 0 : i32
      %dma_wait3A_1981 = tpu.memref_slice %arg4[%dma_wait3A_1979, %dma_wait3A_1980] : memref<819200x128xf32, #tpu.memory_space<hbm>> -> memref<128x64xf32, #tpu.memory_space<hbm>>
      %dma_wait3A_1982 = tpu.memref_slice %arg8[%dma_wait3A_1974] : memref<10x!tpu.dma_semaphore, #tpu.memory_space<semaphore_mem>> -> memref<1x!tpu.dma_semaphore, #tpu.memory_space<semaphore_mem>>
      %dma_wait3A_1983 = tpu.memref_squeeze %dma_wait3A_1982 : memref<1x!tpu.dma_semaphore, #tpu.memory_space<semaphore_mem>> -> memref<!tpu.dma_semaphore, #tpu.memory_space<semaphore_mem>>
      %dma_wait3A_1984 = arith.constant 0 : i32
      %dma_wait3A_1985 = arith.constant 0 : i32
      %dma_wait3A_1986 = tpu.memref_slice %arg4[%dma_wait3A_1984, %dma_wait3A_1985] : memref<819200x128xf32, #tpu.memory_space<hbm>> -> memref<128x64xf32, #tpu.memory_space<hbm>>
      %dma_wait3A_1987 = arith.constant 0 : i32
      %dma_wait3A_1988 = arith.constant 0 : i32
      %dma_wait3A_1989 = tpu.memref_slice %arg6[%dma_wait3A_1973, %dma_wait3A_1987, %dma_wait3A_1988] : memref<10x128x64xf32, #tpu.memory_space<vmem>> -> memref<1x128x64xf32, #tpu.memory_space<vmem>>
      %dma_wait3A_1990 = tpu.memref_squeeze %dma_wait3A_1989 : memref<1x128x64xf32, #tpu.memory_space<vmem>> -> memref<128x64xf32, #tpu.memory_space<vmem>>
      tpu.wait_dma2 semaphore(%dma_wait3A_1983 : memref<!tpu.dma_semaphore, #tpu.memory_space<semaphore_mem>>) src(%dma_wait3A_1990 : memref<128x64xf32, #tpu.memory_space<vmem>>) dst(%dma_wait3A_1986 : memref<128x64xf32, #tpu.memory_space<hbm>>)
      %add3A_1991 = arith.constant 5 : i32
      %add3A_1992 = arith.addi %add3A_1935, %add3A_1991 : i32
      %mul3A_1993 = arith.constant 128 : i32
      %mul3A_1994 = arith.muli %add3A_1992, %mul3A_1993 : i32
      %dma_start3A_1995 = arith.constant 3 : i32
      %dma_start3A_1996 = arith.constant 3 : i32
      %dma_start3A_1997 = arith.constant 0 : i32
      %dma_start3A_1998 = arith.constant 0 : i32
      %dma_start3A_1999 = tpu.memref_slice %arg6[%dma_start3A_1995, %dma_start3A_1997, %dma_start3A_1998] : memref<10x128x64xf32, #tpu.memory_space<vmem>> -> memref<1x128x64xf32, #tpu.memory_space<vmem>>
      %dma_start3A_2000 = tpu.memref_squeeze %dma_start3A_1999 : memref<1x128x64xf32, #tpu.memory_space<vmem>> -> memref<128x64xf32, #tpu.memory_space<vmem>>
      %dma_start3A_2001 = tpu.memref_slice %arg5[%mul3A_1994] : memref<25600xi32, #tpu.memory_space<vmem>> -> memref<128xi32, #tpu.memory_space<vmem>>
      %dma_start3A_2002 = arith.constant 0 : i32
      %dma_start3A_2003 = arith.constant 0 : i32
      %dma_start3A_2004 = tpu.memref_slice %arg2[%dma_start3A_2002, %dma_start3A_2003] : memref<1000000x64xf32, #tpu.memory_space<hbm>> -> memref<1000000x64xf32, #tpu.memory_space<hbm>>
      %dma_start3A_2005 = tpu.memref_slice %arg7[%dma_start3A_1996] : memref<10x!tpu.dma_semaphore, #tpu.memory_space<semaphore_mem>> -> memref<1x!tpu.dma_semaphore, #tpu.memory_space<semaphore_mem>>
      %dma_start3A_2006 = tpu.memref_squeeze %dma_start3A_2005 : memref<1x!tpu.dma_semaphore, #tpu.memory_space<semaphore_mem>> -> memref<!tpu.dma_semaphore, #tpu.memory_space<semaphore_mem>>
      tpu.enqueue_indirect_dma source(%dma_start3A_2004 : memref<1000000x64xf32, #tpu.memory_space<hbm>>) target(%dma_start3A_2000 : memref<128x64xf32, #tpu.memory_space<vmem>>) offsets(%dma_start3A_2001 : memref<128xi32, #tpu.memory_space<vmem>>) semaphore(%dma_start3A_2006 : memref<!tpu.dma_semaphore, #tpu.memory_space<semaphore_mem>>)
      %add3A_2007 = arith.constant 9 : i32
      %add3A_2008 = arith.addi %add3A_1349, %add3A_2007 : i32
      %dma_wait3A_2009 = arith.constant 9 : i32
      %dma_wait3A_2010 = arith.constant 9 : i32
      %dma_wait3A_2011 = arith.constant 0 : i32
      %dma_wait3A_2012 = arith.constant 0 : i32
      %dma_wait3A_2013 = tpu.memref_slice %arg6[%dma_wait3A_2009, %dma_wait3A_2011, %dma_wait3A_2012] : memref<10x128x64xf32, #tpu.memory_space<vmem>> -> memref<1x128x64xf32, #tpu.memory_space<vmem>>
      %dma_wait3A_2014 = tpu.memref_squeeze %dma_wait3A_2013 : memref<1x128x64xf32, #tpu.memory_space<vmem>> -> memref<128x64xf32, #tpu.memory_space<vmem>>
      %dma_wait3A_2015 = arith.constant 0 : i32
      %dma_wait3A_2016 = arith.constant 0 : i32
      %dma_wait3A_2017 = tpu.memref_slice %arg4[%dma_wait3A_2015, %dma_wait3A_2016] : memref<819200x128xf32, #tpu.memory_space<hbm>> -> memref<128x64xf32, #tpu.memory_space<hbm>>
      %dma_wait3A_2018 = tpu.memref_slice %arg7[%dma_wait3A_2010] : memref<10x!tpu.dma_semaphore, #tpu.memory_space<semaphore_mem>> -> memref<1x!tpu.dma_semaphore, #tpu.memory_space<semaphore_mem>>
      %dma_wait3A_2019 = tpu.memref_squeeze %dma_wait3A_2018 : memref<1x!tpu.dma_semaphore, #tpu.memory_space<semaphore_mem>> -> memref<!tpu.dma_semaphore, #tpu.memory_space<semaphore_mem>>
      %dma_wait3A_2020 = arith.constant 0 : i32
      %dma_wait3A_2021 = arith.constant 0 : i32
      %dma_wait3A_2022 = tpu.memref_slice %arg6[%dma_wait3A_2009, %dma_wait3A_2020, %dma_wait3A_2021] : memref<10x128x64xf32, #tpu.memory_space<vmem>> -> memref<1x128x64xf32, #tpu.memory_space<vmem>>
      %dma_wait3A_2023 = tpu.memref_squeeze %dma_wait3A_2022 : memref<1x128x64xf32, #tpu.memory_space<vmem>> -> memref<128x64xf32, #tpu.memory_space<vmem>>
      %dma_wait3A_2024 = arith.constant 0 : i32
      %dma_wait3A_2025 = arith.constant 0 : i32
      %dma_wait3A_2026 = tpu.memref_slice %arg4[%dma_wait3A_2024, %dma_wait3A_2025] : memref<819200x128xf32, #tpu.memory_space<hbm>> -> memref<128x64xf32, #tpu.memory_space<hbm>>
      tpu.wait_dma2 semaphore(%dma_wait3A_2019 : memref<!tpu.dma_semaphore, #tpu.memory_space<semaphore_mem>>) src(%dma_wait3A_2026 : memref<128x64xf32, #tpu.memory_space<hbm>>) dst(%dma_wait3A_2023 : memref<128x64xf32, #tpu.memory_space<vmem>>)
      %mul3A_2027 = arith.constant 128 : i32
      %mul3A_2028 = arith.muli %add3A_2008, %mul3A_2027 : i32
      %add3A_2029 = arith.addi %mul3A_2, %mul3A_2028 : i32
      %dma_start3A_2030 = arith.constant 9 : i32
      %dma_start3A_2031 = arith.constant 9 : i32
      %dma_start3A_2032 = arith.constant 0 : i32
      %dma_start3A_2033 = arith.constant 0 : i32
      %dma_start3A_2034 = tpu.memref_slice %arg6[%dma_start3A_2030, %dma_start3A_2032, %dma_start3A_2033] : memref<10x128x64xf32, #tpu.memory_space<vmem>> -> memref<1x128x64xf32, #tpu.memory_space<vmem>>
      %dma_start3A_2035 = tpu.memref_squeeze %dma_start3A_2034 : memref<1x128x64xf32, #tpu.memory_space<vmem>> -> memref<128x64xf32, #tpu.memory_space<vmem>>
      %dma_start3A_2036 = arith.constant 0 : i32
      %dma_start3A_2037 = tpu.memref_slice %arg4[%add3A_2029, %dma_start3A_2036] : memref<819200x128xf32, #tpu.memory_space<hbm>> -> memref<128x64xf32, #tpu.memory_space<hbm>>
      %dma_start3A_2038 = tpu.memref_slice %arg8[%dma_start3A_2031] : memref<10x!tpu.dma_semaphore, #tpu.memory_space<semaphore_mem>> -> memref<1x!tpu.dma_semaphore, #tpu.memory_space<semaphore_mem>>
      %dma_start3A_2039 = tpu.memref_squeeze %dma_start3A_2038 : memref<1x!tpu.dma_semaphore, #tpu.memory_space<semaphore_mem>> -> memref<!tpu.dma_semaphore, #tpu.memory_space<semaphore_mem>>
      %dma_start3A_2040 = arith.constant 0 : i32
      %dma_start3A_2041 = tpu.memref_slice %arg4[%add3A_2029, %dma_start3A_2040] : memref<819200x128xf32, #tpu.memory_space<hbm>> -> memref<128x64xf32, #tpu.memory_space<hbm>>
      %dma_start3A_2042 = arith.constant 0 : i32
      %dma_start3A_2043 = arith.constant 0 : i32
      %dma_start3A_2044 = tpu.memref_slice %arg6[%dma_start3A_2030, %dma_start3A_2042, %dma_start3A_2043] : memref<10x128x64xf32, #tpu.memory_space<vmem>> -> memref<1x128x64xf32, #tpu.memory_space<vmem>>
      %dma_start3A_2045 = tpu.memref_squeeze %dma_start3A_2044 : memref<1x128x64xf32, #tpu.memory_space<vmem>> -> memref<128x64xf32, #tpu.memory_space<vmem>>
      tpu.enqueue_dma source(%dma_start3A_2045 : memref<128x64xf32, #tpu.memory_space<vmem>>) target(%dma_start3A_2041 : memref<128x64xf32, #tpu.memory_space<hbm>>) target_semaphore(%dma_start3A_2039 : memref<!tpu.dma_semaphore, #tpu.memory_space<semaphore_mem>>)
      %dma_wait3A_2046 = arith.constant 4 : i32
      %dma_wait3A_2047 = arith.constant 4 : i32
      %dma_wait3A_2048 = arith.constant 0 : i32
      %dma_wait3A_2049 = arith.constant 0 : i32
      %dma_wait3A_2050 = tpu.memref_slice %arg6[%dma_wait3A_2046, %dma_wait3A_2048, %dma_wait3A_2049] : memref<10x128x64xf32, #tpu.memory_space<vmem>> -> memref<1x128x64xf32, #tpu.memory_space<vmem>>
      %dma_wait3A_2051 = tpu.memref_squeeze %dma_wait3A_2050 : memref<1x128x64xf32, #tpu.memory_space<vmem>> -> memref<128x64xf32, #tpu.memory_space<vmem>>
      %dma_wait3A_2052 = arith.constant 0 : i32
      %dma_wait3A_2053 = arith.constant 0 : i32
      %dma_wait3A_2054 = tpu.memref_slice %arg4[%dma_wait3A_2052, %dma_wait3A_2053] : memref<819200x128xf32, #tpu.memory_space<hbm>> -> memref<128x64xf32, #tpu.memory_space<hbm>>
      %dma_wait3A_2055 = tpu.memref_slice %arg8[%dma_wait3A_2047] : memref<10x!tpu.dma_semaphore, #tpu.memory_space<semaphore_mem>> -> memref<1x!tpu.dma_semaphore, #tpu.memory_space<semaphore_mem>>
      %dma_wait3A_2056 = tpu.memref_squeeze %dma_wait3A_2055 : memref<1x!tpu.dma_semaphore, #tpu.memory_space<semaphore_mem>> -> memref<!tpu.dma_semaphore, #tpu.memory_space<semaphore_mem>>
      %dma_wait3A_2057 = arith.constant 0 : i32
      %dma_wait3A_2058 = arith.constant 0 : i32
      %dma_wait3A_2059 = tpu.memref_slice %arg4[%dma_wait3A_2057, %dma_wait3A_2058] : memref<819200x128xf32, #tpu.memory_space<hbm>> -> memref<128x64xf32, #tpu.memory_space<hbm>>
      %dma_wait3A_2060 = arith.constant 0 : i32
      %dma_wait3A_2061 = arith.constant 0 : i32
      %dma_wait3A_2062 = tpu.memref_slice %arg6[%dma_wait3A_2046, %dma_wait3A_2060, %dma_wait3A_2061] : memref<10x128x64xf32, #tpu.memory_space<vmem>> -> memref<1x128x64xf32, #tpu.memory_space<vmem>>
      %dma_wait3A_2063 = tpu.memref_squeeze %dma_wait3A_2062 : memref<1x128x64xf32, #tpu.memory_space<vmem>> -> memref<128x64xf32, #tpu.memory_space<vmem>>
      tpu.wait_dma2 semaphore(%dma_wait3A_2056 : memref<!tpu.dma_semaphore, #tpu.memory_space<semaphore_mem>>) src(%dma_wait3A_2063 : memref<128x64xf32, #tpu.memory_space<vmem>>) dst(%dma_wait3A_2059 : memref<128x64xf32, #tpu.memory_space<hbm>>)
      %add3A_2064 = arith.constant 5 : i32
      %add3A_2065 = arith.addi %add3A_2008, %add3A_2064 : i32
      %mul3A_2066 = arith.constant 128 : i32
      %mul3A_2067 = arith.muli %add3A_2065, %mul3A_2066 : i32
      %dma_start3A_2068 = arith.constant 4 : i32
      %dma_start3A_2069 = arith.constant 4 : i32
      %dma_start3A_2070 = arith.constant 0 : i32
      %dma_start3A_2071 = arith.constant 0 : i32
      %dma_start3A_2072 = tpu.memref_slice %arg6[%dma_start3A_2068, %dma_start3A_2070, %dma_start3A_2071] : memref<10x128x64xf32, #tpu.memory_space<vmem>> -> memref<1x128x64xf32, #tpu.memory_space<vmem>>
      %dma_start3A_2073 = tpu.memref_squeeze %dma_start3A_2072 : memref<1x128x64xf32, #tpu.memory_space<vmem>> -> memref<128x64xf32, #tpu.memory_space<vmem>>
      %dma_start3A_2074 = tpu.memref_slice %arg5[%mul3A_2067] : memref<25600xi32, #tpu.memory_space<vmem>> -> memref<128xi32, #tpu.memory_space<vmem>>
      %dma_start3A_2075 = arith.constant 0 : i32
      %dma_start3A_2076 = arith.constant 0 : i32
      %dma_start3A_2077 = tpu.memref_slice %arg2[%dma_start3A_2075, %dma_start3A_2076] : memref<1000000x64xf32, #tpu.memory_space<hbm>> -> memref<1000000x64xf32, #tpu.memory_space<hbm>>
      %dma_start3A_2078 = tpu.memref_slice %arg7[%dma_start3A_2069] : memref<10x!tpu.dma_semaphore, #tpu.memory_space<semaphore_mem>> -> memref<1x!tpu.dma_semaphore, #tpu.memory_space<semaphore_mem>>
      %dma_start3A_2079 = tpu.memref_squeeze %dma_start3A_2078 : memref<1x!tpu.dma_semaphore, #tpu.memory_space<semaphore_mem>> -> memref<!tpu.dma_semaphore, #tpu.memory_space<semaphore_mem>>
      tpu.enqueue_indirect_dma source(%dma_start3A_2077 : memref<1000000x64xf32, #tpu.memory_space<hbm>>) target(%dma_start3A_2073 : memref<128x64xf32, #tpu.memory_space<vmem>>) offsets(%dma_start3A_2074 : memref<128xi32, #tpu.memory_space<vmem>>) semaphore(%dma_start3A_2079 : memref<!tpu.dma_semaphore, #tpu.memory_space<semaphore_mem>>)
    }
    %scan3A_649 = arith.constant 18 : i32
    %dma_wait3A_650 = arith.constant 0 : i32
    %dma_wait3A_651 = arith.constant 0 : i32
    %dma_wait3A_652 = arith.constant 0 : i32
    %dma_wait3A_653 = arith.constant 0 : i32
    %dma_wait3A_654 = tpu.memref_slice %arg6[%dma_wait3A_650, %dma_wait3A_652, %dma_wait3A_653] : memref<10x128x64xf32, #tpu.memory_space<vmem>> -> memref<1x128x64xf32, #tpu.memory_space<vmem>>
    %dma_wait3A_655 = tpu.memref_squeeze %dma_wait3A_654 : memref<1x128x64xf32, #tpu.memory_space<vmem>> -> memref<128x64xf32, #tpu.memory_space<vmem>>
    %dma_wait3A_656 = arith.constant 0 : i32
    %dma_wait3A_657 = arith.constant 0 : i32
    %dma_wait3A_658 = tpu.memref_slice %arg4[%dma_wait3A_656, %dma_wait3A_657] : memref<819200x128xf32, #tpu.memory_space<hbm>> -> memref<128x64xf32, #tpu.memory_space<hbm>>
    %dma_wait3A_659 = tpu.memref_slice %arg7[%dma_wait3A_651] : memref<10x!tpu.dma_semaphore, #tpu.memory_space<semaphore_mem>> -> memref<1x!tpu.dma_semaphore, #tpu.memory_space<semaphore_mem>>
    %dma_wait3A_660 = tpu.memref_squeeze %dma_wait3A_659 : memref<1x!tpu.dma_semaphore, #tpu.memory_space<semaphore_mem>> -> memref<!tpu.dma_semaphore, #tpu.memory_space<semaphore_mem>>
    %dma_wait3A_661 = arith.constant 0 : i32
    %dma_wait3A_662 = arith.constant 0 : i32
    %dma_wait3A_663 = tpu.memref_slice %arg6[%dma_wait3A_650, %dma_wait3A_661, %dma_wait3A_662] : memref<10x128x64xf32, #tpu.memory_space<vmem>> -> memref<1x128x64xf32, #tpu.memory_space<vmem>>
    %dma_wait3A_664 = tpu.memref_squeeze %dma_wait3A_663 : memref<1x128x64xf32, #tpu.memory_space<vmem>> -> memref<128x64xf32, #tpu.memory_space<vmem>>
    %dma_wait3A_665 = arith.constant 0 : i32
    %dma_wait3A_666 = arith.constant 0 : i32
    %dma_wait3A_667 = tpu.memref_slice %arg4[%dma_wait3A_665, %dma_wait3A_666] : memref<819200x128xf32, #tpu.memory_space<hbm>> -> memref<128x64xf32, #tpu.memory_space<hbm>>
    tpu.wait_dma2 semaphore(%dma_wait3A_660 : memref<!tpu.dma_semaphore, #tpu.memory_space<semaphore_mem>>) src(%dma_wait3A_667 : memref<128x64xf32, #tpu.memory_space<hbm>>) dst(%dma_wait3A_664 : memref<128x64xf32, #tpu.memory_space<vmem>>)
    %add3A_668 = arith.constant 24320 : i32
    %add3A_669 = arith.addi %mul3A_2, %add3A_668 : i32
    %dma_start3A_670 = arith.constant 0 : i32
    %dma_start3A_671 = arith.constant 0 : i32
    %dma_start3A_672 = arith.constant 0 : i32
    %dma_start3A_673 = arith.constant 0 : i32
    %dma_start3A_674 = tpu.memref_slice %arg6[%dma_start3A_670, %dma_start3A_672, %dma_start3A_673] : memref<10x128x64xf32, #tpu.memory_space<vmem>> -> memref<1x128x64xf32, #tpu.memory_space<vmem>>
    %dma_start3A_675 = tpu.memref_squeeze %dma_start3A_674 : memref<1x128x64xf32, #tpu.memory_space<vmem>> -> memref<128x64xf32, #tpu.memory_space<vmem>>
    %dma_start3A_676 = arith.constant 0 : i32
    %dma_start3A_677 = tpu.memref_slice %arg4[%add3A_669, %dma_start3A_676] : memref<819200x128xf32, #tpu.memory_space<hbm>> -> memref<128x64xf32, #tpu.memory_space<hbm>>
    %dma_start3A_678 = tpu.memref_slice %arg8[%dma_start3A_671] : memref<10x!tpu.dma_semaphore, #tpu.memory_space<semaphore_mem>> -> memref<1x!tpu.dma_semaphore, #tpu.memory_space<semaphore_mem>>
    %dma_start3A_679 = tpu.memref_squeeze %dma_start3A_678 : memref<1x!tpu.dma_semaphore, #tpu.memory_space<semaphore_mem>> -> memref<!tpu.dma_semaphore, #tpu.memory_space<semaphore_mem>>
    %dma_start3A_680 = arith.constant 0 : i32
    %dma_start3A_681 = tpu.memref_slice %arg4[%add3A_669, %dma_start3A_680] : memref<819200x128xf32, #tpu.memory_space<hbm>> -> memref<128x64xf32, #tpu.memory_space<hbm>>
    %dma_start3A_682 = arith.constant 0 : i32
    %dma_start3A_683 = arith.constant 0 : i32
    %dma_start3A_684 = tpu.memref_slice %arg6[%dma_start3A_670, %dma_start3A_682, %dma_start3A_683] : memref<10x128x64xf32, #tpu.memory_space<vmem>> -> memref<1x128x64xf32, #tpu.memory_space<vmem>>
    %dma_start3A_685 = tpu.memref_squeeze %dma_start3A_684 : memref<1x128x64xf32, #tpu.memory_space<vmem>> -> memref<128x64xf32, #tpu.memory_space<vmem>>
    tpu.enqueue_dma source(%dma_start3A_685 : memref<128x64xf32, #tpu.memory_space<vmem>>) target(%dma_start3A_681 : memref<128x64xf32, #tpu.memory_space<hbm>>) target_semaphore(%dma_start3A_679 : memref<!tpu.dma_semaphore, #tpu.memory_space<semaphore_mem>>)
    %dma_wait3A_686 = arith.constant 5 : i32
    %dma_wait3A_687 = arith.constant 5 : i32
    %dma_wait3A_688 = arith.constant 0 : i32
    %dma_wait3A_689 = arith.constant 0 : i32
    %dma_wait3A_690 = tpu.memref_slice %arg6[%dma_wait3A_686, %dma_wait3A_688, %dma_wait3A_689] : memref<10x128x64xf32, #tpu.memory_space<vmem>> -> memref<1x128x64xf32, #tpu.memory_space<vmem>>
    %dma_wait3A_691 = tpu.memref_squeeze %dma_wait3A_690 : memref<1x128x64xf32, #tpu.memory_space<vmem>> -> memref<128x64xf32, #tpu.memory_space<vmem>>
    %dma_wait3A_692 = arith.constant 0 : i32
    %dma_wait3A_693 = arith.constant 0 : i32
    %dma_wait3A_694 = tpu.memref_slice %arg4[%dma_wait3A_692, %dma_wait3A_693] : memref<819200x128xf32, #tpu.memory_space<hbm>> -> memref<128x64xf32, #tpu.memory_space<hbm>>
    %dma_wait3A_695 = tpu.memref_slice %arg8[%dma_wait3A_687] : memref<10x!tpu.dma_semaphore, #tpu.memory_space<semaphore_mem>> -> memref<1x!tpu.dma_semaphore, #tpu.memory_space<semaphore_mem>>
    %dma_wait3A_696 = tpu.memref_squeeze %dma_wait3A_695 : memref<1x!tpu.dma_semaphore, #tpu.memory_space<semaphore_mem>> -> memref<!tpu.dma_semaphore, #tpu.memory_space<semaphore_mem>>
    %dma_wait3A_697 = arith.constant 0 : i32
    %dma_wait3A_698 = arith.constant 0 : i32
    %dma_wait3A_699 = tpu.memref_slice %arg4[%dma_wait3A_697, %dma_wait3A_698] : memref<819200x128xf32, #tpu.memory_space<hbm>> -> memref<128x64xf32, #tpu.memory_space<hbm>>
    %dma_wait3A_700 = arith.constant 0 : i32
    %dma_wait3A_701 = arith.constant 0 : i32
    %dma_wait3A_702 = tpu.memref_slice %arg6[%dma_wait3A_686, %dma_wait3A_700, %dma_wait3A_701] : memref<10x128x64xf32, #tpu.memory_space<vmem>> -> memref<1x128x64xf32, #tpu.memory_space<vmem>>
    %dma_wait3A_703 = tpu.memref_squeeze %dma_wait3A_702 : memref<1x128x64xf32, #tpu.memory_space<vmem>> -> memref<128x64xf32, #tpu.memory_space<vmem>>
    tpu.wait_dma2 semaphore(%dma_wait3A_696 : memref<!tpu.dma_semaphore, #tpu.memory_space<semaphore_mem>>) src(%dma_wait3A_703 : memref<128x64xf32, #tpu.memory_space<vmem>>) dst(%dma_wait3A_699 : memref<128x64xf32, #tpu.memory_space<hbm>>)
    %dma_start3A_704 = arith.constant 5 : i32
    %dma_start3A_705 = arith.constant 5 : i32
    %dma_start3A_706 = arith.constant 0 : i32
    %dma_start3A_707 = arith.constant 0 : i32
    %dma_start3A_708 = tpu.memref_slice %arg6[%dma_start3A_704, %dma_start3A_706, %dma_start3A_707] : memref<10x128x64xf32, #tpu.memory_space<vmem>> -> memref<1x128x64xf32, #tpu.memory_space<vmem>>
    %dma_start3A_709 = tpu.memref_squeeze %dma_start3A_708 : memref<1x128x64xf32, #tpu.memory_space<vmem>> -> memref<128x64xf32, #tpu.memory_space<vmem>>
    %dma_start3A_710 = arith.constant 24960 : i32
    %dma_start3A_711 = tpu.memref_slice %arg5[%dma_start3A_710] : memref<25600xi32, #tpu.memory_space<vmem>> -> memref<128xi32, #tpu.memory_space<vmem>>
    %dma_start3A_712 = arith.constant 0 : i32
    %dma_start3A_713 = arith.constant 0 : i32
    %dma_start3A_714 = tpu.memref_slice %arg2[%dma_start3A_712, %dma_start3A_713] : memref<1000000x64xf32, #tpu.memory_space<hbm>> -> memref<1000000x64xf32, #tpu.memory_space<hbm>>
    %dma_start3A_715 = tpu.memref_slice %arg7[%dma_start3A_705] : memref<10x!tpu.dma_semaphore, #tpu.memory_space<semaphore_mem>> -> memref<1x!tpu.dma_semaphore, #tpu.memory_space<semaphore_mem>>
    %dma_start3A_716 = tpu.memref_squeeze %dma_start3A_715 : memref<1x!tpu.dma_semaphore, #tpu.memory_space<semaphore_mem>> -> memref<!tpu.dma_semaphore, #tpu.memory_space<semaphore_mem>>
    tpu.enqueue_indirect_dma source(%dma_start3A_714 : memref<1000000x64xf32, #tpu.memory_space<hbm>>) target(%dma_start3A_709 : memref<128x64xf32, #tpu.memory_space<vmem>>) offsets(%dma_start3A_711 : memref<128xi32, #tpu.memory_space<vmem>>) semaphore(%dma_start3A_716 : memref<!tpu.dma_semaphore, #tpu.memory_space<semaphore_mem>>)
    %dma_wait3A_717 = arith.constant 1 : i32
    %dma_wait3A_718 = arith.constant 1 : i32
    %dma_wait3A_719 = arith.constant 0 : i32
    %dma_wait3A_720 = arith.constant 0 : i32
    %dma_wait3A_721 = tpu.memref_slice %arg6[%dma_wait3A_717, %dma_wait3A_719, %dma_wait3A_720] : memref<10x128x64xf32, #tpu.memory_space<vmem>> -> memref<1x128x64xf32, #tpu.memory_space<vmem>>
    %dma_wait3A_722 = tpu.memref_squeeze %dma_wait3A_721 : memref<1x128x64xf32, #tpu.memory_space<vmem>> -> memref<128x64xf32, #tpu.memory_space<vmem>>
    %dma_wait3A_723 = arith.constant 0 : i32
    %dma_wait3A_724 = arith.constant 0 : i32
    %dma_wait3A_725 = tpu.memref_slice %arg4[%dma_wait3A_723, %dma_wait3A_724] : memref<819200x128xf32, #tpu.memory_space<hbm>> -> memref<128x64xf32, #tpu.memory_space<hbm>>
    %dma_wait3A_726 = tpu.memref_slice %arg7[%dma_wait3A_718] : memref<10x!tpu.dma_semaphore, #tpu.memory_space<semaphore_mem>> -> memref<1x!tpu.dma_semaphore, #tpu.memory_space<semaphore_mem>>
    %dma_wait3A_727 = tpu.memref_squeeze %dma_wait3A_726 : memref<1x!tpu.dma_semaphore, #tpu.memory_space<semaphore_mem>> -> memref<!tpu.dma_semaphore, #tpu.memory_space<semaphore_mem>>
    %dma_wait3A_728 = arith.constant 0 : i32
    %dma_wait3A_729 = arith.constant 0 : i32
    %dma_wait3A_730 = tpu.memref_slice %arg6[%dma_wait3A_717, %dma_wait3A_728, %dma_wait3A_729] : memref<10x128x64xf32, #tpu.memory_space<vmem>> -> memref<1x128x64xf32, #tpu.memory_space<vmem>>
    %dma_wait3A_731 = tpu.memref_squeeze %dma_wait3A_730 : memref<1x128x64xf32, #tpu.memory_space<vmem>> -> memref<128x64xf32, #tpu.memory_space<vmem>>
    %dma_wait3A_732 = arith.constant 0 : i32
    %dma_wait3A_733 = arith.constant 0 : i32
    %dma_wait3A_734 = tpu.memref_slice %arg4[%dma_wait3A_732, %dma_wait3A_733] : memref<819200x128xf32, #tpu.memory_space<hbm>> -> memref<128x64xf32, #tpu.memory_space<hbm>>
    tpu.wait_dma2 semaphore(%dma_wait3A_727 : memref<!tpu.dma_semaphore, #tpu.memory_space<semaphore_mem>>) src(%dma_wait3A_734 : memref<128x64xf32, #tpu.memory_space<hbm>>) dst(%dma_wait3A_731 : memref<128x64xf32, #tpu.memory_space<vmem>>)
    %add3A_735 = arith.constant 24448 : i32
    %add3A_736 = arith.addi %mul3A_2, %add3A_735 : i32
    %dma_start3A_737 = arith.constant 1 : i32
    %dma_start3A_738 = arith.constant 1 : i32
    %dma_start3A_739 = arith.constant 0 : i32
    %dma_start3A_740 = arith.constant 0 : i32
    %dma_start3A_741 = tpu.memref_slice %arg6[%dma_start3A_737, %dma_start3A_739, %dma_start3A_740] : memref<10x128x64xf32, #tpu.memory_space<vmem>> -> memref<1x128x64xf32, #tpu.memory_space<vmem>>
    %dma_start3A_742 = tpu.memref_squeeze %dma_start3A_741 : memref<1x128x64xf32, #tpu.memory_space<vmem>> -> memref<128x64xf32, #tpu.memory_space<vmem>>
    %dma_start3A_743 = arith.constant 0 : i32
    %dma_start3A_744 = tpu.memref_slice %arg4[%add3A_736, %dma_start3A_743] : memref<819200x128xf32, #tpu.memory_space<hbm>> -> memref<128x64xf32, #tpu.memory_space<hbm>>
    %dma_start3A_745 = tpu.memref_slice %arg8[%dma_start3A_738] : memref<10x!tpu.dma_semaphore, #tpu.memory_space<semaphore_mem>> -> memref<1x!tpu.dma_semaphore, #tpu.memory_space<semaphore_mem>>
    %dma_start3A_746 = tpu.memref_squeeze %dma_start3A_745 : memref<1x!tpu.dma_semaphore, #tpu.memory_space<semaphore_mem>> -> memref<!tpu.dma_semaphore, #tpu.memory_space<semaphore_mem>>
    %dma_start3A_747 = arith.constant 0 : i32
    %dma_start3A_748 = tpu.memref_slice %arg4[%add3A_736, %dma_start3A_747] : memref<819200x128xf32, #tpu.memory_space<hbm>> -> memref<128x64xf32, #tpu.memory_space<hbm>>
    %dma_start3A_749 = arith.constant 0 : i32
    %dma_start3A_750 = arith.constant 0 : i32
    %dma_start3A_751 = tpu.memref_slice %arg6[%dma_start3A_737, %dma_start3A_749, %dma_start3A_750] : memref<10x128x64xf32, #tpu.memory_space<vmem>> -> memref<1x128x64xf32, #tpu.memory_space<vmem>>
    %dma_start3A_752 = tpu.memref_squeeze %dma_start3A_751 : memref<1x128x64xf32, #tpu.memory_space<vmem>> -> memref<128x64xf32, #tpu.memory_space<vmem>>
    tpu.enqueue_dma source(%dma_start3A_752 : memref<128x64xf32, #tpu.memory_space<vmem>>) target(%dma_start3A_748 : memref<128x64xf32, #tpu.memory_space<hbm>>) target_semaphore(%dma_start3A_746 : memref<!tpu.dma_semaphore, #tpu.memory_space<semaphore_mem>>)
    %dma_wait3A_753 = arith.constant 6 : i32
    %dma_wait3A_754 = arith.constant 6 : i32
    %dma_wait3A_755 = arith.constant 0 : i32
    %dma_wait3A_756 = arith.constant 0 : i32
    %dma_wait3A_757 = tpu.memref_slice %arg6[%dma_wait3A_753, %dma_wait3A_755, %dma_wait3A_756] : memref<10x128x64xf32, #tpu.memory_space<vmem>> -> memref<1x128x64xf32, #tpu.memory_space<vmem>>
    %dma_wait3A_758 = tpu.memref_squeeze %dma_wait3A_757 : memref<1x128x64xf32, #tpu.memory_space<vmem>> -> memref<128x64xf32, #tpu.memory_space<vmem>>
    %dma_wait3A_759 = arith.constant 0 : i32
    %dma_wait3A_760 = arith.constant 0 : i32
    %dma_wait3A_761 = tpu.memref_slice %arg4[%dma_wait3A_759, %dma_wait3A_760] : memref<819200x128xf32, #tpu.memory_space<hbm>> -> memref<128x64xf32, #tpu.memory_space<hbm>>
    %dma_wait3A_762 = tpu.memref_slice %arg8[%dma_wait3A_754] : memref<10x!tpu.dma_semaphore, #tpu.memory_space<semaphore_mem>> -> memref<1x!tpu.dma_semaphore, #tpu.memory_space<semaphore_mem>>
    %dma_wait3A_763 = tpu.memref_squeeze %dma_wait3A_762 : memref<1x!tpu.dma_semaphore, #tpu.memory_space<semaphore_mem>> -> memref<!tpu.dma_semaphore, #tpu.memory_space<semaphore_mem>>
    %dma_wait3A_764 = arith.constant 0 : i32
    %dma_wait3A_765 = arith.constant 0 : i32
    %dma_wait3A_766 = tpu.memref_slice %arg4[%dma_wait3A_764, %dma_wait3A_765] : memref<819200x128xf32, #tpu.memory_space<hbm>> -> memref<128x64xf32, #tpu.memory_space<hbm>>
    %dma_wait3A_767 = arith.constant 0 : i32
    %dma_wait3A_768 = arith.constant 0 : i32
    %dma_wait3A_769 = tpu.memref_slice %arg6[%dma_wait3A_753, %dma_wait3A_767, %dma_wait3A_768] : memref<10x128x64xf32, #tpu.memory_space<vmem>> -> memref<1x128x64xf32, #tpu.memory_space<vmem>>
    %dma_wait3A_770 = tpu.memref_squeeze %dma_wait3A_769 : memref<1x128x64xf32, #tpu.memory_space<vmem>> -> memref<128x64xf32, #tpu.memory_space<vmem>>
    tpu.wait_dma2 semaphore(%dma_wait3A_763 : memref<!tpu.dma_semaphore, #tpu.memory_space<semaphore_mem>>) src(%dma_wait3A_770 : memref<128x64xf32, #tpu.memory_space<vmem>>) dst(%dma_wait3A_766 : memref<128x64xf32, #tpu.memory_space<hbm>>)
    %dma_start3A_771 = arith.constant 6 : i32
    %dma_start3A_772 = arith.constant 6 : i32
    %dma_start3A_773 = arith.constant 0 : i32
    %dma_start3A_774 = arith.constant 0 : i32
    %dma_start3A_775 = tpu.memref_slice %arg6[%dma_start3A_771, %dma_start3A_773, %dma_start3A_774] : memref<10x128x64xf32, #tpu.memory_space<vmem>> -> memref<1x128x64xf32, #tpu.memory_space<vmem>>
    %dma_start3A_776 = tpu.memref_squeeze %dma_start3A_775 : memref<1x128x64xf32, #tpu.memory_space<vmem>> -> memref<128x64xf32, #tpu.memory_space<vmem>>
    %dma_start3A_777 = arith.constant 25088 : i32
    %dma_start3A_778 = tpu.memref_slice %arg5[%dma_start3A_777] : memref<25600xi32, #tpu.memory_space<vmem>> -> memref<128xi32, #tpu.memory_space<vmem>>
    %dma_start3A_779 = arith.constant 0 : i32
    %dma_start3A_780 = arith.constant 0 : i32
    %dma_start3A_781 = tpu.memref_slice %arg2[%dma_start3A_779, %dma_start3A_780] : memref<1000000x64xf32, #tpu.memory_space<hbm>> -> memref<1000000x64xf32, #tpu.memory_space<hbm>>
    %dma_start3A_782 = tpu.memref_slice %arg7[%dma_start3A_772] : memref<10x!tpu.dma_semaphore, #tpu.memory_space<semaphore_mem>> -> memref<1x!tpu.dma_semaphore, #tpu.memory_space<semaphore_mem>>
    %dma_start3A_783 = tpu.memref_squeeze %dma_start3A_782 : memref<1x!tpu.dma_semaphore, #tpu.memory_space<semaphore_mem>> -> memref<!tpu.dma_semaphore, #tpu.memory_space<semaphore_mem>>
    tpu.enqueue_indirect_dma source(%dma_start3A_781 : memref<1000000x64xf32, #tpu.memory_space<hbm>>) target(%dma_start3A_776 : memref<128x64xf32, #tpu.memory_space<vmem>>) offsets(%dma_start3A_778 : memref<128xi32, #tpu.memory_space<vmem>>) semaphore(%dma_start3A_783 : memref<!tpu.dma_semaphore, #tpu.memory_space<semaphore_mem>>)
    %dma_wait3A_784 = arith.constant 2 : i32
    %dma_wait3A_785 = arith.constant 2 : i32
    %dma_wait3A_786 = arith.constant 0 : i32
    %dma_wait3A_787 = arith.constant 0 : i32
    %dma_wait3A_788 = tpu.memref_slice %arg6[%dma_wait3A_784, %dma_wait3A_786, %dma_wait3A_787] : memref<10x128x64xf32, #tpu.memory_space<vmem>> -> memref<1x128x64xf32, #tpu.memory_space<vmem>>
    %dma_wait3A_789 = tpu.memref_squeeze %dma_wait3A_788 : memref<1x128x64xf32, #tpu.memory_space<vmem>> -> memref<128x64xf32, #tpu.memory_space<vmem>>
    %dma_wait3A_790 = arith.constant 0 : i32
    %dma_wait3A_791 = arith.constant 0 : i32
    %dma_wait3A_792 = tpu.memref_slice %arg4[%dma_wait3A_790, %dma_wait3A_791] : memref<819200x128xf32, #tpu.memory_space<hbm>> -> memref<128x64xf32, #tpu.memory_space<hbm>>
    %dma_wait3A_793 = tpu.memref_slice %arg7[%dma_wait3A_785] : memref<10x!tpu.dma_semaphore, #tpu.memory_space<semaphore_mem>> -> memref<1x!tpu.dma_semaphore, #tpu.memory_space<semaphore_mem>>
    %dma_wait3A_794 = tpu.memref_squeeze %dma_wait3A_793 : memref<1x!tpu.dma_semaphore, #tpu.memory_space<semaphore_mem>> -> memref<!tpu.dma_semaphore, #tpu.memory_space<semaphore_mem>>
    %dma_wait3A_795 = arith.constant 0 : i32
    %dma_wait3A_796 = arith.constant 0 : i32
    %dma_wait3A_797 = tpu.memref_slice %arg6[%dma_wait3A_784, %dma_wait3A_795, %dma_wait3A_796] : memref<10x128x64xf32, #tpu.memory_space<vmem>> -> memref<1x128x64xf32, #tpu.memory_space<vmem>>
    %dma_wait3A_798 = tpu.memref_squeeze %dma_wait3A_797 : memref<1x128x64xf32, #tpu.memory_space<vmem>> -> memref<128x64xf32, #tpu.memory_space<vmem>>
    %dma_wait3A_799 = arith.constant 0 : i32
    %dma_wait3A_800 = arith.constant 0 : i32
    %dma_wait3A_801 = tpu.memref_slice %arg4[%dma_wait3A_799, %dma_wait3A_800] : memref<819200x128xf32, #tpu.memory_space<hbm>> -> memref<128x64xf32, #tpu.memory_space<hbm>>
    tpu.wait_dma2 semaphore(%dma_wait3A_794 : memref<!tpu.dma_semaphore, #tpu.memory_space<semaphore_mem>>) src(%dma_wait3A_801 : memref<128x64xf32, #tpu.memory_space<hbm>>) dst(%dma_wait3A_798 : memref<128x64xf32, #tpu.memory_space<vmem>>)
    %add3A_802 = arith.constant 24576 : i32
    %add3A_803 = arith.addi %mul3A_2, %add3A_802 : i32
    %dma_start3A_804 = arith.constant 2 : i32
    %dma_start3A_805 = arith.constant 2 : i32
    %dma_start3A_806 = arith.constant 0 : i32
    %dma_start3A_807 = arith.constant 0 : i32
    %dma_start3A_808 = tpu.memref_slice %arg6[%dma_start3A_804, %dma_start3A_806, %dma_start3A_807] : memref<10x128x64xf32, #tpu.memory_space<vmem>> -> memref<1x128x64xf32, #tpu.memory_space<vmem>>
    %dma_start3A_809 = tpu.memref_squeeze %dma_start3A_808 : memref<1x128x64xf32, #tpu.memory_space<vmem>> -> memref<128x64xf32, #tpu.memory_space<vmem>>
    %dma_start3A_810 = arith.constant 0 : i32
    %dma_start3A_811 = tpu.memref_slice %arg4[%add3A_803, %dma_start3A_810] : memref<819200x128xf32, #tpu.memory_space<hbm>> -> memref<128x64xf32, #tpu.memory_space<hbm>>
    %dma_start3A_812 = tpu.memref_slice %arg8[%dma_start3A_805] : memref<10x!tpu.dma_semaphore, #tpu.memory_space<semaphore_mem>> -> memref<1x!tpu.dma_semaphore, #tpu.memory_space<semaphore_mem>>
    %dma_start3A_813 = tpu.memref_squeeze %dma_start3A_812 : memref<1x!tpu.dma_semaphore, #tpu.memory_space<semaphore_mem>> -> memref<!tpu.dma_semaphore, #tpu.memory_space<semaphore_mem>>
    %dma_start3A_814 = arith.constant 0 : i32
    %dma_start3A_815 = tpu.memref_slice %arg4[%add3A_803, %dma_start3A_814] : memref<819200x128xf32, #tpu.memory_space<hbm>> -> memref<128x64xf32, #tpu.memory_space<hbm>>
    %dma_start3A_816 = arith.constant 0 : i32
    %dma_start3A_817 = arith.constant 0 : i32
    %dma_start3A_818 = tpu.memref_slice %arg6[%dma_start3A_804, %dma_start3A_816, %dma_start3A_817] : memref<10x128x64xf32, #tpu.memory_space<vmem>> -> memref<1x128x64xf32, #tpu.memory_space<vmem>>
    %dma_start3A_819 = tpu.memref_squeeze %dma_start3A_818 : memref<1x128x64xf32, #tpu.memory_space<vmem>> -> memref<128x64xf32, #tpu.memory_space<vmem>>
    tpu.enqueue_dma source(%dma_start3A_819 : memref<128x64xf32, #tpu.memory_space<vmem>>) target(%dma_start3A_815 : memref<128x64xf32, #tpu.memory_space<hbm>>) target_semaphore(%dma_start3A_813 : memref<!tpu.dma_semaphore, #tpu.memory_space<semaphore_mem>>)
    %dma_wait3A_820 = arith.constant 7 : i32
    %dma_wait3A_821 = arith.constant 7 : i32
    %dma_wait3A_822 = arith.constant 0 : i32
    %dma_wait3A_823 = arith.constant 0 : i32
    %dma_wait3A_824 = tpu.memref_slice %arg6[%dma_wait3A_820, %dma_wait3A_822, %dma_wait3A_823] : memref<10x128x64xf32, #tpu.memory_space<vmem>> -> memref<1x128x64xf32, #tpu.memory_space<vmem>>
    %dma_wait3A_825 = tpu.memref_squeeze %dma_wait3A_824 : memref<1x128x64xf32, #tpu.memory_space<vmem>> -> memref<128x64xf32, #tpu.memory_space<vmem>>
    %dma_wait3A_826 = arith.constant 0 : i32
    %dma_wait3A_827 = arith.constant 0 : i32
    %dma_wait3A_828 = tpu.memref_slice %arg4[%dma_wait3A_826, %dma_wait3A_827] : memref<819200x128xf32, #tpu.memory_space<hbm>> -> memref<128x64xf32, #tpu.memory_space<hbm>>
    %dma_wait3A_829 = tpu.memref_slice %arg8[%dma_wait3A_821] : memref<10x!tpu.dma_semaphore, #tpu.memory_space<semaphore_mem>> -> memref<1x!tpu.dma_semaphore, #tpu.memory_space<semaphore_mem>>
    %dma_wait3A_830 = tpu.memref_squeeze %dma_wait3A_829 : memref<1x!tpu.dma_semaphore, #tpu.memory_space<semaphore_mem>> -> memref<!tpu.dma_semaphore, #tpu.memory_space<semaphore_mem>>
    %dma_wait3A_831 = arith.constant 0 : i32
    %dma_wait3A_832 = arith.constant 0 : i32
    %dma_wait3A_833 = tpu.memref_slice %arg4[%dma_wait3A_831, %dma_wait3A_832] : memref<819200x128xf32, #tpu.memory_space<hbm>> -> memref<128x64xf32, #tpu.memory_space<hbm>>
    %dma_wait3A_834 = arith.constant 0 : i32
    %dma_wait3A_835 = arith.constant 0 : i32
    %dma_wait3A_836 = tpu.memref_slice %arg6[%dma_wait3A_820, %dma_wait3A_834, %dma_wait3A_835] : memref<10x128x64xf32, #tpu.memory_space<vmem>> -> memref<1x128x64xf32, #tpu.memory_space<vmem>>
    %dma_wait3A_837 = tpu.memref_squeeze %dma_wait3A_836 : memref<1x128x64xf32, #tpu.memory_space<vmem>> -> memref<128x64xf32, #tpu.memory_space<vmem>>
    tpu.wait_dma2 semaphore(%dma_wait3A_830 : memref<!tpu.dma_semaphore, #tpu.memory_space<semaphore_mem>>) src(%dma_wait3A_837 : memref<128x64xf32, #tpu.memory_space<vmem>>) dst(%dma_wait3A_833 : memref<128x64xf32, #tpu.memory_space<hbm>>)
    %dma_start3A_838 = arith.constant 7 : i32
    %dma_start3A_839 = arith.constant 7 : i32
    %dma_start3A_840 = arith.constant 0 : i32
    %dma_start3A_841 = arith.constant 0 : i32
    %dma_start3A_842 = tpu.memref_slice %arg6[%dma_start3A_838, %dma_start3A_840, %dma_start3A_841] : memref<10x128x64xf32, #tpu.memory_space<vmem>> -> memref<1x128x64xf32, #tpu.memory_space<vmem>>
    %dma_start3A_843 = tpu.memref_squeeze %dma_start3A_842 : memref<1x128x64xf32, #tpu.memory_space<vmem>> -> memref<128x64xf32, #tpu.memory_space<vmem>>
    %dma_start3A_844 = arith.constant 25216 : i32
    %dma_start3A_845 = tpu.memref_slice %arg5[%dma_start3A_844] : memref<25600xi32, #tpu.memory_space<vmem>> -> memref<128xi32, #tpu.memory_space<vmem>>
    %dma_start3A_846 = arith.constant 0 : i32
    %dma_start3A_847 = arith.constant 0 : i32
    %dma_start3A_848 = tpu.memref_slice %arg2[%dma_start3A_846, %dma_start3A_847] : memref<1000000x64xf32, #tpu.memory_space<hbm>> -> memref<1000000x64xf32, #tpu.memory_space<hbm>>
    %dma_start3A_849 = tpu.memref_slice %arg7[%dma_start3A_839] : memref<10x!tpu.dma_semaphore, #tpu.memory_space<semaphore_mem>> -> memref<1x!tpu.dma_semaphore, #tpu.memory_space<semaphore_mem>>
    %dma_start3A_850 = tpu.memref_squeeze %dma_start3A_849 : memref<1x!tpu.dma_semaphore, #tpu.memory_space<semaphore_mem>> -> memref<!tpu.dma_semaphore, #tpu.memory_space<semaphore_mem>>
    tpu.enqueue_indirect_dma source(%dma_start3A_848 : memref<1000000x64xf32, #tpu.memory_space<hbm>>) target(%dma_start3A_843 : memref<128x64xf32, #tpu.memory_space<vmem>>) offsets(%dma_start3A_845 : memref<128xi32, #tpu.memory_space<vmem>>) semaphore(%dma_start3A_850 : memref<!tpu.dma_semaphore, #tpu.memory_space<semaphore_mem>>)
    %dma_wait3A_851 = arith.constant 3 : i32
    %dma_wait3A_852 = arith.constant 3 : i32
    %dma_wait3A_853 = arith.constant 0 : i32
    %dma_wait3A_854 = arith.constant 0 : i32
    %dma_wait3A_855 = tpu.memref_slice %arg6[%dma_wait3A_851, %dma_wait3A_853, %dma_wait3A_854] : memref<10x128x64xf32, #tpu.memory_space<vmem>> -> memref<1x128x64xf32, #tpu.memory_space<vmem>>
    %dma_wait3A_856 = tpu.memref_squeeze %dma_wait3A_855 : memref<1x128x64xf32, #tpu.memory_space<vmem>> -> memref<128x64xf32, #tpu.memory_space<vmem>>
    %dma_wait3A_857 = arith.constant 0 : i32
    %dma_wait3A_858 = arith.constant 0 : i32
    %dma_wait3A_859 = tpu.memref_slice %arg4[%dma_wait3A_857, %dma_wait3A_858] : memref<819200x128xf32, #tpu.memory_space<hbm>> -> memref<128x64xf32, #tpu.memory_space<hbm>>
    %dma_wait3A_860 = tpu.memref_slice %arg7[%dma_wait3A_852] : memref<10x!tpu.dma_semaphore, #tpu.memory_space<semaphore_mem>> -> memref<1x!tpu.dma_semaphore, #tpu.memory_space<semaphore_mem>>
    %dma_wait3A_861 = tpu.memref_squeeze %dma_wait3A_860 : memref<1x!tpu.dma_semaphore, #tpu.memory_space<semaphore_mem>> -> memref<!tpu.dma_semaphore, #tpu.memory_space<semaphore_mem>>
    %dma_wait3A_862 = arith.constant 0 : i32
    %dma_wait3A_863 = arith.constant 0 : i32
    %dma_wait3A_864 = tpu.memref_slice %arg6[%dma_wait3A_851, %dma_wait3A_862, %dma_wait3A_863] : memref<10x128x64xf32, #tpu.memory_space<vmem>> -> memref<1x128x64xf32, #tpu.memory_space<vmem>>
    %dma_wait3A_865 = tpu.memref_squeeze %dma_wait3A_864 : memref<1x128x64xf32, #tpu.memory_space<vmem>> -> memref<128x64xf32, #tpu.memory_space<vmem>>
    %dma_wait3A_866 = arith.constant 0 : i32
    %dma_wait3A_867 = arith.constant 0 : i32
    %dma_wait3A_868 = tpu.memref_slice %arg4[%dma_wait3A_866, %dma_wait3A_867] : memref<819200x128xf32, #tpu.memory_space<hbm>> -> memref<128x64xf32, #tpu.memory_space<hbm>>
    tpu.wait_dma2 semaphore(%dma_wait3A_861 : memref<!tpu.dma_semaphore, #tpu.memory_space<semaphore_mem>>) src(%dma_wait3A_868 : memref<128x64xf32, #tpu.memory_space<hbm>>) dst(%dma_wait3A_865 : memref<128x64xf32, #tpu.memory_space<vmem>>)
    %add3A_869 = arith.constant 24704 : i32
    %add3A_870 = arith.addi %mul3A_2, %add3A_869 : i32
    %dma_start3A_871 = arith.constant 3 : i32
    %dma_start3A_872 = arith.constant 3 : i32
    %dma_start3A_873 = arith.constant 0 : i32
    %dma_start3A_874 = arith.constant 0 : i32
    %dma_start3A_875 = tpu.memref_slice %arg6[%dma_start3A_871, %dma_start3A_873, %dma_start3A_874] : memref<10x128x64xf32, #tpu.memory_space<vmem>> -> memref<1x128x64xf32, #tpu.memory_space<vmem>>
    %dma_start3A_876 = tpu.memref_squeeze %dma_start3A_875 : memref<1x128x64xf32, #tpu.memory_space<vmem>> -> memref<128x64xf32, #tpu.memory_space<vmem>>
    %dma_start3A_877 = arith.constant 0 : i32
    %dma_start3A_878 = tpu.memref_slice %arg4[%add3A_870, %dma_start3A_877] : memref<819200x128xf32, #tpu.memory_space<hbm>> -> memref<128x64xf32, #tpu.memory_space<hbm>>
    %dma_start3A_879 = tpu.memref_slice %arg8[%dma_start3A_872] : memref<10x!tpu.dma_semaphore, #tpu.memory_space<semaphore_mem>> -> memref<1x!tpu.dma_semaphore, #tpu.memory_space<semaphore_mem>>
    %dma_start3A_880 = tpu.memref_squeeze %dma_start3A_879 : memref<1x!tpu.dma_semaphore, #tpu.memory_space<semaphore_mem>> -> memref<!tpu.dma_semaphore, #tpu.memory_space<semaphore_mem>>
    %dma_start3A_881 = arith.constant 0 : i32
    %dma_start3A_882 = tpu.memref_slice %arg4[%add3A_870, %dma_start3A_881] : memref<819200x128xf32, #tpu.memory_space<hbm>> -> memref<128x64xf32, #tpu.memory_space<hbm>>
    %dma_start3A_883 = arith.constant 0 : i32
    %dma_start3A_884 = arith.constant 0 : i32
    %dma_start3A_885 = tpu.memref_slice %arg6[%dma_start3A_871, %dma_start3A_883, %dma_start3A_884] : memref<10x128x64xf32, #tpu.memory_space<vmem>> -> memref<1x128x64xf32, #tpu.memory_space<vmem>>
    %dma_start3A_886 = tpu.memref_squeeze %dma_start3A_885 : memref<1x128x64xf32, #tpu.memory_space<vmem>> -> memref<128x64xf32, #tpu.memory_space<vmem>>
    tpu.enqueue_dma source(%dma_start3A_886 : memref<128x64xf32, #tpu.memory_space<vmem>>) target(%dma_start3A_882 : memref<128x64xf32, #tpu.memory_space<hbm>>) target_semaphore(%dma_start3A_880 : memref<!tpu.dma_semaphore, #tpu.memory_space<semaphore_mem>>)
    %dma_wait3A_887 = arith.constant 8 : i32
    %dma_wait3A_888 = arith.constant 8 : i32
    %dma_wait3A_889 = arith.constant 0 : i32
    %dma_wait3A_890 = arith.constant 0 : i32
    %dma_wait3A_891 = tpu.memref_slice %arg6[%dma_wait3A_887, %dma_wait3A_889, %dma_wait3A_890] : memref<10x128x64xf32, #tpu.memory_space<vmem>> -> memref<1x128x64xf32, #tpu.memory_space<vmem>>
    %dma_wait3A_892 = tpu.memref_squeeze %dma_wait3A_891 : memref<1x128x64xf32, #tpu.memory_space<vmem>> -> memref<128x64xf32, #tpu.memory_space<vmem>>
    %dma_wait3A_893 = arith.constant 0 : i32
    %dma_wait3A_894 = arith.constant 0 : i32
    %dma_wait3A_895 = tpu.memref_slice %arg4[%dma_wait3A_893, %dma_wait3A_894] : memref<819200x128xf32, #tpu.memory_space<hbm>> -> memref<128x64xf32, #tpu.memory_space<hbm>>
    %dma_wait3A_896 = tpu.memref_slice %arg8[%dma_wait3A_888] : memref<10x!tpu.dma_semaphore, #tpu.memory_space<semaphore_mem>> -> memref<1x!tpu.dma_semaphore, #tpu.memory_space<semaphore_mem>>
    %dma_wait3A_897 = tpu.memref_squeeze %dma_wait3A_896 : memref<1x!tpu.dma_semaphore, #tpu.memory_space<semaphore_mem>> -> memref<!tpu.dma_semaphore, #tpu.memory_space<semaphore_mem>>
    %dma_wait3A_898 = arith.constant 0 : i32
    %dma_wait3A_899 = arith.constant 0 : i32
    %dma_wait3A_900 = tpu.memref_slice %arg4[%dma_wait3A_898, %dma_wait3A_899] : memref<819200x128xf32, #tpu.memory_space<hbm>> -> memref<128x64xf32, #tpu.memory_space<hbm>>
    %dma_wait3A_901 = arith.constant 0 : i32
    %dma_wait3A_902 = arith.constant 0 : i32
    %dma_wait3A_903 = tpu.memref_slice %arg6[%dma_wait3A_887, %dma_wait3A_901, %dma_wait3A_902] : memref<10x128x64xf32, #tpu.memory_space<vmem>> -> memref<1x128x64xf32, #tpu.memory_space<vmem>>
    %dma_wait3A_904 = tpu.memref_squeeze %dma_wait3A_903 : memref<1x128x64xf32, #tpu.memory_space<vmem>> -> memref<128x64xf32, #tpu.memory_space<vmem>>
    tpu.wait_dma2 semaphore(%dma_wait3A_897 : memref<!tpu.dma_semaphore, #tpu.memory_space<semaphore_mem>>) src(%dma_wait3A_904 : memref<128x64xf32, #tpu.memory_space<vmem>>) dst(%dma_wait3A_900 : memref<128x64xf32, #tpu.memory_space<hbm>>)
    %dma_start3A_905 = arith.constant 8 : i32
    %dma_start3A_906 = arith.constant 8 : i32
    %dma_start3A_907 = arith.constant 0 : i32
    %dma_start3A_908 = arith.constant 0 : i32
    %dma_start3A_909 = tpu.memref_slice %arg6[%dma_start3A_905, %dma_start3A_907, %dma_start3A_908] : memref<10x128x64xf32, #tpu.memory_space<vmem>> -> memref<1x128x64xf32, #tpu.memory_space<vmem>>
    %dma_start3A_910 = tpu.memref_squeeze %dma_start3A_909 : memref<1x128x64xf32, #tpu.memory_space<vmem>> -> memref<128x64xf32, #tpu.memory_space<vmem>>
    %dma_start3A_911 = arith.constant 25344 : i32
    %dma_start3A_912 = tpu.memref_slice %arg5[%dma_start3A_911] : memref<25600xi32, #tpu.memory_space<vmem>> -> memref<128xi32, #tpu.memory_space<vmem>>
    %dma_start3A_913 = arith.constant 0 : i32
    %dma_start3A_914 = arith.constant 0 : i32
    %dma_start3A_915 = tpu.memref_slice %arg2[%dma_start3A_913, %dma_start3A_914] : memref<1000000x64xf32, #tpu.memory_space<hbm>> -> memref<1000000x64xf32, #tpu.memory_space<hbm>>
    %dma_start3A_916 = tpu.memref_slice %arg7[%dma_start3A_906] : memref<10x!tpu.dma_semaphore, #tpu.memory_space<semaphore_mem>> -> memref<1x!tpu.dma_semaphore, #tpu.memory_space<semaphore_mem>>
    %dma_start3A_917 = tpu.memref_squeeze %dma_start3A_916 : memref<1x!tpu.dma_semaphore, #tpu.memory_space<semaphore_mem>> -> memref<!tpu.dma_semaphore, #tpu.memory_space<semaphore_mem>>
    tpu.enqueue_indirect_dma source(%dma_start3A_915 : memref<1000000x64xf32, #tpu.memory_space<hbm>>) target(%dma_start3A_910 : memref<128x64xf32, #tpu.memory_space<vmem>>) offsets(%dma_start3A_912 : memref<128xi32, #tpu.memory_space<vmem>>) semaphore(%dma_start3A_917 : memref<!tpu.dma_semaphore, #tpu.memory_space<semaphore_mem>>)
    %dma_wait3A_918 = arith.constant 4 : i32
    %dma_wait3A_919 = arith.constant 4 : i32
    %dma_wait3A_920 = arith.constant 0 : i32
    %dma_wait3A_921 = arith.constant 0 : i32
    %dma_wait3A_922 = tpu.memref_slice %arg6[%dma_wait3A_918, %dma_wait3A_920, %dma_wait3A_921] : memref<10x128x64xf32, #tpu.memory_space<vmem>> -> memref<1x128x64xf32, #tpu.memory_space<vmem>>
    %dma_wait3A_923 = tpu.memref_squeeze %dma_wait3A_922 : memref<1x128x64xf32, #tpu.memory_space<vmem>> -> memref<128x64xf32, #tpu.memory_space<vmem>>
    %dma_wait3A_924 = arith.constant 0 : i32
    %dma_wait3A_925 = arith.constant 0 : i32
    %dma_wait3A_926 = tpu.memref_slice %arg4[%dma_wait3A_924, %dma_wait3A_925] : memref<819200x128xf32, #tpu.memory_space<hbm>> -> memref<128x64xf32, #tpu.memory_space<hbm>>
    %dma_wait3A_927 = tpu.memref_slice %arg7[%dma_wait3A_919] : memref<10x!tpu.dma_semaphore, #tpu.memory_space<semaphore_mem>> -> memref<1x!tpu.dma_semaphore, #tpu.memory_space<semaphore_mem>>
    %dma_wait3A_928 = tpu.memref_squeeze %dma_wait3A_927 : memref<1x!tpu.dma_semaphore, #tpu.memory_space<semaphore_mem>> -> memref<!tpu.dma_semaphore, #tpu.memory_space<semaphore_mem>>
    %dma_wait3A_929 = arith.constant 0 : i32
    %dma_wait3A_930 = arith.constant 0 : i32
    %dma_wait3A_931 = tpu.memref_slice %arg6[%dma_wait3A_918, %dma_wait3A_929, %dma_wait3A_930] : memref<10x128x64xf32, #tpu.memory_space<vmem>> -> memref<1x128x64xf32, #tpu.memory_space<vmem>>
    %dma_wait3A_932 = tpu.memref_squeeze %dma_wait3A_931 : memref<1x128x64xf32, #tpu.memory_space<vmem>> -> memref<128x64xf32, #tpu.memory_space<vmem>>
    %dma_wait3A_933 = arith.constant 0 : i32
    %dma_wait3A_934 = arith.constant 0 : i32
    %dma_wait3A_935 = tpu.memref_slice %arg4[%dma_wait3A_933, %dma_wait3A_934] : memref<819200x128xf32, #tpu.memory_space<hbm>> -> memref<128x64xf32, #tpu.memory_space<hbm>>
    tpu.wait_dma2 semaphore(%dma_wait3A_928 : memref<!tpu.dma_semaphore, #tpu.memory_space<semaphore_mem>>) src(%dma_wait3A_935 : memref<128x64xf32, #tpu.memory_space<hbm>>) dst(%dma_wait3A_932 : memref<128x64xf32, #tpu.memory_space<vmem>>)
    %add3A_936 = arith.constant 24832 : i32
    %add3A_937 = arith.addi %mul3A_2, %add3A_936 : i32
    %dma_start3A_938 = arith.constant 4 : i32
    %dma_start3A_939 = arith.constant 4 : i32
    %dma_start3A_940 = arith.constant 0 : i32
    %dma_start3A_941 = arith.constant 0 : i32
    %dma_start3A_942 = tpu.memref_slice %arg6[%dma_start3A_938, %dma_start3A_940, %dma_start3A_941] : memref<10x128x64xf32, #tpu.memory_space<vmem>> -> memref<1x128x64xf32, #tpu.memory_space<vmem>>
    %dma_start3A_943 = tpu.memref_squeeze %dma_start3A_942 : memref<1x128x64xf32, #tpu.memory_space<vmem>> -> memref<128x64xf32, #tpu.memory_space<vmem>>
    %dma_start3A_944 = arith.constant 0 : i32
    %dma_start3A_945 = tpu.memref_slice %arg4[%add3A_937, %dma_start3A_944] : memref<819200x128xf32, #tpu.memory_space<hbm>> -> memref<128x64xf32, #tpu.memory_space<hbm>>
    %dma_start3A_946 = tpu.memref_slice %arg8[%dma_start3A_939] : memref<10x!tpu.dma_semaphore, #tpu.memory_space<semaphore_mem>> -> memref<1x!tpu.dma_semaphore, #tpu.memory_space<semaphore_mem>>
    %dma_start3A_947 = tpu.memref_squeeze %dma_start3A_946 : memref<1x!tpu.dma_semaphore, #tpu.memory_space<semaphore_mem>> -> memref<!tpu.dma_semaphore, #tpu.memory_space<semaphore_mem>>
    %dma_start3A_948 = arith.constant 0 : i32
    %dma_start3A_949 = tpu.memref_slice %arg4[%add3A_937, %dma_start3A_948] : memref<819200x128xf32, #tpu.memory_space<hbm>> -> memref<128x64xf32, #tpu.memory_space<hbm>>
    %dma_start3A_950 = arith.constant 0 : i32
    %dma_start3A_951 = arith.constant 0 : i32
    %dma_start3A_952 = tpu.memref_slice %arg6[%dma_start3A_938, %dma_start3A_950, %dma_start3A_951] : memref<10x128x64xf32, #tpu.memory_space<vmem>> -> memref<1x128x64xf32, #tpu.memory_space<vmem>>
    %dma_start3A_953 = tpu.memref_squeeze %dma_start3A_952 : memref<1x128x64xf32, #tpu.memory_space<vmem>> -> memref<128x64xf32, #tpu.memory_space<vmem>>
    tpu.enqueue_dma source(%dma_start3A_953 : memref<128x64xf32, #tpu.memory_space<vmem>>) target(%dma_start3A_949 : memref<128x64xf32, #tpu.memory_space<hbm>>) target_semaphore(%dma_start3A_947 : memref<!tpu.dma_semaphore, #tpu.memory_space<semaphore_mem>>)
    %dma_wait3A_954 = arith.constant 9 : i32
    %dma_wait3A_955 = arith.constant 9 : i32
    %dma_wait3A_956 = arith.constant 0 : i32
    %dma_wait3A_957 = arith.constant 0 : i32
    %dma_wait3A_958 = tpu.memref_slice %arg6[%dma_wait3A_954, %dma_wait3A_956, %dma_wait3A_957] : memref<10x128x64xf32, #tpu.memory_space<vmem>> -> memref<1x128x64xf32, #tpu.memory_space<vmem>>
    %dma_wait3A_959 = tpu.memref_squeeze %dma_wait3A_958 : memref<1x128x64xf32, #tpu.memory_space<vmem>> -> memref<128x64xf32, #tpu.memory_space<vmem>>
    %dma_wait3A_960 = arith.constant 0 : i32
    %dma_wait3A_961 = arith.constant 0 : i32
    %dma_wait3A_962 = tpu.memref_slice %arg4[%dma_wait3A_960, %dma_wait3A_961] : memref<819200x128xf32, #tpu.memory_space<hbm>> -> memref<128x64xf32, #tpu.memory_space<hbm>>
    %dma_wait3A_963 = tpu.memref_slice %arg8[%dma_wait3A_955] : memref<10x!tpu.dma_semaphore, #tpu.memory_space<semaphore_mem>> -> memref<1x!tpu.dma_semaphore, #tpu.memory_space<semaphore_mem>>
    %dma_wait3A_964 = tpu.memref_squeeze %dma_wait3A_963 : memref<1x!tpu.dma_semaphore, #tpu.memory_space<semaphore_mem>> -> memref<!tpu.dma_semaphore, #tpu.memory_space<semaphore_mem>>
    %dma_wait3A_965 = arith.constant 0 : i32
    %dma_wait3A_966 = arith.constant 0 : i32
    %dma_wait3A_967 = tpu.memref_slice %arg4[%dma_wait3A_965, %dma_wait3A_966] : memref<819200x128xf32, #tpu.memory_space<hbm>> -> memref<128x64xf32, #tpu.memory_space<hbm>>
    %dma_wait3A_968 = arith.constant 0 : i32
    %dma_wait3A_969 = arith.constant 0 : i32
    %dma_wait3A_970 = tpu.memref_slice %arg6[%dma_wait3A_954, %dma_wait3A_968, %dma_wait3A_969] : memref<10x128x64xf32, #tpu.memory_space<vmem>> -> memref<1x128x64xf32, #tpu.memory_space<vmem>>
    %dma_wait3A_971 = tpu.memref_squeeze %dma_wait3A_970 : memref<1x128x64xf32, #tpu.memory_space<vmem>> -> memref<128x64xf32, #tpu.memory_space<vmem>>
    tpu.wait_dma2 semaphore(%dma_wait3A_964 : memref<!tpu.dma_semaphore, #tpu.memory_space<semaphore_mem>>) src(%dma_wait3A_971 : memref<128x64xf32, #tpu.memory_space<vmem>>) dst(%dma_wait3A_967 : memref<128x64xf32, #tpu.memory_space<hbm>>)
    %dma_start3A_972 = arith.constant 9 : i32
    %dma_start3A_973 = arith.constant 9 : i32
    %dma_start3A_974 = arith.constant 0 : i32
    %dma_start3A_975 = arith.constant 0 : i32
    %dma_start3A_976 = tpu.memref_slice %arg6[%dma_start3A_972, %dma_start3A_974, %dma_start3A_975] : memref<10x128x64xf32, #tpu.memory_space<vmem>> -> memref<1x128x64xf32, #tpu.memory_space<vmem>>
    %dma_start3A_977 = tpu.memref_squeeze %dma_start3A_976 : memref<1x128x64xf32, #tpu.memory_space<vmem>> -> memref<128x64xf32, #tpu.memory_space<vmem>>
    %dma_start3A_978 = arith.constant 25472 : i32
    %dma_start3A_979 = tpu.memref_slice %arg5[%dma_start3A_978] : memref<25600xi32, #tpu.memory_space<vmem>> -> memref<128xi32, #tpu.memory_space<vmem>>
    %dma_start3A_980 = arith.constant 0 : i32
    %dma_start3A_981 = arith.constant 0 : i32
    %dma_start3A_982 = tpu.memref_slice %arg2[%dma_start3A_980, %dma_start3A_981] : memref<1000000x64xf32, #tpu.memory_space<hbm>> -> memref<1000000x64xf32, #tpu.memory_space<hbm>>
    %dma_start3A_983 = tpu.memref_slice %arg7[%dma_start3A_973] : memref<10x!tpu.dma_semaphore, #tpu.memory_space<semaphore_mem>> -> memref<1x!tpu.dma_semaphore, #tpu.memory_space<semaphore_mem>>
    %dma_start3A_984 = tpu.memref_squeeze %dma_start3A_983 : memref<1x!tpu.dma_semaphore, #tpu.memory_space<semaphore_mem>> -> memref<!tpu.dma_semaphore, #tpu.memory_space<semaphore_mem>>
    tpu.enqueue_indirect_dma source(%dma_start3A_982 : memref<1000000x64xf32, #tpu.memory_space<hbm>>) target(%dma_start3A_977 : memref<128x64xf32, #tpu.memory_space<vmem>>) offsets(%dma_start3A_979 : memref<128xi32, #tpu.memory_space<vmem>>) semaphore(%dma_start3A_984 : memref<!tpu.dma_semaphore, #tpu.memory_space<semaphore_mem>>)
    %dma_wait3A_985 = arith.constant 5 : i32
    %dma_wait3A_986 = arith.constant 5 : i32
    %dma_wait3A_987 = arith.constant 0 : i32
    %dma_wait3A_988 = arith.constant 0 : i32
    %dma_wait3A_989 = tpu.memref_slice %arg6[%dma_wait3A_985, %dma_wait3A_987, %dma_wait3A_988] : memref<10x128x64xf32, #tpu.memory_space<vmem>> -> memref<1x128x64xf32, #tpu.memory_space<vmem>>
    %dma_wait3A_990 = tpu.memref_squeeze %dma_wait3A_989 : memref<1x128x64xf32, #tpu.memory_space<vmem>> -> memref<128x64xf32, #tpu.memory_space<vmem>>
    %dma_wait3A_991 = arith.constant 0 : i32
    %dma_wait3A_992 = arith.constant 0 : i32
    %dma_wait3A_993 = tpu.memref_slice %arg4[%dma_wait3A_991, %dma_wait3A_992] : memref<819200x128xf32, #tpu.memory_space<hbm>> -> memref<128x64xf32, #tpu.memory_space<hbm>>
    %dma_wait3A_994 = tpu.memref_slice %arg7[%dma_wait3A_986] : memref<10x!tpu.dma_semaphore, #tpu.memory_space<semaphore_mem>> -> memref<1x!tpu.dma_semaphore, #tpu.memory_space<semaphore_mem>>
    %dma_wait3A_995 = tpu.memref_squeeze %dma_wait3A_994 : memref<1x!tpu.dma_semaphore, #tpu.memory_space<semaphore_mem>> -> memref<!tpu.dma_semaphore, #tpu.memory_space<semaphore_mem>>
    %dma_wait3A_996 = arith.constant 0 : i32
    %dma_wait3A_997 = arith.constant 0 : i32
    %dma_wait3A_998 = tpu.memref_slice %arg6[%dma_wait3A_985, %dma_wait3A_996, %dma_wait3A_997] : memref<10x128x64xf32, #tpu.memory_space<vmem>> -> memref<1x128x64xf32, #tpu.memory_space<vmem>>
    %dma_wait3A_999 = tpu.memref_squeeze %dma_wait3A_998 : memref<1x128x64xf32, #tpu.memory_space<vmem>> -> memref<128x64xf32, #tpu.memory_space<vmem>>
    %dma_wait3A_1000 = arith.constant 0 : i32
    %dma_wait3A_1001 = arith.constant 0 : i32
    %dma_wait3A_1002 = tpu.memref_slice %arg4[%dma_wait3A_1000, %dma_wait3A_1001] : memref<819200x128xf32, #tpu.memory_space<hbm>> -> memref<128x64xf32, #tpu.memory_space<hbm>>
    tpu.wait_dma2 semaphore(%dma_wait3A_995 : memref<!tpu.dma_semaphore, #tpu.memory_space<semaphore_mem>>) src(%dma_wait3A_1002 : memref<128x64xf32, #tpu.memory_space<hbm>>) dst(%dma_wait3A_999 : memref<128x64xf32, #tpu.memory_space<vmem>>)
    %add3A_1003 = arith.constant 24960 : i32
    %add3A_1004 = arith.addi %mul3A_2, %add3A_1003 : i32
    %dma_start3A_1005 = arith.constant 5 : i32
    %dma_start3A_1006 = arith.constant 5 : i32
    %dma_start3A_1007 = arith.constant 0 : i32
    %dma_start3A_1008 = arith.constant 0 : i32
    %dma_start3A_1009 = tpu.memref_slice %arg6[%dma_start3A_1005, %dma_start3A_1007, %dma_start3A_1008] : memref<10x128x64xf32, #tpu.memory_space<vmem>> -> memref<1x128x64xf32, #tpu.memory_space<vmem>>
    %dma_start3A_1010 = tpu.memref_squeeze %dma_start3A_1009 : memref<1x128x64xf32, #tpu.memory_space<vmem>> -> memref<128x64xf32, #tpu.memory_space<vmem>>
    %dma_start3A_1011 = arith.constant 0 : i32
    %dma_start3A_1012 = tpu.memref_slice %arg4[%add3A_1004, %dma_start3A_1011] : memref<819200x128xf32, #tpu.memory_space<hbm>> -> memref<128x64xf32, #tpu.memory_space<hbm>>
    %dma_start3A_1013 = tpu.memref_slice %arg8[%dma_start3A_1006] : memref<10x!tpu.dma_semaphore, #tpu.memory_space<semaphore_mem>> -> memref<1x!tpu.dma_semaphore, #tpu.memory_space<semaphore_mem>>
    %dma_start3A_1014 = tpu.memref_squeeze %dma_start3A_1013 : memref<1x!tpu.dma_semaphore, #tpu.memory_space<semaphore_mem>> -> memref<!tpu.dma_semaphore, #tpu.memory_space<semaphore_mem>>
    %dma_start3A_1015 = arith.constant 0 : i32
    %dma_start3A_1016 = tpu.memref_slice %arg4[%add3A_1004, %dma_start3A_1015] : memref<819200x128xf32, #tpu.memory_space<hbm>> -> memref<128x64xf32, #tpu.memory_space<hbm>>
    %dma_start3A_1017 = arith.constant 0 : i32
    %dma_start3A_1018 = arith.constant 0 : i32
    %dma_start3A_1019 = tpu.memref_slice %arg6[%dma_start3A_1005, %dma_start3A_1017, %dma_start3A_1018] : memref<10x128x64xf32, #tpu.memory_space<vmem>> -> memref<1x128x64xf32, #tpu.memory_space<vmem>>
    %dma_start3A_1020 = tpu.memref_squeeze %dma_start3A_1019 : memref<1x128x64xf32, #tpu.memory_space<vmem>> -> memref<128x64xf32, #tpu.memory_space<vmem>>
    tpu.enqueue_dma source(%dma_start3A_1020 : memref<128x64xf32, #tpu.memory_space<vmem>>) target(%dma_start3A_1016 : memref<128x64xf32, #tpu.memory_space<hbm>>) target_semaphore(%dma_start3A_1014 : memref<!tpu.dma_semaphore, #tpu.memory_space<semaphore_mem>>)
    %dma_wait3A_1021 = arith.constant 6 : i32
    %dma_wait3A_1022 = arith.constant 6 : i32
    %dma_wait3A_1023 = arith.constant 0 : i32
    %dma_wait3A_1024 = arith.constant 0 : i32
    %dma_wait3A_1025 = tpu.memref_slice %arg6[%dma_wait3A_1021, %dma_wait3A_1023, %dma_wait3A_1024] : memref<10x128x64xf32, #tpu.memory_space<vmem>> -> memref<1x128x64xf32, #tpu.memory_space<vmem>>
    %dma_wait3A_1026 = tpu.memref_squeeze %dma_wait3A_1025 : memref<1x128x64xf32, #tpu.memory_space<vmem>> -> memref<128x64xf32, #tpu.memory_space<vmem>>
    %dma_wait3A_1027 = arith.constant 0 : i32
    %dma_wait3A_1028 = arith.constant 0 : i32
    %dma_wait3A_1029 = tpu.memref_slice %arg4[%dma_wait3A_1027, %dma_wait3A_1028] : memref<819200x128xf32, #tpu.memory_space<hbm>> -> memref<128x64xf32, #tpu.memory_space<hbm>>
    %dma_wait3A_1030 = tpu.memref_slice %arg7[%dma_wait3A_1022] : memref<10x!tpu.dma_semaphore, #tpu.memory_space<semaphore_mem>> -> memref<1x!tpu.dma_semaphore, #tpu.memory_space<semaphore_mem>>
    %dma_wait3A_1031 = tpu.memref_squeeze %dma_wait3A_1030 : memref<1x!tpu.dma_semaphore, #tpu.memory_space<semaphore_mem>> -> memref<!tpu.dma_semaphore, #tpu.memory_space<semaphore_mem>>
    %dma_wait3A_1032 = arith.constant 0 : i32
    %dma_wait3A_1033 = arith.constant 0 : i32
    %dma_wait3A_1034 = tpu.memref_slice %arg6[%dma_wait3A_1021, %dma_wait3A_1032, %dma_wait3A_1033] : memref<10x128x64xf32, #tpu.memory_space<vmem>> -> memref<1x128x64xf32, #tpu.memory_space<vmem>>
    %dma_wait3A_1035 = tpu.memref_squeeze %dma_wait3A_1034 : memref<1x128x64xf32, #tpu.memory_space<vmem>> -> memref<128x64xf32, #tpu.memory_space<vmem>>
    %dma_wait3A_1036 = arith.constant 0 : i32
    %dma_wait3A_1037 = arith.constant 0 : i32
    %dma_wait3A_1038 = tpu.memref_slice %arg4[%dma_wait3A_1036, %dma_wait3A_1037] : memref<819200x128xf32, #tpu.memory_space<hbm>> -> memref<128x64xf32, #tpu.memory_space<hbm>>
    tpu.wait_dma2 semaphore(%dma_wait3A_1031 : memref<!tpu.dma_semaphore, #tpu.memory_space<semaphore_mem>>) src(%dma_wait3A_1038 : memref<128x64xf32, #tpu.memory_space<hbm>>) dst(%dma_wait3A_1035 : memref<128x64xf32, #tpu.memory_space<vmem>>)
    %add3A_1039 = arith.constant 25088 : i32
    %add3A_1040 = arith.addi %mul3A_2, %add3A_1039 : i32
    %dma_start3A_1041 = arith.constant 6 : i32
    %dma_start3A_1042 = arith.constant 6 : i32
    %dma_start3A_1043 = arith.constant 0 : i32
    %dma_start3A_1044 = arith.constant 0 : i32
    %dma_start3A_1045 = tpu.memref_slice %arg6[%dma_start3A_1041, %dma_start3A_1043, %dma_start3A_1044] : memref<10x128x64xf32, #tpu.memory_space<vmem>> -> memref<1x128x64xf32, #tpu.memory_space<vmem>>
    %dma_start3A_1046 = tpu.memref_squeeze %dma_start3A_1045 : memref<1x128x64xf32, #tpu.memory_space<vmem>> -> memref<128x64xf32, #tpu.memory_space<vmem>>
    %dma_start3A_1047 = arith.constant 0 : i32
    %dma_start3A_1048 = tpu.memref_slice %arg4[%add3A_1040, %dma_start3A_1047] : memref<819200x128xf32, #tpu.memory_space<hbm>> -> memref<128x64xf32, #tpu.memory_space<hbm>>
    %dma_start3A_1049 = tpu.memref_slice %arg8[%dma_start3A_1042] : memref<10x!tpu.dma_semaphore, #tpu.memory_space<semaphore_mem>> -> memref<1x!tpu.dma_semaphore, #tpu.memory_space<semaphore_mem>>
    %dma_start3A_1050 = tpu.memref_squeeze %dma_start3A_1049 : memref<1x!tpu.dma_semaphore, #tpu.memory_space<semaphore_mem>> -> memref<!tpu.dma_semaphore, #tpu.memory_space<semaphore_mem>>
    %dma_start3A_1051 = arith.constant 0 : i32
    %dma_start3A_1052 = tpu.memref_slice %arg4[%add3A_1040, %dma_start3A_1051] : memref<819200x128xf32, #tpu.memory_space<hbm>> -> memref<128x64xf32, #tpu.memory_space<hbm>>
    %dma_start3A_1053 = arith.constant 0 : i32
    %dma_start3A_1054 = arith.constant 0 : i32
    %dma_start3A_1055 = tpu.memref_slice %arg6[%dma_start3A_1041, %dma_start3A_1053, %dma_start3A_1054] : memref<10x128x64xf32, #tpu.memory_space<vmem>> -> memref<1x128x64xf32, #tpu.memory_space<vmem>>
    %dma_start3A_1056 = tpu.memref_squeeze %dma_start3A_1055 : memref<1x128x64xf32, #tpu.memory_space<vmem>> -> memref<128x64xf32, #tpu.memory_space<vmem>>
    tpu.enqueue_dma source(%dma_start3A_1056 : memref<128x64xf32, #tpu.memory_space<vmem>>) target(%dma_start3A_1052 : memref<128x64xf32, #tpu.memory_space<hbm>>) target_semaphore(%dma_start3A_1050 : memref<!tpu.dma_semaphore, #tpu.memory_space<semaphore_mem>>)
    %dma_wait3A_1057 = arith.constant 7 : i32
    %dma_wait3A_1058 = arith.constant 7 : i32
    %dma_wait3A_1059 = arith.constant 0 : i32
    %dma_wait3A_1060 = arith.constant 0 : i32
    %dma_wait3A_1061 = tpu.memref_slice %arg6[%dma_wait3A_1057, %dma_wait3A_1059, %dma_wait3A_1060] : memref<10x128x64xf32, #tpu.memory_space<vmem>> -> memref<1x128x64xf32, #tpu.memory_space<vmem>>
    %dma_wait3A_1062 = tpu.memref_squeeze %dma_wait3A_1061 : memref<1x128x64xf32, #tpu.memory_space<vmem>> -> memref<128x64xf32, #tpu.memory_space<vmem>>
    %dma_wait3A_1063 = arith.constant 0 : i32
    %dma_wait3A_1064 = arith.constant 0 : i32
    %dma_wait3A_1065 = tpu.memref_slice %arg4[%dma_wait3A_1063, %dma_wait3A_1064] : memref<819200x128xf32, #tpu.memory_space<hbm>> -> memref<128x64xf32, #tpu.memory_space<hbm>>
    %dma_wait3A_1066 = tpu.memref_slice %arg7[%dma_wait3A_1058] : memref<10x!tpu.dma_semaphore, #tpu.memory_space<semaphore_mem>> -> memref<1x!tpu.dma_semaphore, #tpu.memory_space<semaphore_mem>>
    %dma_wait3A_1067 = tpu.memref_squeeze %dma_wait3A_1066 : memref<1x!tpu.dma_semaphore, #tpu.memory_space<semaphore_mem>> -> memref<!tpu.dma_semaphore, #tpu.memory_space<semaphore_mem>>
    %dma_wait3A_1068 = arith.constant 0 : i32
    %dma_wait3A_1069 = arith.constant 0 : i32
    %dma_wait3A_1070 = tpu.memref_slice %arg6[%dma_wait3A_1057, %dma_wait3A_1068, %dma_wait3A_1069] : memref<10x128x64xf32, #tpu.memory_space<vmem>> -> memref<1x128x64xf32, #tpu.memory_space<vmem>>
    %dma_wait3A_1071 = tpu.memref_squeeze %dma_wait3A_1070 : memref<1x128x64xf32, #tpu.memory_space<vmem>> -> memref<128x64xf32, #tpu.memory_space<vmem>>
    %dma_wait3A_1072 = arith.constant 0 : i32
    %dma_wait3A_1073 = arith.constant 0 : i32
    %dma_wait3A_1074 = tpu.memref_slice %arg4[%dma_wait3A_1072, %dma_wait3A_1073] : memref<819200x128xf32, #tpu.memory_space<hbm>> -> memref<128x64xf32, #tpu.memory_space<hbm>>
    tpu.wait_dma2 semaphore(%dma_wait3A_1067 : memref<!tpu.dma_semaphore, #tpu.memory_space<semaphore_mem>>) src(%dma_wait3A_1074 : memref<128x64xf32, #tpu.memory_space<hbm>>) dst(%dma_wait3A_1071 : memref<128x64xf32, #tpu.memory_space<vmem>>)
    %add3A_1075 = arith.constant 25216 : i32
    %add3A_1076 = arith.addi %mul3A_2, %add3A_1075 : i32
    %dma_start3A_1077 = arith.constant 7 : i32
    %dma_start3A_1078 = arith.constant 7 : i32
    %dma_start3A_1079 = arith.constant 0 : i32
    %dma_start3A_1080 = arith.constant 0 : i32
    %dma_start3A_1081 = tpu.memref_slice %arg6[%dma_start3A_1077, %dma_start3A_1079, %dma_start3A_1080] : memref<10x128x64xf32, #tpu.memory_space<vmem>> -> memref<1x128x64xf32, #tpu.memory_space<vmem>>
    %dma_start3A_1082 = tpu.memref_squeeze %dma_start3A_1081 : memref<1x128x64xf32, #tpu.memory_space<vmem>> -> memref<128x64xf32, #tpu.memory_space<vmem>>
    %dma_start3A_1083 = arith.constant 0 : i32
    %dma_start3A_1084 = tpu.memref_slice %arg4[%add3A_1076, %dma_start3A_1083] : memref<819200x128xf32, #tpu.memory_space<hbm>> -> memref<128x64xf32, #tpu.memory_space<hbm>>
    %dma_start3A_1085 = tpu.memref_slice %arg8[%dma_start3A_1078] : memref<10x!tpu.dma_semaphore, #tpu.memory_space<semaphore_mem>> -> memref<1x!tpu.dma_semaphore, #tpu.memory_space<semaphore_mem>>
    %dma_start3A_1086 = tpu.memref_squeeze %dma_start3A_1085 : memref<1x!tpu.dma_semaphore, #tpu.memory_space<semaphore_mem>> -> memref<!tpu.dma_semaphore, #tpu.memory_space<semaphore_mem>>
    %dma_start3A_1087 = arith.constant 0 : i32
    %dma_start3A_1088 = tpu.memref_slice %arg4[%add3A_1076, %dma_start3A_1087] : memref<819200x128xf32, #tpu.memory_space<hbm>> -> memref<128x64xf32, #tpu.memory_space<hbm>>
    %dma_start3A_1089 = arith.constant 0 : i32
    %dma_start3A_1090 = arith.constant 0 : i32
    %dma_start3A_1091 = tpu.memref_slice %arg6[%dma_start3A_1077, %dma_start3A_1089, %dma_start3A_1090] : memref<10x128x64xf32, #tpu.memory_space<vmem>> -> memref<1x128x64xf32, #tpu.memory_space<vmem>>
    %dma_start3A_1092 = tpu.memref_squeeze %dma_start3A_1091 : memref<1x128x64xf32, #tpu.memory_space<vmem>> -> memref<128x64xf32, #tpu.memory_space<vmem>>
    tpu.enqueue_dma source(%dma_start3A_1092 : memref<128x64xf32, #tpu.memory_space<vmem>>) target(%dma_start3A_1088 : memref<128x64xf32, #tpu.memory_space<hbm>>) target_semaphore(%dma_start3A_1086 : memref<!tpu.dma_semaphore, #tpu.memory_space<semaphore_mem>>)
    %dma_wait3A_1093 = arith.constant 8 : i32
    %dma_wait3A_1094 = arith.constant 8 : i32
    %dma_wait3A_1095 = arith.constant 0 : i32
    %dma_wait3A_1096 = arith.constant 0 : i32
    %dma_wait3A_1097 = tpu.memref_slice %arg6[%dma_wait3A_1093, %dma_wait3A_1095, %dma_wait3A_1096] : memref<10x128x64xf32, #tpu.memory_space<vmem>> -> memref<1x128x64xf32, #tpu.memory_space<vmem>>
    %dma_wait3A_1098 = tpu.memref_squeeze %dma_wait3A_1097 : memref<1x128x64xf32, #tpu.memory_space<vmem>> -> memref<128x64xf32, #tpu.memory_space<vmem>>
    %dma_wait3A_1099 = arith.constant 0 : i32
    %dma_wait3A_1100 = arith.constant 0 : i32
    %dma_wait3A_1101 = tpu.memref_slice %arg4[%dma_wait3A_1099, %dma_wait3A_1100] : memref<819200x128xf32, #tpu.memory_space<hbm>> -> memref<128x64xf32, #tpu.memory_space<hbm>>
    %dma_wait3A_1102 = tpu.memref_slice %arg7[%dma_wait3A_1094] : memref<10x!tpu.dma_semaphore, #tpu.memory_space<semaphore_mem>> -> memref<1x!tpu.dma_semaphore, #tpu.memory_space<semaphore_mem>>
    %dma_wait3A_1103 = tpu.memref_squeeze %dma_wait3A_1102 : memref<1x!tpu.dma_semaphore, #tpu.memory_space<semaphore_mem>> -> memref<!tpu.dma_semaphore, #tpu.memory_space<semaphore_mem>>
    %dma_wait3A_1104 = arith.constant 0 : i32
    %dma_wait3A_1105 = arith.constant 0 : i32
    %dma_wait3A_1106 = tpu.memref_slice %arg6[%dma_wait3A_1093, %dma_wait3A_1104, %dma_wait3A_1105] : memref<10x128x64xf32, #tpu.memory_space<vmem>> -> memref<1x128x64xf32, #tpu.memory_space<vmem>>
    %dma_wait3A_1107 = tpu.memref_squeeze %dma_wait3A_1106 : memref<1x128x64xf32, #tpu.memory_space<vmem>> -> memref<128x64xf32, #tpu.memory_space<vmem>>
    %dma_wait3A_1108 = arith.constant 0 : i32
    %dma_wait3A_1109 = arith.constant 0 : i32
    %dma_wait3A_1110 = tpu.memref_slice %arg4[%dma_wait3A_1108, %dma_wait3A_1109] : memref<819200x128xf32, #tpu.memory_space<hbm>> -> memref<128x64xf32, #tpu.memory_space<hbm>>
    tpu.wait_dma2 semaphore(%dma_wait3A_1103 : memref<!tpu.dma_semaphore, #tpu.memory_space<semaphore_mem>>) src(%dma_wait3A_1110 : memref<128x64xf32, #tpu.memory_space<hbm>>) dst(%dma_wait3A_1107 : memref<128x64xf32, #tpu.memory_space<vmem>>)
    %add3A_1111 = arith.constant 25344 : i32
    %add3A_1112 = arith.addi %mul3A_2, %add3A_1111 : i32
    %dma_start3A_1113 = arith.constant 8 : i32
    %dma_start3A_1114 = arith.constant 8 : i32
    %dma_start3A_1115 = arith.constant 0 : i32
    %dma_start3A_1116 = arith.constant 0 : i32
    %dma_start3A_1117 = tpu.memref_slice %arg6[%dma_start3A_1113, %dma_start3A_1115, %dma_start3A_1116] : memref<10x128x64xf32, #tpu.memory_space<vmem>> -> memref<1x128x64xf32, #tpu.memory_space<vmem>>
    %dma_start3A_1118 = tpu.memref_squeeze %dma_start3A_1117 : memref<1x128x64xf32, #tpu.memory_space<vmem>> -> memref<128x64xf32, #tpu.memory_space<vmem>>
    %dma_start3A_1119 = arith.constant 0 : i32
    %dma_start3A_1120 = tpu.memref_slice %arg4[%add3A_1112, %dma_start3A_1119] : memref<819200x128xf32, #tpu.memory_space<hbm>> -> memref<128x64xf32, #tpu.memory_space<hbm>>
    %dma_start3A_1121 = tpu.memref_slice %arg8[%dma_start3A_1114] : memref<10x!tpu.dma_semaphore, #tpu.memory_space<semaphore_mem>> -> memref<1x!tpu.dma_semaphore, #tpu.memory_space<semaphore_mem>>
    %dma_start3A_1122 = tpu.memref_squeeze %dma_start3A_1121 : memref<1x!tpu.dma_semaphore, #tpu.memory_space<semaphore_mem>> -> memref<!tpu.dma_semaphore, #tpu.memory_space<semaphore_mem>>
    %dma_start3A_1123 = arith.constant 0 : i32
    %dma_start3A_1124 = tpu.memref_slice %arg4[%add3A_1112, %dma_start3A_1123] : memref<819200x128xf32, #tpu.memory_space<hbm>> -> memref<128x64xf32, #tpu.memory_space<hbm>>
    %dma_start3A_1125 = arith.constant 0 : i32
    %dma_start3A_1126 = arith.constant 0 : i32
    %dma_start3A_1127 = tpu.memref_slice %arg6[%dma_start3A_1113, %dma_start3A_1125, %dma_start3A_1126] : memref<10x128x64xf32, #tpu.memory_space<vmem>> -> memref<1x128x64xf32, #tpu.memory_space<vmem>>
    %dma_start3A_1128 = tpu.memref_squeeze %dma_start3A_1127 : memref<1x128x64xf32, #tpu.memory_space<vmem>> -> memref<128x64xf32, #tpu.memory_space<vmem>>
    tpu.enqueue_dma source(%dma_start3A_1128 : memref<128x64xf32, #tpu.memory_space<vmem>>) target(%dma_start3A_1124 : memref<128x64xf32, #tpu.memory_space<hbm>>) target_semaphore(%dma_start3A_1122 : memref<!tpu.dma_semaphore, #tpu.memory_space<semaphore_mem>>)
    %dma_wait3A_1129 = arith.constant 9 : i32
    %dma_wait3A_1130 = arith.constant 9 : i32
    %dma_wait3A_1131 = arith.constant 0 : i32
    %dma_wait3A_1132 = arith.constant 0 : i32
    %dma_wait3A_1133 = tpu.memref_slice %arg6[%dma_wait3A_1129, %dma_wait3A_1131, %dma_wait3A_1132] : memref<10x128x64xf32, #tpu.memory_space<vmem>> -> memref<1x128x64xf32, #tpu.memory_space<vmem>>
    %dma_wait3A_1134 = tpu.memref_squeeze %dma_wait3A_1133 : memref<1x128x64xf32, #tpu.memory_space<vmem>> -> memref<128x64xf32, #tpu.memory_space<vmem>>
    %dma_wait3A_1135 = arith.constant 0 : i32
    %dma_wait3A_1136 = arith.constant 0 : i32
    %dma_wait3A_1137 = tpu.memref_slice %arg4[%dma_wait3A_1135, %dma_wait3A_1136] : memref<819200x128xf32, #tpu.memory_space<hbm>> -> memref<128x64xf32, #tpu.memory_space<hbm>>
    %dma_wait3A_1138 = tpu.memref_slice %arg7[%dma_wait3A_1130] : memref<10x!tpu.dma_semaphore, #tpu.memory_space<semaphore_mem>> -> memref<1x!tpu.dma_semaphore, #tpu.memory_space<semaphore_mem>>
    %dma_wait3A_1139 = tpu.memref_squeeze %dma_wait3A_1138 : memref<1x!tpu.dma_semaphore, #tpu.memory_space<semaphore_mem>> -> memref<!tpu.dma_semaphore, #tpu.memory_space<semaphore_mem>>
    %dma_wait3A_1140 = arith.constant 0 : i32
    %dma_wait3A_1141 = arith.constant 0 : i32
    %dma_wait3A_1142 = tpu.memref_slice %arg6[%dma_wait3A_1129, %dma_wait3A_1140, %dma_wait3A_1141] : memref<10x128x64xf32, #tpu.memory_space<vmem>> -> memref<1x128x64xf32, #tpu.memory_space<vmem>>
    %dma_wait3A_1143 = tpu.memref_squeeze %dma_wait3A_1142 : memref<1x128x64xf32, #tpu.memory_space<vmem>> -> memref<128x64xf32, #tpu.memory_space<vmem>>
    %dma_wait3A_1144 = arith.constant 0 : i32
    %dma_wait3A_1145 = arith.constant 0 : i32
    %dma_wait3A_1146 = tpu.memref_slice %arg4[%dma_wait3A_1144, %dma_wait3A_1145] : memref<819200x128xf32, #tpu.memory_space<hbm>> -> memref<128x64xf32, #tpu.memory_space<hbm>>
    tpu.wait_dma2 semaphore(%dma_wait3A_1139 : memref<!tpu.dma_semaphore, #tpu.memory_space<semaphore_mem>>) src(%dma_wait3A_1146 : memref<128x64xf32, #tpu.memory_space<hbm>>) dst(%dma_wait3A_1143 : memref<128x64xf32, #tpu.memory_space<vmem>>)
    %add3A_1147 = arith.constant 25472 : i32
    %add3A_1148 = arith.addi %mul3A_2, %add3A_1147 : i32
    %dma_start3A_1149 = arith.constant 9 : i32
    %dma_start3A_1150 = arith.constant 9 : i32
    %dma_start3A_1151 = arith.constant 0 : i32
    %dma_start3A_1152 = arith.constant 0 : i32
    %dma_start3A_1153 = tpu.memref_slice %arg6[%dma_start3A_1149, %dma_start3A_1151, %dma_start3A_1152] : memref<10x128x64xf32, #tpu.memory_space<vmem>> -> memref<1x128x64xf32, #tpu.memory_space<vmem>>
    %dma_start3A_1154 = tpu.memref_squeeze %dma_start3A_1153 : memref<1x128x64xf32, #tpu.memory_space<vmem>> -> memref<128x64xf32, #tpu.memory_space<vmem>>
    %dma_start3A_1155 = arith.constant 0 : i32
    %dma_start3A_1156 = tpu.memref_slice %arg4[%add3A_1148, %dma_start3A_1155] : memref<819200x128xf32, #tpu.memory_space<hbm>> -> memref<128x64xf32, #tpu.memory_space<hbm>>
    %dma_start3A_1157 = tpu.memref_slice %arg8[%dma_start3A_1150] : memref<10x!tpu.dma_semaphore, #tpu.memory_space<semaphore_mem>> -> memref<1x!tpu.dma_semaphore, #tpu.memory_space<semaphore_mem>>
    %dma_start3A_1158 = tpu.memref_squeeze %dma_start3A_1157 : memref<1x!tpu.dma_semaphore, #tpu.memory_space<semaphore_mem>> -> memref<!tpu.dma_semaphore, #tpu.memory_space<semaphore_mem>>
    %dma_start3A_1159 = arith.constant 0 : i32
    %dma_start3A_1160 = tpu.memref_slice %arg4[%add3A_1148, %dma_start3A_1159] : memref<819200x128xf32, #tpu.memory_space<hbm>> -> memref<128x64xf32, #tpu.memory_space<hbm>>
    %dma_start3A_1161 = arith.constant 0 : i32
    %dma_start3A_1162 = arith.constant 0 : i32
    %dma_start3A_1163 = tpu.memref_slice %arg6[%dma_start3A_1149, %dma_start3A_1161, %dma_start3A_1162] : memref<10x128x64xf32, #tpu.memory_space<vmem>> -> memref<1x128x64xf32, #tpu.memory_space<vmem>>
    %dma_start3A_1164 = tpu.memref_squeeze %dma_start3A_1163 : memref<1x128x64xf32, #tpu.memory_space<vmem>> -> memref<128x64xf32, #tpu.memory_space<vmem>>
    tpu.enqueue_dma source(%dma_start3A_1164 : memref<128x64xf32, #tpu.memory_space<vmem>>) target(%dma_start3A_1160 : memref<128x64xf32, #tpu.memory_space<hbm>>) target_semaphore(%dma_start3A_1158 : memref<!tpu.dma_semaphore, #tpu.memory_space<semaphore_mem>>)
    %dma_wait3A_1165 = arith.constant 0 : i32
    %dma_wait3A_1166 = arith.constant 0 : i32
    %dma_wait3A_1167 = arith.constant 0 : i32
    %dma_wait3A_1168 = arith.constant 0 : i32
    %dma_wait3A_1169 = tpu.memref_slice %arg6[%dma_wait3A_1165, %dma_wait3A_1167, %dma_wait3A_1168] : memref<10x128x64xf32, #tpu.memory_space<vmem>> -> memref<1x128x64xf32, #tpu.memory_space<vmem>>
    %dma_wait3A_1170 = tpu.memref_squeeze %dma_wait3A_1169 : memref<1x128x64xf32, #tpu.memory_space<vmem>> -> memref<128x64xf32, #tpu.memory_space<vmem>>
    %dma_wait3A_1171 = arith.constant 0 : i32
    %dma_wait3A_1172 = arith.constant 0 : i32
    %dma_wait3A_1173 = tpu.memref_slice %arg4[%dma_wait3A_1171, %dma_wait3A_1172] : memref<819200x128xf32, #tpu.memory_space<hbm>> -> memref<128x64xf32, #tpu.memory_space<hbm>>
    %dma_wait3A_1174 = tpu.memref_slice %arg8[%dma_wait3A_1166] : memref<10x!tpu.dma_semaphore, #tpu.memory_space<semaphore_mem>> -> memref<1x!tpu.dma_semaphore, #tpu.memory_space<semaphore_mem>>
    %dma_wait3A_1175 = tpu.memref_squeeze %dma_wait3A_1174 : memref<1x!tpu.dma_semaphore, #tpu.memory_space<semaphore_mem>> -> memref<!tpu.dma_semaphore, #tpu.memory_space<semaphore_mem>>
    %dma_wait3A_1176 = arith.constant 0 : i32
    %dma_wait3A_1177 = arith.constant 0 : i32
    %dma_wait3A_1178 = tpu.memref_slice %arg4[%dma_wait3A_1176, %dma_wait3A_1177] : memref<819200x128xf32, #tpu.memory_space<hbm>> -> memref<128x64xf32, #tpu.memory_space<hbm>>
    %dma_wait3A_1179 = arith.constant 0 : i32
    %dma_wait3A_1180 = arith.constant 0 : i32
    %dma_wait3A_1181 = tpu.memref_slice %arg6[%dma_wait3A_1165, %dma_wait3A_1179, %dma_wait3A_1180] : memref<10x128x64xf32, #tpu.memory_space<vmem>> -> memref<1x128x64xf32, #tpu.memory_space<vmem>>
    %dma_wait3A_1182 = tpu.memref_squeeze %dma_wait3A_1181 : memref<1x128x64xf32, #tpu.memory_space<vmem>> -> memref<128x64xf32, #tpu.memory_space<vmem>>
    tpu.wait_dma2 semaphore(%dma_wait3A_1175 : memref<!tpu.dma_semaphore, #tpu.memory_space<semaphore_mem>>) src(%dma_wait3A_1182 : memref<128x64xf32, #tpu.memory_space<vmem>>) dst(%dma_wait3A_1178 : memref<128x64xf32, #tpu.memory_space<hbm>>)
    %dma_wait3A_1183 = arith.constant 1 : i32
    %dma_wait3A_1184 = arith.constant 1 : i32
    %dma_wait3A_1185 = arith.constant 0 : i32
    %dma_wait3A_1186 = arith.constant 0 : i32
    %dma_wait3A_1187 = tpu.memref_slice %arg6[%dma_wait3A_1183, %dma_wait3A_1185, %dma_wait3A_1186] : memref<10x128x64xf32, #tpu.memory_space<vmem>> -> memref<1x128x64xf32, #tpu.memory_space<vmem>>
    %dma_wait3A_1188 = tpu.memref_squeeze %dma_wait3A_1187 : memref<1x128x64xf32, #tpu.memory_space<vmem>> -> memref<128x64xf32, #tpu.memory_space<vmem>>
    %dma_wait3A_1189 = arith.constant 0 : i32
    %dma_wait3A_1190 = arith.constant 0 : i32
    %dma_wait3A_1191 = tpu.memref_slice %arg4[%dma_wait3A_1189, %dma_wait3A_1190] : memref<819200x128xf32, #tpu.memory_space<hbm>> -> memref<128x64xf32, #tpu.memory_space<hbm>>
    %dma_wait3A_1192 = tpu.memref_slice %arg8[%dma_wait3A_1184] : memref<10x!tpu.dma_semaphore, #tpu.memory_space<semaphore_mem>> -> memref<1x!tpu.dma_semaphore, #tpu.memory_space<semaphore_mem>>
    %dma_wait3A_1193 = tpu.memref_squeeze %dma_wait3A_1192 : memref<1x!tpu.dma_semaphore, #tpu.memory_space<semaphore_mem>> -> memref<!tpu.dma_semaphore, #tpu.memory_space<semaphore_mem>>
    %dma_wait3A_1194 = arith.constant 0 : i32
    %dma_wait3A_1195 = arith.constant 0 : i32
    %dma_wait3A_1196 = tpu.memref_slice %arg4[%dma_wait3A_1194, %dma_wait3A_1195] : memref<819200x128xf32, #tpu.memory_space<hbm>> -> memref<128x64xf32, #tpu.memory_space<hbm>>
    %dma_wait3A_1197 = arith.constant 0 : i32
    %dma_wait3A_1198 = arith.constant 0 : i32
    %dma_wait3A_1199 = tpu.memref_slice %arg6[%dma_wait3A_1183, %dma_wait3A_1197, %dma_wait3A_1198] : memref<10x128x64xf32, #tpu.memory_space<vmem>> -> memref<1x128x64xf32, #tpu.memory_space<vmem>>
    %dma_wait3A_1200 = tpu.memref_squeeze %dma_wait3A_1199 : memref<1x128x64xf32, #tpu.memory_space<vmem>> -> memref<128x64xf32, #tpu.memory_space<vmem>>
    tpu.wait_dma2 semaphore(%dma_wait3A_1193 : memref<!tpu.dma_semaphore, #tpu.memory_space<semaphore_mem>>) src(%dma_wait3A_1200 : memref<128x64xf32, #tpu.memory_space<vmem>>) dst(%dma_wait3A_1196 : memref<128x64xf32, #tpu.memory_space<hbm>>)
    %dma_wait3A_1201 = arith.constant 2 : i32
    %dma_wait3A_1202 = arith.constant 2 : i32
    %dma_wait3A_1203 = arith.constant 0 : i32
    %dma_wait3A_1204 = arith.constant 0 : i32
    %dma_wait3A_1205 = tpu.memref_slice %arg6[%dma_wait3A_1201, %dma_wait3A_1203, %dma_wait3A_1204] : memref<10x128x64xf32, #tpu.memory_space<vmem>> -> memref<1x128x64xf32, #tpu.memory_space<vmem>>
    %dma_wait3A_1206 = tpu.memref_squeeze %dma_wait3A_1205 : memref<1x128x64xf32, #tpu.memory_space<vmem>> -> memref<128x64xf32, #tpu.memory_space<vmem>>
    %dma_wait3A_1207 = arith.constant 0 : i32
    %dma_wait3A_1208 = arith.constant 0 : i32
    %dma_wait3A_1209 = tpu.memref_slice %arg4[%dma_wait3A_1207, %dma_wait3A_1208] : memref<819200x128xf32, #tpu.memory_space<hbm>> -> memref<128x64xf32, #tpu.memory_space<hbm>>
    %dma_wait3A_1210 = tpu.memref_slice %arg8[%dma_wait3A_1202] : memref<10x!tpu.dma_semaphore, #tpu.memory_space<semaphore_mem>> -> memref<1x!tpu.dma_semaphore, #tpu.memory_space<semaphore_mem>>
    %dma_wait3A_1211 = tpu.memref_squeeze %dma_wait3A_1210 : memref<1x!tpu.dma_semaphore, #tpu.memory_space<semaphore_mem>> -> memref<!tpu.dma_semaphore, #tpu.memory_space<semaphore_mem>>
    %dma_wait3A_1212 = arith.constant 0 : i32
    %dma_wait3A_1213 = arith.constant 0 : i32
    %dma_wait3A_1214 = tpu.memref_slice %arg4[%dma_wait3A_1212, %dma_wait3A_1213] : memref<819200x128xf32, #tpu.memory_space<hbm>> -> memref<128x64xf32, #tpu.memory_space<hbm>>
    %dma_wait3A_1215 = arith.constant 0 : i32
    %dma_wait3A_1216 = arith.constant 0 : i32
    %dma_wait3A_1217 = tpu.memref_slice %arg6[%dma_wait3A_1201, %dma_wait3A_1215, %dma_wait3A_1216] : memref<10x128x64xf32, #tpu.memory_space<vmem>> -> memref<1x128x64xf32, #tpu.memory_space<vmem>>
    %dma_wait3A_1218 = tpu.memref_squeeze %dma_wait3A_1217 : memref<1x128x64xf32, #tpu.memory_space<vmem>> -> memref<128x64xf32, #tpu.memory_space<vmem>>
    tpu.wait_dma2 semaphore(%dma_wait3A_1211 : memref<!tpu.dma_semaphore, #tpu.memory_space<semaphore_mem>>) src(%dma_wait3A_1218 : memref<128x64xf32, #tpu.memory_space<vmem>>) dst(%dma_wait3A_1214 : memref<128x64xf32, #tpu.memory_space<hbm>>)
    %dma_wait3A_1219 = arith.constant 3 : i32
    %dma_wait3A_1220 = arith.constant 3 : i32
    %dma_wait3A_1221 = arith.constant 0 : i32
    %dma_wait3A_1222 = arith.constant 0 : i32
    %dma_wait3A_1223 = tpu.memref_slice %arg6[%dma_wait3A_1219, %dma_wait3A_1221, %dma_wait3A_1222] : memref<10x128x64xf32, #tpu.memory_space<vmem>> -> memref<1x128x64xf32, #tpu.memory_space<vmem>>
    %dma_wait3A_1224 = tpu.memref_squeeze %dma_wait3A_1223 : memref<1x128x64xf32, #tpu.memory_space<vmem>> -> memref<128x64xf32, #tpu.memory_space<vmem>>
    %dma_wait3A_1225 = arith.constant 0 : i32
    %dma_wait3A_1226 = arith.constant 0 : i32
    %dma_wait3A_1227 = tpu.memref_slice %arg4[%dma_wait3A_1225, %dma_wait3A_1226] : memref<819200x128xf32, #tpu.memory_space<hbm>> -> memref<128x64xf32, #tpu.memory_space<hbm>>
    %dma_wait3A_1228 = tpu.memref_slice %arg8[%dma_wait3A_1220] : memref<10x!tpu.dma_semaphore, #tpu.memory_space<semaphore_mem>> -> memref<1x!tpu.dma_semaphore, #tpu.memory_space<semaphore_mem>>
    %dma_wait3A_1229 = tpu.memref_squeeze %dma_wait3A_1228 : memref<1x!tpu.dma_semaphore, #tpu.memory_space<semaphore_mem>> -> memref<!tpu.dma_semaphore, #tpu.memory_space<semaphore_mem>>
    %dma_wait3A_1230 = arith.constant 0 : i32
    %dma_wait3A_1231 = arith.constant 0 : i32
    %dma_wait3A_1232 = tpu.memref_slice %arg4[%dma_wait3A_1230, %dma_wait3A_1231] : memref<819200x128xf32, #tpu.memory_space<hbm>> -> memref<128x64xf32, #tpu.memory_space<hbm>>
    %dma_wait3A_1233 = arith.constant 0 : i32
    %dma_wait3A_1234 = arith.constant 0 : i32
    %dma_wait3A_1235 = tpu.memref_slice %arg6[%dma_wait3A_1219, %dma_wait3A_1233, %dma_wait3A_1234] : memref<10x128x64xf32, #tpu.memory_space<vmem>> -> memref<1x128x64xf32, #tpu.memory_space<vmem>>
    %dma_wait3A_1236 = tpu.memref_squeeze %dma_wait3A_1235 : memref<1x128x64xf32, #tpu.memory_space<vmem>> -> memref<128x64xf32, #tpu.memory_space<vmem>>
    tpu.wait_dma2 semaphore(%dma_wait3A_1229 : memref<!tpu.dma_semaphore, #tpu.memory_space<semaphore_mem>>) src(%dma_wait3A_1236 : memref<128x64xf32, #tpu.memory_space<vmem>>) dst(%dma_wait3A_1232 : memref<128x64xf32, #tpu.memory_space<hbm>>)
    %dma_wait3A_1237 = arith.constant 4 : i32
    %dma_wait3A_1238 = arith.constant 4 : i32
    %dma_wait3A_1239 = arith.constant 0 : i32
    %dma_wait3A_1240 = arith.constant 0 : i32
    %dma_wait3A_1241 = tpu.memref_slice %arg6[%dma_wait3A_1237, %dma_wait3A_1239, %dma_wait3A_1240] : memref<10x128x64xf32, #tpu.memory_space<vmem>> -> memref<1x128x64xf32, #tpu.memory_space<vmem>>
    %dma_wait3A_1242 = tpu.memref_squeeze %dma_wait3A_1241 : memref<1x128x64xf32, #tpu.memory_space<vmem>> -> memref<128x64xf32, #tpu.memory_space<vmem>>
    %dma_wait3A_1243 = arith.constant 0 : i32
    %dma_wait3A_1244 = arith.constant 0 : i32
    %dma_wait3A_1245 = tpu.memref_slice %arg4[%dma_wait3A_1243, %dma_wait3A_1244] : memref<819200x128xf32, #tpu.memory_space<hbm>> -> memref<128x64xf32, #tpu.memory_space<hbm>>
    %dma_wait3A_1246 = tpu.memref_slice %arg8[%dma_wait3A_1238] : memref<10x!tpu.dma_semaphore, #tpu.memory_space<semaphore_mem>> -> memref<1x!tpu.dma_semaphore, #tpu.memory_space<semaphore_mem>>
    %dma_wait3A_1247 = tpu.memref_squeeze %dma_wait3A_1246 : memref<1x!tpu.dma_semaphore, #tpu.memory_space<semaphore_mem>> -> memref<!tpu.dma_semaphore, #tpu.memory_space<semaphore_mem>>
    %dma_wait3A_1248 = arith.constant 0 : i32
    %dma_wait3A_1249 = arith.constant 0 : i32
    %dma_wait3A_1250 = tpu.memref_slice %arg4[%dma_wait3A_1248, %dma_wait3A_1249] : memref<819200x128xf32, #tpu.memory_space<hbm>> -> memref<128x64xf32, #tpu.memory_space<hbm>>
    %dma_wait3A_1251 = arith.constant 0 : i32
    %dma_wait3A_1252 = arith.constant 0 : i32
    %dma_wait3A_1253 = tpu.memref_slice %arg6[%dma_wait3A_1237, %dma_wait3A_1251, %dma_wait3A_1252] : memref<10x128x64xf32, #tpu.memory_space<vmem>> -> memref<1x128x64xf32, #tpu.memory_space<vmem>>
    %dma_wait3A_1254 = tpu.memref_squeeze %dma_wait3A_1253 : memref<1x128x64xf32, #tpu.memory_space<vmem>> -> memref<128x64xf32, #tpu.memory_space<vmem>>
    tpu.wait_dma2 semaphore(%dma_wait3A_1247 : memref<!tpu.dma_semaphore, #tpu.memory_space<semaphore_mem>>) src(%dma_wait3A_1254 : memref<128x64xf32, #tpu.memory_space<vmem>>) dst(%dma_wait3A_1250 : memref<128x64xf32, #tpu.memory_space<hbm>>)
    %dma_wait3A_1255 = arith.constant 5 : i32
    %dma_wait3A_1256 = arith.constant 5 : i32
    %dma_wait3A_1257 = arith.constant 0 : i32
    %dma_wait3A_1258 = arith.constant 0 : i32
    %dma_wait3A_1259 = tpu.memref_slice %arg6[%dma_wait3A_1255, %dma_wait3A_1257, %dma_wait3A_1258] : memref<10x128x64xf32, #tpu.memory_space<vmem>> -> memref<1x128x64xf32, #tpu.memory_space<vmem>>
    %dma_wait3A_1260 = tpu.memref_squeeze %dma_wait3A_1259 : memref<1x128x64xf32, #tpu.memory_space<vmem>> -> memref<128x64xf32, #tpu.memory_space<vmem>>
    %dma_wait3A_1261 = arith.constant 0 : i32
    %dma_wait3A_1262 = arith.constant 0 : i32
    %dma_wait3A_1263 = tpu.memref_slice %arg4[%dma_wait3A_1261, %dma_wait3A_1262] : memref<819200x128xf32, #tpu.memory_space<hbm>> -> memref<128x64xf32, #tpu.memory_space<hbm>>
    %dma_wait3A_1264 = tpu.memref_slice %arg8[%dma_wait3A_1256] : memref<10x!tpu.dma_semaphore, #tpu.memory_space<semaphore_mem>> -> memref<1x!tpu.dma_semaphore, #tpu.memory_space<semaphore_mem>>
    %dma_wait3A_1265 = tpu.memref_squeeze %dma_wait3A_1264 : memref<1x!tpu.dma_semaphore, #tpu.memory_space<semaphore_mem>> -> memref<!tpu.dma_semaphore, #tpu.memory_space<semaphore_mem>>
    %dma_wait3A_1266 = arith.constant 0 : i32
    %dma_wait3A_1267 = arith.constant 0 : i32
    %dma_wait3A_1268 = tpu.memref_slice %arg4[%dma_wait3A_1266, %dma_wait3A_1267] : memref<819200x128xf32, #tpu.memory_space<hbm>> -> memref<128x64xf32, #tpu.memory_space<hbm>>
    %dma_wait3A_1269 = arith.constant 0 : i32
    %dma_wait3A_1270 = arith.constant 0 : i32
    %dma_wait3A_1271 = tpu.memref_slice %arg6[%dma_wait3A_1255, %dma_wait3A_1269, %dma_wait3A_1270] : memref<10x128x64xf32, #tpu.memory_space<vmem>> -> memref<1x128x64xf32, #tpu.memory_space<vmem>>
    %dma_wait3A_1272 = tpu.memref_squeeze %dma_wait3A_1271 : memref<1x128x64xf32, #tpu.memory_space<vmem>> -> memref<128x64xf32, #tpu.memory_space<vmem>>
    tpu.wait_dma2 semaphore(%dma_wait3A_1265 : memref<!tpu.dma_semaphore, #tpu.memory_space<semaphore_mem>>) src(%dma_wait3A_1272 : memref<128x64xf32, #tpu.memory_space<vmem>>) dst(%dma_wait3A_1268 : memref<128x64xf32, #tpu.memory_space<hbm>>)
    %dma_wait3A_1273 = arith.constant 6 : i32
    %dma_wait3A_1274 = arith.constant 6 : i32
    %dma_wait3A_1275 = arith.constant 0 : i32
    %dma_wait3A_1276 = arith.constant 0 : i32
    %dma_wait3A_1277 = tpu.memref_slice %arg6[%dma_wait3A_1273, %dma_wait3A_1275, %dma_wait3A_1276] : memref<10x128x64xf32, #tpu.memory_space<vmem>> -> memref<1x128x64xf32, #tpu.memory_space<vmem>>
    %dma_wait3A_1278 = tpu.memref_squeeze %dma_wait3A_1277 : memref<1x128x64xf32, #tpu.memory_space<vmem>> -> memref<128x64xf32, #tpu.memory_space<vmem>>
    %dma_wait3A_1279 = arith.constant 0 : i32
    %dma_wait3A_1280 = arith.constant 0 : i32
    %dma_wait3A_1281 = tpu.memref_slice %arg4[%dma_wait3A_1279, %dma_wait3A_1280] : memref<819200x128xf32, #tpu.memory_space<hbm>> -> memref<128x64xf32, #tpu.memory_space<hbm>>
    %dma_wait3A_1282 = tpu.memref_slice %arg8[%dma_wait3A_1274] : memref<10x!tpu.dma_semaphore, #tpu.memory_space<semaphore_mem>> -> memref<1x!tpu.dma_semaphore, #tpu.memory_space<semaphore_mem>>
    %dma_wait3A_1283 = tpu.memref_squeeze %dma_wait3A_1282 : memref<1x!tpu.dma_semaphore, #tpu.memory_space<semaphore_mem>> -> memref<!tpu.dma_semaphore, #tpu.memory_space<semaphore_mem>>
    %dma_wait3A_1284 = arith.constant 0 : i32
    %dma_wait3A_1285 = arith.constant 0 : i32
    %dma_wait3A_1286 = tpu.memref_slice %arg4[%dma_wait3A_1284, %dma_wait3A_1285] : memref<819200x128xf32, #tpu.memory_space<hbm>> -> memref<128x64xf32, #tpu.memory_space<hbm>>
    %dma_wait3A_1287 = arith.constant 0 : i32
    %dma_wait3A_1288 = arith.constant 0 : i32
    %dma_wait3A_1289 = tpu.memref_slice %arg6[%dma_wait3A_1273, %dma_wait3A_1287, %dma_wait3A_1288] : memref<10x128x64xf32, #tpu.memory_space<vmem>> -> memref<1x128x64xf32, #tpu.memory_space<vmem>>
    %dma_wait3A_1290 = tpu.memref_squeeze %dma_wait3A_1289 : memref<1x128x64xf32, #tpu.memory_space<vmem>> -> memref<128x64xf32, #tpu.memory_space<vmem>>
    tpu.wait_dma2 semaphore(%dma_wait3A_1283 : memref<!tpu.dma_semaphore, #tpu.memory_space<semaphore_mem>>) src(%dma_wait3A_1290 : memref<128x64xf32, #tpu.memory_space<vmem>>) dst(%dma_wait3A_1286 : memref<128x64xf32, #tpu.memory_space<hbm>>)
    %dma_wait3A_1291 = arith.constant 7 : i32
    %dma_wait3A_1292 = arith.constant 7 : i32
    %dma_wait3A_1293 = arith.constant 0 : i32
    %dma_wait3A_1294 = arith.constant 0 : i32
    %dma_wait3A_1295 = tpu.memref_slice %arg6[%dma_wait3A_1291, %dma_wait3A_1293, %dma_wait3A_1294] : memref<10x128x64xf32, #tpu.memory_space<vmem>> -> memref<1x128x64xf32, #tpu.memory_space<vmem>>
    %dma_wait3A_1296 = tpu.memref_squeeze %dma_wait3A_1295 : memref<1x128x64xf32, #tpu.memory_space<vmem>> -> memref<128x64xf32, #tpu.memory_space<vmem>>
    %dma_wait3A_1297 = arith.constant 0 : i32
    %dma_wait3A_1298 = arith.constant 0 : i32
    %dma_wait3A_1299 = tpu.memref_slice %arg4[%dma_wait3A_1297, %dma_wait3A_1298] : memref<819200x128xf32, #tpu.memory_space<hbm>> -> memref<128x64xf32, #tpu.memory_space<hbm>>
    %dma_wait3A_1300 = tpu.memref_slice %arg8[%dma_wait3A_1292] : memref<10x!tpu.dma_semaphore, #tpu.memory_space<semaphore_mem>> -> memref<1x!tpu.dma_semaphore, #tpu.memory_space<semaphore_mem>>
    %dma_wait3A_1301 = tpu.memref_squeeze %dma_wait3A_1300 : memref<1x!tpu.dma_semaphore, #tpu.memory_space<semaphore_mem>> -> memref<!tpu.dma_semaphore, #tpu.memory_space<semaphore_mem>>
    %dma_wait3A_1302 = arith.constant 0 : i32
    %dma_wait3A_1303 = arith.constant 0 : i32
    %dma_wait3A_1304 = tpu.memref_slice %arg4[%dma_wait3A_1302, %dma_wait3A_1303] : memref<819200x128xf32, #tpu.memory_space<hbm>> -> memref<128x64xf32, #tpu.memory_space<hbm>>
    %dma_wait3A_1305 = arith.constant 0 : i32
    %dma_wait3A_1306 = arith.constant 0 : i32
    %dma_wait3A_1307 = tpu.memref_slice %arg6[%dma_wait3A_1291, %dma_wait3A_1305, %dma_wait3A_1306] : memref<10x128x64xf32, #tpu.memory_space<vmem>> -> memref<1x128x64xf32, #tpu.memory_space<vmem>>
    %dma_wait3A_1308 = tpu.memref_squeeze %dma_wait3A_1307 : memref<1x128x64xf32, #tpu.memory_space<vmem>> -> memref<128x64xf32, #tpu.memory_space<vmem>>
    tpu.wait_dma2 semaphore(%dma_wait3A_1301 : memref<!tpu.dma_semaphore, #tpu.memory_space<semaphore_mem>>) src(%dma_wait3A_1308 : memref<128x64xf32, #tpu.memory_space<vmem>>) dst(%dma_wait3A_1304 : memref<128x64xf32, #tpu.memory_space<hbm>>)
    %dma_wait3A_1309 = arith.constant 8 : i32
    %dma_wait3A_1310 = arith.constant 8 : i32
    %dma_wait3A_1311 = arith.constant 0 : i32
    %dma_wait3A_1312 = arith.constant 0 : i32
    %dma_wait3A_1313 = tpu.memref_slice %arg6[%dma_wait3A_1309, %dma_wait3A_1311, %dma_wait3A_1312] : memref<10x128x64xf32, #tpu.memory_space<vmem>> -> memref<1x128x64xf32, #tpu.memory_space<vmem>>
    %dma_wait3A_1314 = tpu.memref_squeeze %dma_wait3A_1313 : memref<1x128x64xf32, #tpu.memory_space<vmem>> -> memref<128x64xf32, #tpu.memory_space<vmem>>
    %dma_wait3A_1315 = arith.constant 0 : i32
    %dma_wait3A_1316 = arith.constant 0 : i32
    %dma_wait3A_1317 = tpu.memref_slice %arg4[%dma_wait3A_1315, %dma_wait3A_1316] : memref<819200x128xf32, #tpu.memory_space<hbm>> -> memref<128x64xf32, #tpu.memory_space<hbm>>
    %dma_wait3A_1318 = tpu.memref_slice %arg8[%dma_wait3A_1310] : memref<10x!tpu.dma_semaphore, #tpu.memory_space<semaphore_mem>> -> memref<1x!tpu.dma_semaphore, #tpu.memory_space<semaphore_mem>>
    %dma_wait3A_1319 = tpu.memref_squeeze %dma_wait3A_1318 : memref<1x!tpu.dma_semaphore, #tpu.memory_space<semaphore_mem>> -> memref<!tpu.dma_semaphore, #tpu.memory_space<semaphore_mem>>
    %dma_wait3A_1320 = arith.constant 0 : i32
    %dma_wait3A_1321 = arith.constant 0 : i32
    %dma_wait3A_1322 = tpu.memref_slice %arg4[%dma_wait3A_1320, %dma_wait3A_1321] : memref<819200x128xf32, #tpu.memory_space<hbm>> -> memref<128x64xf32, #tpu.memory_space<hbm>>
    %dma_wait3A_1323 = arith.constant 0 : i32
    %dma_wait3A_1324 = arith.constant 0 : i32
    %dma_wait3A_1325 = tpu.memref_slice %arg6[%dma_wait3A_1309, %dma_wait3A_1323, %dma_wait3A_1324] : memref<10x128x64xf32, #tpu.memory_space<vmem>> -> memref<1x128x64xf32, #tpu.memory_space<vmem>>
    %dma_wait3A_1326 = tpu.memref_squeeze %dma_wait3A_1325 : memref<1x128x64xf32, #tpu.memory_space<vmem>> -> memref<128x64xf32, #tpu.memory_space<vmem>>
    tpu.wait_dma2 semaphore(%dma_wait3A_1319 : memref<!tpu.dma_semaphore, #tpu.memory_space<semaphore_mem>>) src(%dma_wait3A_1326 : memref<128x64xf32, #tpu.memory_space<vmem>>) dst(%dma_wait3A_1322 : memref<128x64xf32, #tpu.memory_space<hbm>>)
    %dma_wait3A_1327 = arith.constant 9 : i32
    %dma_wait3A_1328 = arith.constant 9 : i32
    %dma_wait3A_1329 = arith.constant 0 : i32
    %dma_wait3A_1330 = arith.constant 0 : i32
    %dma_wait3A_1331 = tpu.memref_slice %arg6[%dma_wait3A_1327, %dma_wait3A_1329, %dma_wait3A_1330] : memref<10x128x64xf32, #tpu.memory_space<vmem>> -> memref<1x128x64xf32, #tpu.memory_space<vmem>>
    %dma_wait3A_1332 = tpu.memref_squeeze %dma_wait3A_1331 : memref<1x128x64xf32, #tpu.memory_space<vmem>> -> memref<128x64xf32, #tpu.memory_space<vmem>>
    %dma_wait3A_1333 = arith.constant 0 : i32
    %dma_wait3A_1334 = arith.constant 0 : i32
    %dma_wait3A_1335 = tpu.memref_slice %arg4[%dma_wait3A_1333, %dma_wait3A_1334] : memref<819200x128xf32, #tpu.memory_space<hbm>> -> memref<128x64xf32, #tpu.memory_space<hbm>>
    %dma_wait3A_1336 = tpu.memref_slice %arg8[%dma_wait3A_1328] : memref<10x!tpu.dma_semaphore, #tpu.memory_space<semaphore_mem>> -> memref<1x!tpu.dma_semaphore, #tpu.memory_space<semaphore_mem>>
    %dma_wait3A_1337 = tpu.memref_squeeze %dma_wait3A_1336 : memref<1x!tpu.dma_semaphore, #tpu.memory_space<semaphore_mem>> -> memref<!tpu.dma_semaphore, #tpu.memory_space<semaphore_mem>>
    %dma_wait3A_1338 = arith.constant 0 : i32
    %dma_wait3A_1339 = arith.constant 0 : i32
    %dma_wait3A_1340 = tpu.memref_slice %arg4[%dma_wait3A_1338, %dma_wait3A_1339] : memref<819200x128xf32, #tpu.memory_space<hbm>> -> memref<128x64xf32, #tpu.memory_space<hbm>>
    %dma_wait3A_1341 = arith.constant 0 : i32
    %dma_wait3A_1342 = arith.constant 0 : i32
    %dma_wait3A_1343 = tpu.memref_slice %arg6[%dma_wait3A_1327, %dma_wait3A_1341, %dma_wait3A_1342] : memref<10x128x64xf32, #tpu.memory_space<vmem>> -> memref<1x128x64xf32, #tpu.memory_space<vmem>>
    %dma_wait3A_1344 = tpu.memref_squeeze %dma_wait3A_1343 : memref<1x128x64xf32, #tpu.memory_space<vmem>> -> memref<128x64xf32, #tpu.memory_space<vmem>>
    tpu.wait_dma2 semaphore(%dma_wait3A_1337 : memref<!tpu.dma_semaphore, #tpu.memory_space<semaphore_mem>>) src(%dma_wait3A_1344 : memref<128x64xf32, #tpu.memory_space<vmem>>) dst(%dma_wait3A_1340 : memref<128x64xf32, #tpu.memory_space<hbm>>)
    return
  }
}

</mosaic_0001>

<sc_bundles>
// kernel: kernel.3.cloned.1.call-start
scs
__scs_entry_jumppad:
0x0: {  	(pc) =	sbr.rel $0x88, $3  }
0x1: {  	(tag) =	ssettag $0x0;
	lr =	simm.s32 $0x1  }
0x2: {  	[smem:$0x3F9F] =	sst lr;
	_ =	strace $0xD0000000  }
0x3: {  	_ = 	snop  }
0x4: {  	_ = 	snop  }
0x5: {  	_ = 	snop  }
0x6: {  	_ = 	snop  }
0x7: {  	_ = 	snop  }
__scs_overlays_trampoline_lowered:
0x8: {  	[smem:$0x3FAE] =	sst s0  }
0x9: {  	[smem:$0x3FAF] =	sst s1  }
0xa: {  	[smem:$0x3FB0] =	sst s2  }
0xb: {  	[smem:$0x3FB1] =	sst s3  }
0xc: {  	[smem:$0x3FB2] =	sst s4  }
0xd: {  	[smem:$0x3FB3] =	sst s5  }
0xe: {  	[smem:$0x3FB4] =	sst s6  }
0xf: {  	[smem:$0x3FB5] =	sst s7  }
0x10: {  	[smem:$0x3FB6] =	sst s8  }
0x11: {  	[smem:$0x3FB7] =	sst s9;
	s0 =	simm.s32 @!p0 $0x0  }
0x12: {  	s1 =	sld [smem:$0x3F9D];
	s0 =	simm.s32 @p0 $0x1  }
0x13: {  	[smem:$0x3FB8] =	sst s0;
	s0 =	simm.s32 @!p1 $0x0  }
0x14: {  	s2 =	sld [smem:$0x3F9C];
	s0 =	simm.s32 @p1 $0x1  }
0x15: {  	[smem:$0x3FB9] =	sst s0;
	s0 =	simm.s32 @!p2 $0x0  }
0x16: {  	s3 =	sld [smem:$0x3FDB];
	s0 =	simm.s32 @p2 $0x1  }
0x17: {  	s4 =	simm.s32 $0x1BF5;
	[smem:$0x3FBB] =	sst s0  }
0x18: {  	s0 =	sld [smem:$0x3F9E];
	_ =	swait.ge [sflag:s4], $0x0  }
0x19: {  	s7 =	sld [smem:$0x3F9F]  }
0x1a: {  	s8 =	sadd.s32 $0xFFFFE003, lr  }
0x1b: {  	s9 =	sadd.s32 $0xFFFFFEF7, lr;
	s5 =	simm.s32 $0xFFFFFFFF;
	p2 =	slt.u32 s8, $0xFFFFF086  }
0x1c: {  	p1 =	slt.u32 s9, $0xF7A;
	s5 =	simm.s32 @!p2 $0x0  }
0x1d: {  	s5 =	simm.s32 @p1 $0x1;
	p0 =	seq.s32 s7, s2  }
0x1e: {  	s7 =	smul.u32 @!p0 $0xF7A, s2;
	p2 =	seq.s32 @!p0 s5, $0x0  }
0x1f: {  	s9 =	smul.u32 $0xF7A, s1;
	s8 =	simm.s32 @!p0 $0x1BF5;
	p2 =	por !p2, p0  }
0x20: {  	[sflag:s8] =	ssyncset.s32 @!p0 $0xFFFFF086;
	s6 =	sadd.s32 @!p0 s3, s7;
	s7 =	simm.s32 @!p0 $0x108  }
0x21: {  	s3 =	sadd.s32 s3, s9;
	s6 =	sadd.s32 @!p0 $0x88, s6;
	s7 =	simm.s32 @p2 $0x1082  }
0x22: {  	[simem:s7], [sflag:s8] =	dma.local @!p0 [hbm:s6], $0xF7A  }
0x23: {  	s9 =	sor.u32 $0xD0000000, s2;
	s6 =	simm.s32 $0x108;
	_ =	swait.ge @!p0 [sflag:s8], $0x0  }
0x24: {  	s3 =	sadd.s32 $0x88, s3;
	s6 =	simm.s32 @!p1 $0x1082;
	[sflag:s4] =	ssyncset.s32 $0xFFFFF086  }
0x25: {  	[simem:s6], [sflag:s4] =	dma.local [hbm:s3], $0xF7A  }
0x26: {  	[smem:$0x3F9F] =	sst s1;
	(tag) =	ssettag s2;
	_ =	strace s9  }
0x27: {  	s1 =	sld [smem:$0x3FAF]  }
0x28: {  	s2 =	sld [smem:$0x3FB0]  }
0x29: {  	s4 =	sld [smem:$0x3FB2]  }
0x2a: {  	p0 =	seq.s32 s5, $0x0;
	s5 =	sld [smem:$0x3FB3]  }
0x2b: {  	s6 =	sld [smem:$0x3FB4]  }
0x2c: {  	s7 =	sld [smem:$0x3FB5]  }
0x2d: {  	s3 =	simm.s32 $0x108;
	s8 =	sld [smem:$0x3FB6]  }
0x2e: {  	s3 =	simm.s32 @!p0 $0x1082;
	s9 =	sld [smem:$0x3FB7]  }
0x2f: {  	lr =	sadd.s32 s0, s3;
	s0 =	sld [smem:$0x3FAE]  }
0x30: {  	s3 =	sld [smem:$0x3FB1]  }
0x31: {  	[smem:$0x3FBA] =	sst s10  }
0x32: {  	s10 =	sld [smem:$0x3FB8];
	_ =	sdelay $0x3  }
0x33: {  	p0 =	seq.s32 s10, $0x1;
	s10 =	sld [smem:$0x3FBA];
	_ =	sdelay $0x3  }
0x34: {  	[smem:$0x3FBA] =	sst s10  }
0x35: {  	s10 =	sld [smem:$0x3FB9];
	_ =	sdelay $0x3  }
0x36: {  	p1 =	seq.s32 s10, $0x1;
	s10 =	sld [smem:$0x3FBA];
	_ =	sdelay $0x3  }
0x37: {  	[smem:$0x3FBA] =	sst s10  }
0x38: {  	s10 =	sld [smem:$0x3FBB]  }
0x39: {  	_ = 	snop;
	(pc) =	sbr.ind lr, $3  }
0x3a: {  	_ = 	snop  }
0x3b: {  	_ = 	snop  }
0x3c: {  	p2 =	seq.s32 s10, $0x1;
	s10 =	sld [smem:$0x3FBA]  }
0x3d: {  	_ =	shalt  }
0x3e: {  	_ =	shalt  }
0x3f: {  	_ =	shalt  }
0x40: {  	_ =	shalt  }
0x41: {  	_ =	shalt  }
0x42: {  	_ =	shalt  }
0x43: {  	_ =	shalt  }
0x44: {  	_ =	shalt  }
0x45: {  	_ =	shalt  }
0x46: {  	_ =	shalt  }
0x47: {  	_ =	shalt  }
0x48: {  	_ =	shalt  }
0x49: {  	_ =	shalt  }
0x4a: {  	_ =	shalt  }
0x4b: {  	_ =	shalt  }
0x4c: {  	_ =	shalt  }
0x4d: {  	_ =	shalt  }
0x4e: {  	_ =	shalt  }
0x4f: {  	_ =	shalt  }
0x50: {  	_ =	shalt  }
0x51: {  	_ =	shalt  }
0x52: {  	_ =	shalt  }
0x53: {  	_ =	shalt  }
0x54: {  	_ =	shalt  }
0x55: {  	_ =	shalt  }
0x56: {  	_ =	shalt  }
0x57: {  	_ =	shalt  }
0x58: {  	_ =	shalt  }
0x59: {  	_ =	shalt  }
0x5a: {  	_ =	shalt  }
0x5b: {  	_ =	shalt  }
0x5c: {  	_ =	shalt  }
0x5d: {  	_ =	shalt  }
0x5e: {  	_ =	shalt  }
0x5f: {  	_ =	shalt  }
0x60: {  	_ =	shalt  }
0x61: {  	_ =	shalt  }
0x62: {  	_ =	shalt  }
0x63: {  	_ =	shalt  }
0x64: {  	_ =	shalt  }
0x65: {  	_ =	shalt  }
0x66: {  	_ =	shalt  }
0x67: {  	_ =	shalt  }
0x68: {  	_ =	shalt  }
0x69: {  	_ =	shalt  }
0x6a: {  	_ =	shalt  }
0x6b: {  	_ =	shalt  }
0x6c: {  	_ =	shalt  }
0x6d: {  	_ =	shalt  }
0x6e: {  	_ =	shalt  }
0x6f: {  	_ =	shalt  }
0x70: {  	_ =	shalt  }
0x71: {  	_ =	shalt  }
0x72: {  	_ =	shalt  }
0x73: {  	_ =	shalt  }
0x74: {  	_ =	shalt  }
0x75: {  	_ =	shalt  }
0x76: {  	_ =	shalt  }
0x77: {  	_ =	shalt  }
0x78: {  	_ =	shalt  }
0x79: {  	_ =	shalt  }
0x7a: {  	_ =	shalt  }
0x7b: {  	_ =	shalt  }
0x7c: {  	_ =	shalt  }
0x7d: {  	_ =	shalt  }
0x7e: {  	_ =	shalt  }
0x7f: {  	_ =	shalt  }
0x80: {  	_ =	shalt  }
0x81: {  	_ =	shalt  }
0x82: {  	_ =	shalt  }
0x83: {  	_ =	shalt  }
0x84: {  	_ =	shalt  }
0x85: {  	_ =	shalt  }
0x86: {  	_ =	shalt  }
0x87: {  	_ =	shalt  }
.Lfunc_end0:
.L_simem_size_0:
called_computation.1_lowered:
.L_overlay_start_0:
0x88: {  	s2 =	sld [smem:$0x3FD9]  }
0x89: {  	s3 =	sld [smem:$0x3FFE];
	_ =	sdelay $0x1  }
0x8a: {  	s1 =	srdreg.scid  }
0x8b: {  	s0 =	sand.u32 $0x1, s1  }
0x8c: {  	s17 =	sshll.u32 s0, $0xA;
	s2 =	sadd.s32 s3, s2  }
0x8d: {  	s2 =	sadd.s32 s2, s17  }
0x8e: {  	[smem:$0x3FC6] =	sst s2  }
0x8f: {  	_ = 	snop  }
0x90: {  	s2 =	sld [smem:$0x3FD0];
	(tm) =	ssettm $0x1  }
0x91: {  	s18 =	sld [smem:$0x3FFB];
	_ =	sdelay $0x3  }
0x92: {  	_ =	strace s18  }
0x93: {  	s3 =	sld [smem:$0x3FFC];
	_ =	sdelay $0x3  }
0x94: {  	_ =	strace s3  }
0x95: {  	s3 =	sld [smem:$0x3FFD];
	_ =	sdelay $0x3  }
0x96: {  	_ =	strace s3  }
0x97: {  	_ =	strace $0x8FFFFFFF  }
0x98: {  	s19 =	sld [smem:$0x3FDB];
	_ =	sdelay $0x1  }
0x99: {  	s4 =	simm.s32 $_scs_section_size  }
0x9a: {  	s5 =	simm.s32 $_size__tile_overlayer_lowered;
	s6 =	simm.s32 $_tile_overlayer_lowered  }
0x9b: {  	s22 =	simm.s32 $0x1BFF;
	s21 =	sshll.u32 s6, $0x1;
	s3 =	sadd.s32 s4, s19  }
0x9c: {  	s7 =	simm.s32 $0x0;
	s20 =	sshll.u32 s5, $0x1;
	s5 =	sadd.s32 s21, s3  }
0x9d: {  	[timem:s7], [sflag:s22] =	dma.local [hbm:s5], s20  }
0x9e: {  	_ =	swait.ge [sflag:s22], s20  }
0x9f: {  	s4 =	ssub.s32 $0x0, s20;
	[sflag:s22] =	ssyncset.done $0x0  }
0xa0: {  	[sflag:s22] =	ssyncadd.s32 s4;
	_ =	sdelay $0x1  }
0xa1: {  	s23 =	simm.s32 $0x1B8B  }
0xa2: {  	_ =	swait.ge [sflag:s23], $0x1  }
0xa3: {  	[sflag:s23] =	ssyncset.done $0x0  }
0xa4: {  	s25 =	simm.s32 $0x1B8E;
	s24 =	sld [smem:$0x3FFE];
	[sflag:s23] =	ssyncadd.s32 $0xFFFFFFFF  }
0xa5: {  	s26 =	simm.s32 $execute0_lowered;
	[smem:$0x3FD2] =	sst s25  }
0xa6: {  	s5 =	sshll.u32 s26, $0x1;
	_ =	strace $0x80000046;
	[dreg:$0x1] =	wrdreg $0xFFFFFFFF  }
0xa7: {  	s28 =	simm.s32 $_size_execute0_lowered;
	s3 =	sadd.s32 s3, s5;
	[dreg:$0x0] =	wrdreg $0x0  }
0xa8: {  	s5 =	sshll.u32 s28, $0x1;
	[dreg:$0x2] =	wrdreg s3  }
0xa9: {  	[dreg:$0x3] =	wrdreg s5  }
0xaa: {  	[dreg:$0x4] =	wrdreg $0xC0  }
0xab: {  	_ =	task [dreg:s7], $0x5FFFF  }
0xac: {  	[dreg:$0x1] =	wrdreg $0xFFFFFFFF  }
0xad: {  	[dreg:$0x0] =	wrdreg $0x60  }
0xae: {  	[dreg:$0x2] =	wrdreg s24  }
0xaf: {  	[dreg:$0x3] =	wrdreg s2  }
0xb0: {  	[dreg:$0x4] =	wrdreg $0x9  }
0xb1: {  	_ =	task.clear_ibuf [dreg:s7], $0x5FFFF;
	_ =	strace $0x90000046  }
0xb2: {  	s29 =	simm.s32 $0x9;
	_ =	strace $0x80000048  }
0xb3: {  	_ =	swait.ge [sflag:s29], $0x1  }
0xb4: {  	[sflag:s29] =	ssyncadd.s32 $0xFFFFFFFF  }
0xb5: {  	_ =	strace $0x90000048  }
0xb6: {  	_ =	sfence  }
0xb7: {  	s30 =	sld [smem:$0x0];
	_ =	sdelay $0x2  }
0xb8: {  	s31 =	sshll.u32 s1, $0xD;
	s1 =	sshrl.u32 s1, $0x2  }
0xb9: {  	s3 =	sand.u32 $0x4000, s31;
	s1 =	sadd.s32 s1, s30  }
0xba: {  	s0 =	sor.u32 s3, s0;
	s1 =	sshll.u32 s1, $0x11  }
0xbb: {  	s0 =	sor.u32 s1, s0  }
0xbc: {  	s0 =	sadd.s32 $0x8F2B, s0  }
0xbd: {  	[sflag:s0] =	ssyncadd.remote.s32 $0x1  }
0xbe: {  	_ =	sfence.sel $0xFFFF  }
0xbf: {  	[dreg:$0x0] =	wrdreg $0xFFFFFFFF;
	(pc) =	sbr.abs _section_cstart, $3  }
0xc0: {  	[dreg:$0x1] =	wrdreg $0xFFFFFFFF  }
0xc1: {  	_ =	task.clear_ibuf [dreg:s7], $0x2FFFF;
	_ =	strace $0x9FFFFFFF  }
0xc2: {  	(tm) =	ssettm $0x7FFFFFFF  }
0xc3: {  	_ =	shalt  }
tec
execute0_lowered:
.L_overlay_start_1:
0x0: {  	(tag) =	ssettag $0x1  }
0x1: {  	s0 =	rddreg [dreg:$0x0]  }
0x2: {  	s1 =	rddreg [dreg:$0x1]  }
0x3: {  	s2 =	srdreg.scid;
	s8 =	stileid.u32;
	s4 =	simm.s32 $0x0  }
0x4: {  	s2 =	sand.u32 $0x1, s2;
	s3 =	sshll.u32 s8, $0x1;
	[smem:$0x7FF] =	sst s4  }
0x5: {  	s9 =	sadd.s32 $0xA00, s0;
	s14 =	sor.u32 s2, s3;
	s6 =	ssub.s32 $0x2, s2  }
0x6: {  	_ =	strace $0x80000047;
	s5 =	smul.u32 $0x6400, s14;
	s15 =	sshrl.u32 s6, $0x1  }
0x7: {  	s3 =	sadd.s32 $0xF42E00, s0;
	[dreg:$0xd] =	wrdreg s9;
	s0 =	ssub.s32 s6, s15  }
0x8: {  	s7 =	smul.u32 $0x64000, s14;
	s5 =	sshrl.u32 s5, $0x3;
	s0 =	smax.u32 s0, $0x1  }
0x9: {  	s1 =	sadd.s32 s1, s5;
	[smem:$0x7FC] =	sst s0  }
0xa: {  	s5 =	sadd.s32 s9, s7;
	[dreg:$0xe] =	wrdreg s1  }
0xb: {  	s18 =	sadd.s32 $0x800, s5;
	[dreg:$0xf] =	wrdreg s5  }
0xc: {  	s19 =	sadd.s32 $0x1000, s5;
	[dreg:$0x10] =	wrdreg s18  }
0xd: {  	s4 =	smul.u32 $0x320000, s14;
	s20 =	sadd.s32 $0x1800, s5;
	[dreg:$0x11] =	wrdreg s19  }
0xe: {  	s17 =	smul.u32 $0x6400, s2;
	s21 =	sadd.s32 $0x2000, s5;
	[dreg:$0x12] =	wrdreg s20  }
0xf: {  	s22 =	sshrl.u32 s4, $0x3;
	s23 =	sadd.s32 $0x2800, s5;
	[dreg:$0x13] =	wrdreg s21  }
0x10: {  	s2 =	sadd.s32 s9, s22;
	s24 =	sadd.s32 $0x3000, s5;
	[dreg:$0x14] =	wrdreg s23  }
0x11: {  	s25 =	sadd.s32 $0x4000, s2;
	[dreg:$0x15] =	wrdreg s24  }
0x12: {  	s7 =	sadd.s32 $0x4800, s2;
	[dreg:$0x16] =	wrdreg s25  }
0x13: {  	s9 =	sadd.s32 $0x5F000, s2;
	[dreg:$0x17] =	wrdreg s7  }
0x14: {  	s11 =	sadd.s32 $0x5F800, s2;
	[dreg:$0x18] =	wrdreg s9  }
0x15: {  	s16 =	smul.u32 $0xC800, s8;
	s13 =	sadd.s32 $0x60000, s2;
	[dreg:$0x19] =	wrdreg s11  }
0x16: {  	s15 =	sadd.s32 $0x60800, s2;
	[dreg:$0x1a] =	wrdreg s13  }
0x17: {  	s1 =	sadd.s32 s17, s16;
	s17 =	sadd.s32 $0x61000, s2;
	[dreg:$0x1b] =	wrdreg s15  }
0x18: {  	[dreg:$0x1c] =	wrdreg s17;
	s19 =	sadd.s32 $0x61800, s2  }
0x19: {  	s21 =	sadd.s32 $0x62000, s2;
	[dreg:$0x1d] =	wrdreg s19  }
0x1a: {  	s23 =	sadd.s32 $0x62800, s2;
	[dreg:$0x1e] =	wrdreg s21  }
0x1b: {  	s29 =	simm.s32 $0x80;
	s24 =	sadd.s32 $0x63000, s2;
	[dreg:$0x1f] =	wrdreg s23  }
0x1c: {  	s1 =	sshll.u32 s1, $0x4;
	s25 =	sadd.s32 $0x63800, s2;
	[smem:$0x7FA] =	sst s24  }
0x1d: {  	s28 =	simm.s32 $0x11;
	s26 =	sadd.s32 $0x7000, s1;
	[smem:$0x7FB] =	sst s25  }
0x1e: {  	s30 =	simm.s32 $0x13;
	s8 =	sadd.s32 $0x6800, s1;
	[dreg:$0x3] =	wrdreg s26  }
0x1f: {  	s31 =	simm.s32 $0x14;
	s10 =	sadd.s32 $0x6000, s1;
	[dreg:$0x4] =	wrdreg s8  }
0x20: {  	s6 =	simm.s32 $0x10;
	s12 =	sadd.s32 $0x5800, s1;
	[dreg:$0x5] =	wrdreg s10  }
0x21: {  	s4 =	simm.s32 $0x12;
	s14 =	sadd.s32 $0x5000, s1;
	[dreg:$0x6] =	wrdreg s12  }
0x22: {  	s7 =	simm.s32 $0x40;
	s16 =	sadd.s32 $0x9800, s1;
	[dreg:$0x7] =	wrdreg s14  }
0x23: {  	s18 =	sadd.s32 $0x9000, s1;
	s20 =	sadd.s32 $0x8800, s1;
	[dreg:$0x8] =	wrdreg s16  }
0x24: {  	s22 =	sadd.s32 $0x8000, s1;
	s1 =	sadd.s32 $0x7800, s1;
	[dreg:$0x9] =	wrdreg s18  }
0x25: {  	s19 =	simm.s32 $0x7;
	s21 =	simm.s32 $0x8;
	[dreg:$0xa] =	wrdreg s20  }
0x26: {  	s23 =	simm.s32 $0x9;
	s24 =	simm.s32 $0xE;
	[dreg:$0xb] =	wrdreg s22  }
0x27: {  	s25 =	simm.s32 $0xA;
	[dreg:$0xc] =	wrdreg s1;
	s26 =	sadd.s32 $0x3800, s5  }
0x28: {  	s18 =	simm.s32 $0xB;
	s20 =	simm.s32 $0xC;
	s22 =	simm.s32 $0xD  }
0x29: {  	s1 =	simm.s32 $0x0;
	[smem:$0x7FD] =	sst s26;
	s26 =	simm.s32 $0xF  }
.LBB2_1:
0x2a: {  	[smem:$0x7F9] =	sst s1  }
0x2b: {  	s0 =	simm.s32 $0x0;
	s13 =	rddreg [dreg:$0xe];
	s14 =	simm.s32 $0x15  }
0x2c: {  	[tilespmem:s0], [sflag:$0x15] =	stream.linear.gather [hbm4b:s13+s0], $0x6400, $0x38;
	[tilespmem:$0x1A400] =	vst v63  }
0x2d: {  	_ =	swait.ge [sflag:s14], $0x6400  }
0x2e: {  	[sflag:s14] =	ssyncset.done $0x0  }
0x2f: {  	s12 =	simm.s32 $0x6400;
	[sflag:s14] =	ssyncadd.s32 $0xFFFF9C00  }
0x30: {  	[tilespmem:s12], [sflag:$0x1] =	stream.indirect.gather [hbm4b:s3+s29], $0x40, s0, s29, $0xb8;
	[tilespmem:$0x1A400] =	vst v63  }
0x31: {  	s16 =	simm.s32 $0x8400  }
0x32: {  	[tilespmem:s16], [sflag:$0x2] =	stream.indirect.gather [hbm4b:s3+s29], $0x40, s29, s29, $0xb8;
	[tilespmem:$0x1A400] =	vst v63  }
0x33: {  	s15 =	simm.s32 $0x100;
	s17 =	simm.s32 $0xA400  }
0x34: {  	[tilespmem:s17], [sflag:$0x3] =	stream.indirect.gather [hbm4b:s3+s29], $0x40, s15, s29, $0xb8;
	[tilespmem:$0x1A400] =	vst v63  }
0x35: {  	s2 =	simm.s32 $0x180;
	s8 =	simm.s32 $0xC400  }
0x36: {  	[tilespmem:s8], [sflag:$0x4] =	stream.indirect.gather [hbm4b:s3+s29], $0x40, s2, s29, $0xb8;
	[tilespmem:$0x1A400] =	vst v63  }
0x37: {  	s9 =	simm.s32 $0x200;
	s14 =	simm.s32 $0xE400;
	s8 =	simm.s32 $0x1  }
0x38: {  	[tilespmem:s14], [sflag:$0x5] =	stream.indirect.gather [hbm4b:s3+s29], $0x40, s9, s29, $0xb8;
	[tilespmem:$0x1A400] =	vst v63  }
0x39: {  	_ =	swait.ge [sflag:s8], $0x2000  }
0x3a: {  	[sflag:s8] =	ssyncset.done $0x0  }
0x3b: {  	s10 =	rddreg [dreg:$0xf];
	[sflag:s8] =	ssyncadd.s32 $0xFFFFE000  }
0x3c: {  	[hbm4b:s10+s7] =	stream.strided.scatter [tilespmem:s12], [sflag:$0xB], $0x2000, s29, s7, $0x38;
	[tilespmem:$0x1A400] =	vst v63  }
0x3d: {  	s11 =	simm.s32 $0x280;
	s17 =	simm.s32 $0x10400;
	s9 =	simm.s32 $0x2  }
0x3e: {  	[tilespmem:s17], [sflag:$0x6] =	stream.indirect.gather [hbm4b:s3+s29], $0x40, s11, s29, $0xb8;
	[tilespmem:$0x1A400] =	vst v63  }
0x3f: {  	_ =	swait.ge [sflag:s9], $0x2000  }
0x40: {  	[sflag:s9] =	ssyncset.done $0x0  }
0x41: {  	s13 =	rddreg [dreg:$0x10];
	[sflag:s9] =	ssyncadd.s32 $0xFFFFE000  }
0x42: {  	[hbm4b:s13+s7] =	stream.strided.scatter [tilespmem:s16], [sflag:$0xC], $0x2000, s29, s7, $0x38;
	[tilespmem:$0x1A400] =	vst v63  }
0x43: {  	s15 =	simm.s32 $0x300;
	s2 =	simm.s32 $0x12400;
	s11 =	simm.s32 $0x3  }
0x44: {  	[tilespmem:s2], [sflag:$0x7] =	stream.indirect.gather [hbm4b:s3+s29], $0x40, s15, s29, $0xb8;
	[tilespmem:$0x1A400] =	vst v63  }
0x45: {  	_ =	swait.ge [sflag:s11], $0x2000  }
0x46: {  	[sflag:s11] =	ssyncset.done $0x0  }
0x47: {  	s5 =	simm.s32 $0xA400;
	s10 =	rddreg [dreg:$0x11];
	[sflag:s11] =	ssyncadd.s32 $0xFFFFE000  }
0x48: {  	[hbm4b:s10+s7] =	stream.strided.scatter [tilespmem:s5], [sflag:$0xD], $0x2000, s29, s7, $0x38;
	[tilespmem:$0x1A400] =	vst v63  }
0x49: {  	s13 =	simm.s32 $0x380;
	s10 =	simm.s32 $0x14400  }
0x4a: {  	[tilespmem:s10], [sflag:$0x8] =	stream.indirect.gather [hbm4b:s3+s29], $0x40, s13, s29, $0xb8;
	[tilespmem:$0x1A400] =	vst v63  }
0x4b: {  	s13 =	simm.s32 $0x4  }
0x4c: {  	_ =	swait.ge [sflag:s13], $0x2000  }
0x4d: {  	[sflag:s13] =	ssyncset.done $0x0  }
0x4e: {  	s1 =	simm.s32 $0xC400;
	s15 =	rddreg [dreg:$0x12];
	[sflag:s13] =	ssyncadd.s32 $0xFFFFE000  }
0x4f: {  	[hbm4b:s15+s7] =	stream.strided.scatter [tilespmem:s1], [sflag:$0xE], $0x2000, s29, s7, $0x38;
	[tilespmem:$0x1A400] =	vst v63  }
0x50: {  	s10 =	simm.s32 $0x400;
	s15 =	simm.s32 $0x16400  }
0x51: {  	[tilespmem:s15], [sflag:$0x9] =	stream.indirect.gather [hbm4b:s3+s29], $0x40, s10, s29, $0xb8;
	[tilespmem:$0x1A400] =	vst v63  }
0x52: {  	s15 =	simm.s32 $0x5  }
0x53: {  	_ =	swait.ge [sflag:s15], $0x2000  }
0x54: {  	[sflag:s15] =	ssyncset.done $0x0  }
0x55: {  	s1 =	rddreg [dreg:$0x13];
	[sflag:s15] =	ssyncadd.s32 $0xFFFFE000  }
0x56: {  	[hbm4b:s1+s7] =	stream.strided.scatter [tilespmem:s14], [sflag:$0xF], $0x2000, s29, s7, $0x38;
	[tilespmem:$0x1A400] =	vst v63  }
0x57: {  	s0 =	simm.s32 $0x480;
	s1 =	simm.s32 $0x18400  }
0x58: {  	[tilespmem:s1], [sflag:$0xA] =	stream.indirect.gather [hbm4b:s3+s29], $0x40, s0, s29, $0xb8;
	[tilespmem:$0x1A400] =	vst v63  }
0x59: {  	s1 =	simm.s32 $0x6  }
0x5a: {  	_ =	swait.ge [sflag:s1], $0x2000  }
0x5b: {  	[sflag:s1] =	ssyncset.done $0x0  }
0x5c: {  	s0 =	rddreg [dreg:$0x14];
	[sflag:s1] =	ssyncadd.s32 $0xFFFFE000  }
0x5d: {  	[hbm4b:s0+s7] =	stream.strided.scatter [tilespmem:s17], [sflag:$0x10], $0x2000, s29, s7, $0x38;
	[tilespmem:$0x1A400] =	vst v63  }
0x5e: {  	_ =	swait.ge [sflag:s18], $0x2000  }
0x5f: {  	[sflag:s18] =	ssyncset.done $0x0  }
0x60: {  	s0 =	simm.s32 $0x500;
	[sflag:s18] =	ssyncadd.s32 $0xFFFFE000  }
0x61: {  	[tilespmem:s12], [sflag:$0x1] =	stream.indirect.gather [hbm4b:s3+s29], $0x40, s0, s29, $0xb8;
	[tilespmem:$0x1A400] =	vst v63  }
0x62: {  	_ =	swait.ge [sflag:s19], $0x2000  }
0x63: {  	[sflag:s19] =	ssyncset.done $0x0  }
0x64: {  	s2 =	simm.s32 $0x12400;
	s0 =	rddreg [dreg:$0x15];
	[sflag:s19] =	ssyncadd.s32 $0xFFFFE000  }
0x65: {  	[hbm4b:s0+s7] =	stream.strided.scatter [tilespmem:s2], [sflag:$0x11], $0x2000, s29, s7, $0x38;
	[tilespmem:$0x1A400] =	vst v63  }
0x66: {  	_ =	swait.ge [sflag:s20], $0x2000  }
0x67: {  	[sflag:s20] =	ssyncset.done $0x0  }
0x68: {  	s2 =	simm.s32 $0x580;
	[sflag:s20] =	ssyncadd.s32 $0xFFFFE000  }
0x69: {  	[tilespmem:s16], [sflag:$0x2] =	stream.indirect.gather [hbm4b:s3+s29], $0x40, s2, s29, $0xb8;
	[tilespmem:$0x1A400] =	vst v63  }
0x6a: {  	_ =	swait.ge [sflag:s21], $0x2000  }
0x6b: {  	s2 =	sld [smem:$0x7FD]  }
0x6c: {  	[sflag:s21] =	ssyncset.done $0x0  }
0x6d: {  	s5 =	simm.s32 $0x14400;
	[sflag:s21] =	ssyncadd.s32 $0xFFFFE000  }
0x6e: {  	[hbm4b:s2+s7] =	stream.strided.scatter [tilespmem:s5], [sflag:$0x12], $0x2000, s29, s7, $0x38;
	[tilespmem:$0x1A400] =	vst v63  }
0x6f: {  	_ =	swait.ge [sflag:s22], $0x2000  }
0x70: {  	[sflag:s22] =	ssyncset.done $0x0  }
0x71: {  	s5 =	simm.s32 $0x600;
	s2 =	simm.s32 $0xA400;
	[sflag:s22] =	ssyncadd.s32 $0xFFFFE000  }
0x72: {  	[tilespmem:s2], [sflag:$0x3] =	stream.indirect.gather [hbm4b:s3+s29], $0x40, s5, s29, $0xb8;
	[tilespmem:$0x1A400] =	vst v63  }
0x73: {  	_ =	swait.ge [sflag:s23], $0x2000  }
0x74: {  	[sflag:s23] =	ssyncset.done $0x0  }
0x75: {  	s10 =	simm.s32 $0x16400;
	s5 =	rddreg [dreg:$0x16];
	[sflag:s23] =	ssyncadd.s32 $0xFFFFE000  }
0x76: {  	[hbm4b:s5+s7] =	stream.strided.scatter [tilespmem:s10], [sflag:$0x13], $0x2000, s29, s7, $0x38;
	[tilespmem:$0x1A400] =	vst v63  }
0x77: {  	_ =	swait.ge [sflag:s24], $0x2000  }
0x78: {  	[sflag:s24] =	ssyncset.done $0x0  }
0x79: {  	s5 =	simm.s32 $0x680;
	s10 =	simm.s32 $0xC400;
	[sflag:s24] =	ssyncadd.s32 $0xFFFFE000  }
0x7a: {  	[tilespmem:s10], [sflag:$0x4] =	stream.indirect.gather [hbm4b:s3+s29], $0x40, s5, s29, $0xb8;
	[tilespmem:$0x1A400] =	vst v63  }
0x7b: {  	_ =	swait.ge [sflag:s25], $0x2000  }
0x7c: {  	[sflag:s25] =	ssyncset.done $0x0  }
0x7d: {  	s10 =	simm.s32 $0x18400;
	s0 =	rddreg [dreg:$0x17];
	[sflag:s25] =	ssyncadd.s32 $0xFFFFE000  }
0x7e: {  	[hbm4b:s0+s7] =	stream.strided.scatter [tilespmem:s10], [sflag:$0x14], $0x2000, s29, s7, $0x38;
	[tilespmem:$0x1A400] =	vst v63  }
0x7f: {  	_ =	swait.ge [sflag:s26], $0x2000  }
0x80: {  	[sflag:s26] =	ssyncset.done $0x0  }
0x81: {  	s10 =	simm.s32 $0x700;
	[sflag:s26] =	ssyncadd.s32 $0xFFFFE000  }
0x82: {  	[tilespmem:s14], [sflag:$0x5] =	stream.indirect.gather [hbm4b:s3+s29], $0x40, s10, s29, $0xb8;
	[tilespmem:$0x1A400] =	vst v63  }
0x83: {  	_ =	swait.ge [sflag:s8], $0x2000  }
0x84: {  	s10 =	rddreg [dreg:$0x7];
	[sflag:s8] =	ssyncset.done $0x0  }
0x85: {  	[sflag:s8] =	ssyncadd.s32 $0xFFFFE000;
	s8 =	rddreg [dreg:$0xd]  }
0x86: {  	s0 =	sadd.s32 s8, s10  }
0x87: {  	[hbm4b:s0+s7] =	stream.strided.scatter [tilespmem:s12], [sflag:$0xB], $0x2000, s29, s7, $0x38;
	[tilespmem:$0x1A400] =	vst v63  }
0x88: {  	_ =	swait.ge [sflag:s6], $0x2000  }
0x89: {  	[sflag:s6] =	ssyncset.done $0x0  }
0x8a: {  	s10 =	simm.s32 $0x780;
	[sflag:s6] =	ssyncadd.s32 $0xFFFFE000  }
0x8b: {  	[tilespmem:s17], [sflag:$0x6] =	stream.indirect.gather [hbm4b:s3+s29], $0x40, s10, s29, $0xb8;
	[tilespmem:$0x1A400] =	vst v63  }
0x8c: {  	_ =	swait.ge [sflag:s9], $0x2000  }
0x8d: {  	s10 =	rddreg [dreg:$0x6];
	[sflag:s9] =	ssyncset.done $0x0  }
0x8e: {  	[sflag:s9] =	ssyncadd.s32 $0xFFFFE000;
	s0 =	sadd.s32 s8, s10  }
0x8f: {  	[hbm4b:s0+s7] =	stream.strided.scatter [tilespmem:s16], [sflag:$0xC], $0x2000, s29, s7, $0x38;
	[tilespmem:$0x1A400] =	vst v63  }
0x90: {  	_ =	swait.ge [sflag:s28], $0x2000  }
0x91: {  	[sflag:s28] =	ssyncset.done $0x0  }
0x92: {  	s9 =	simm.s32 $0x800;
	s10 =	simm.s32 $0x12400;
	[sflag:s28] =	ssyncadd.s32 $0xFFFFE000  }
0x93: {  	[tilespmem:s10], [sflag:$0x7] =	stream.indirect.gather [hbm4b:s3+s29], $0x40, s9, s29, $0xb8;
	[tilespmem:$0x1A400] =	vst v63  }
0x94: {  	_ =	swait.ge [sflag:s11], $0x2000  }
0x95: {  	s9 =	rddreg [dreg:$0x5];
	[sflag:s11] =	ssyncset.done $0x0  }
0x96: {  	[sflag:s11] =	ssyncadd.s32 $0xFFFFE000;
	s0 =	sadd.s32 s8, s9  }
0x97: {  	[hbm4b:s0+s7] =	stream.strided.scatter [tilespmem:s2], [sflag:$0xD], $0x2000, s29, s7, $0x38;
	[tilespmem:$0x1A400] =	vst v63  }
0x98: {  	_ =	swait.ge [sflag:s4], $0x2000  }
0x99: {  	[sflag:s4] =	ssyncset.done $0x0  }
0x9a: {  	s9 =	simm.s32 $0x880;
	s11 =	simm.s32 $0x14400;
	[sflag:s4] =	ssyncadd.s32 $0xFFFFE000  }
0x9b: {  	[tilespmem:s11], [sflag:$0x8] =	stream.indirect.gather [hbm4b:s3+s29], $0x40, s9, s29, $0xb8;
	[tilespmem:$0x1A400] =	vst v63  }
0x9c: {  	_ =	swait.ge [sflag:s13], $0x2000  }
0x9d: {  	s9 =	rddreg [dreg:$0x4];
	[sflag:s13] =	ssyncset.done $0x0  }
0x9e: {  	s5 =	simm.s32 $0xC400;
	[sflag:s13] =	ssyncadd.s32 $0xFFFFE000;
	s0 =	sadd.s32 s8, s9  }
0x9f: {  	[hbm4b:s0+s7] =	stream.strided.scatter [tilespmem:s5], [sflag:$0xE], $0x2000, s29, s7, $0x38;
	[tilespmem:$0x1A400] =	vst v63  }
0xa0: {  	_ =	swait.ge [sflag:s30], $0x2000  }
0xa1: {  	[sflag:s30] =	ssyncset.done $0x0  }
0xa2: {  	s9 =	simm.s32 $0x16400;
	s5 =	simm.s32 $0x900;
	[sflag:s30] =	ssyncadd.s32 $0xFFFFE000  }
0xa3: {  	[tilespmem:s9], [sflag:$0x9] =	stream.indirect.gather [hbm4b:s3+s29], $0x40, s5, s29, $0xb8;
	[tilespmem:$0x1A400] =	vst v63  }
0xa4: {  	_ =	swait.ge [sflag:s15], $0x2000  }
0xa5: {  	s5 =	rddreg [dreg:$0x3];
	[sflag:s15] =	ssyncset.done $0x0  }
0xa6: {  	[sflag:s15] =	ssyncadd.s32 $0xFFFFE000;
	s0 =	sadd.s32 s8, s5  }
0xa7: {  	[hbm4b:s0+s7] =	stream.strided.scatter [tilespmem:s14], [sflag:$0xF], $0x2000, s29, s7, $0x38;
	[tilespmem:$0x1A400] =	vst v63  }
0xa8: {  	_ =	swait.ge [sflag:s31], $0x2000  }
0xa9: {  	[sflag:s31] =	ssyncset.done $0x0  }
0xaa: {  	s5 =	simm.s32 $0x18400;
	s14 =	simm.s32 $0x980;
	[sflag:s31] =	ssyncadd.s32 $0xFFFFE000  }
0xab: {  	[tilespmem:s5], [sflag:$0xA] =	stream.indirect.gather [hbm4b:s3+s29], $0x40, s14, s29, $0xb8;
	[tilespmem:$0x1A400] =	vst v63  }
0xac: {  	_ =	swait.ge [sflag:s1], $0x2000  }
0xad: {  	s15 =	rddreg [dreg:$0xc];
	[sflag:s1] =	ssyncset.done $0x0  }
0xae: {  	[sflag:s1] =	ssyncadd.s32 $0xFFFFE000;
	s0 =	sadd.s32 s8, s15  }
0xaf: {  	[hbm4b:s0+s7] =	stream.strided.scatter [tilespmem:s17], [sflag:$0x10], $0x2000, s29, s7, $0x38;
	[tilespmem:$0x1A400] =	vst v63  }
0xb0: {  	_ =	swait.ge [sflag:s18], $0x2000  }
0xb1: {  	[sflag:s18] =	ssyncset.done $0x0  }
0xb2: {  	s17 =	simm.s32 $0xA00;
	[sflag:s18] =	ssyncadd.s32 $0xFFFFE000  }
0xb3: {  	[tilespmem:s12], [sflag:$0x1] =	stream.indirect.gather [hbm4b:s3+s29], $0x40, s17, s29, $0xb8;
	[tilespmem:$0x1A400] =	vst v63  }
0xb4: {  	_ =	swait.ge [sflag:s19], $0x2000  }
0xb5: {  	s1 =	rddreg [dreg:$0xb];
	[sflag:s19] =	ssyncset.done $0x0  }
0xb6: {  	s10 =	simm.s32 $0x12400;
	[sflag:s19] =	ssyncadd.s32 $0xFFFFE000;
	s0 =	sadd.s32 s8, s1  }
0xb7: {  	[hbm4b:s0+s7] =	stream.strided.scatter [tilespmem:s10], [sflag:$0x11], $0x2000, s29, s7, $0x38;
	[tilespmem:$0x1A400] =	vst v63  }
0xb8: {  	_ =	swait.ge [sflag:s20], $0x2000  }
0xb9: {  	[sflag:s20] =	ssyncset.done $0x0  }
0xba: {  	s10 =	simm.s32 $0xA80;
	[sflag:s20] =	ssyncadd.s32 $0xFFFFE000  }
0xbb: {  	[tilespmem:s16], [sflag:$0x2] =	stream.indirect.gather [hbm4b:s3+s29], $0x40, s10, s29, $0xb8;
	[tilespmem:$0x1A400] =	vst v63  }
0xbc: {  	_ =	swait.ge [sflag:s21], $0x2000  }
0xbd: {  	s12 =	rddreg [dreg:$0xa];
	[sflag:s21] =	ssyncset.done $0x0  }
0xbe: {  	s11 =	simm.s32 $0x14400;
	[sflag:s21] =	ssyncadd.s32 $0xFFFFE000;
	s0 =	sadd.s32 s8, s12  }
0xbf: {  	[hbm4b:s0+s7] =	stream.strided.scatter [tilespmem:s11], [sflag:$0x12], $0x2000, s29, s7, $0x38;
	[tilespmem:$0x1A400] =	vst v63  }
0xc0: {  	_ =	swait.ge [sflag:s22], $0x2000  }
0xc1: {  	[sflag:s22] =	ssyncset.done $0x0  }
0xc2: {  	s2 =	simm.s32 $0xA400;
	s14 =	simm.s32 $0xB00;
	[sflag:s22] =	ssyncadd.s32 $0xFFFFE000  }
0xc3: {  	[tilespmem:s2], [sflag:$0x3] =	stream.indirect.gather [hbm4b:s3+s29], $0x40, s14, s29, $0xb8;
	[tilespmem:$0x1A400] =	vst v63  }
0xc4: {  	_ =	swait.ge [sflag:s23], $0x2000  }
0xc5: {  	s15 =	rddreg [dreg:$0x9];
	[sflag:s23] =	ssyncset.done $0x0  }
0xc6: {  	[sflag:s23] =	ssyncadd.s32 $0xFFFFE000;
	s0 =	sadd.s32 s8, s15  }
0xc7: {  	[hbm4b:s0+s7] =	stream.strided.scatter [tilespmem:s9], [sflag:$0x13], $0x2000, s29, s7, $0x38;
	[tilespmem:$0x1A400] =	vst v63  }
0xc8: {  	_ =	swait.ge [sflag:s24], $0x2000  }
0xc9: {  	[sflag:s24] =	ssyncset.done $0x0  }
0xca: {  	s13 =	simm.s32 $0xC400;
	s16 =	simm.s32 $0xB80;
	[sflag:s24] =	ssyncadd.s32 $0xFFFFE000  }
0xcb: {  	[tilespmem:s13], [sflag:$0x4] =	stream.indirect.gather [hbm4b:s3+s29], $0x40, s16, s29, $0xb8;
	[tilespmem:$0x1A400] =	vst v63  }
0xcc: {  	_ =	swait.ge [sflag:s25], $0x2000  }
0xcd: {  	s17 =	rddreg [dreg:$0x8];
	[sflag:s25] =	ssyncset.done $0x0  }
0xce: {  	[sflag:s25] =	ssyncadd.s32 $0xFFFFE000;
	s0 =	sadd.s32 s8, s17  }
0xcf: {  	[hbm4b:s0+s7] =	stream.strided.scatter [tilespmem:s5], [sflag:$0x14], $0x2000, s29, s7, $0x38;
	[tilespmem:$0x1A400] =	vst v63  }
0xd0: {  	_ =	swait.ge [sflag:s26], $0x2000  }
0xd1: {  	s1 =	simm.s32 $0x1400;
	[sflag:s26] =	ssyncset.done $0x0  }
0xd2: {  	s2 =	simm.s32 $0xC00;
	s0 =	sadd.s32 $0x5000, s8;
	[sflag:s26] =	ssyncadd.s32 $0xFFFFE000  }
.LBB2_2:
0xd3: {  	s12 =	simm.s32 $0xE400;
	s5 =	simm.s32 $0x1  }
0xd4: {  	[tilespmem:s12], [sflag:$0x5] =	stream.indirect.gather [hbm4b:s3+s29], $0x40, s2, s29, $0xb8;
	[tilespmem:$0x1A400] =	vst v63  }
0xd5: {  	_ =	swait.ge [sflag:s5], $0x2000  }
0xd6: {  	s8 =	rddreg [dreg:$0x7];
	[sflag:s5] =	ssyncset.done $0x0  }
0xd7: {  	s10 =	simm.s32 $0x6400;
	[sflag:s5] =	ssyncadd.s32 $0xFFFFE000;
	s8 =	sadd.s32 s0, s8  }
0xd8: {  	[hbm4b:s8+s7] =	stream.strided.scatter [tilespmem:s10], [sflag:$0xB], $0x2000, s29, s7, $0x38;
	[tilespmem:$0x1A400] =	vst v63  }
0xd9: {  	s9 =	smov.u32 s1;
	_ =	swait.ge [sflag:s6], $0x2000  }
0xda: {  	s13 =	simm.s32 $0x2;
	s2 =	sshra.s32 s9, $0x2;
	[sflag:s6] =	ssyncset.done $0x0  }
0xdb: {  	s9 =	simm.s32 $0x10400;
	s11 =	sadd.s32 $0x780, s2;
	[sflag:s6] =	ssyncadd.s32 $0xFFFFE000  }
0xdc: {  	[tilespmem:s9], [sflag:$0x6] =	stream.indirect.gather [hbm4b:s3+s29], $0x40, s11, s29, $0xb8;
	[tilespmem:$0x1A400] =	vst v63  }
0xdd: {  	_ =	swait.ge [sflag:s13], $0x2000  }
0xde: {  	s14 =	rddreg [dreg:$0x6];
	[sflag:s13] =	ssyncset.done $0x0  }
0xdf: {  	[sflag:s13] =	ssyncadd.s32 $0xFFFFE000;
	s8 =	sadd.s32 s0, s14;
	s14 =	simm.s32 $0x8400  }
0xe0: {  	[hbm4b:s8+s7] =	stream.strided.scatter [tilespmem:s14], [sflag:$0xC], $0x2000, s29, s7, $0x38;
	[tilespmem:$0x1A400] =	vst v63  }
0xe1: {  	_ =	swait.ge [sflag:s28], $0x2000  }
0xe2: {  	s16 =	simm.s32 $0x3;
	[sflag:s28] =	ssyncset.done $0x0  }
0xe3: {  	s15 =	sadd.s32 $0x800, s2;
	s11 =	simm.s32 $0x12400;
	[sflag:s28] =	ssyncadd.s32 $0xFFFFE000  }
0xe4: {  	[tilespmem:s11], [sflag:$0x7] =	stream.indirect.gather [hbm4b:s3+s29], $0x40, s15, s29, $0xb8;
	[tilespmem:$0x1A400] =	vst v63  }
0xe5: {  	_ =	swait.ge [sflag:s16], $0x2000  }
0xe6: {  	s17 =	rddreg [dreg:$0x5];
	[sflag:s16] =	ssyncset.done $0x0  }
0xe7: {  	[sflag:s16] =	ssyncadd.s32 $0xFFFFE000;
	s8 =	sadd.s32 s0, s17;
	s16 =	simm.s32 $0xA400  }
0xe8: {  	[hbm4b:s8+s7] =	stream.strided.scatter [tilespmem:s16], [sflag:$0xD], $0x2000, s29, s7, $0x38;
	[tilespmem:$0x1A400] =	vst v63  }
0xe9: {  	_ =	swait.ge [sflag:s4], $0x2000  }
0xea: {  	s5 =	sadd.s32 $0x880, s2;
	[sflag:s4] =	ssyncset.done $0x0  }
0xeb: {  	s13 =	simm.s32 $0x14400;
	s8 =	simm.s32 $0x4;
	[sflag:s4] =	ssyncadd.s32 $0xFFFFE000  }
0xec: {  	[tilespmem:s13], [sflag:$0x8] =	stream.indirect.gather [hbm4b:s3+s29], $0x40, s5, s29, $0xb8;
	[tilespmem:$0x1A400] =	vst v63  }
0xed: {  	_ =	swait.ge [sflag:s8], $0x2000  }
0xee: {  	s15 =	rddreg [dreg:$0x4];
	[sflag:s8] =	ssyncset.done $0x0  }
0xef: {  	s5 =	simm.s32 $0xC400;
	[sflag:s8] =	ssyncadd.s32 $0xFFFFE000;
	s8 =	sadd.s32 s0, s15  }
0xf0: {  	[hbm4b:s8+s7] =	stream.strided.scatter [tilespmem:s5], [sflag:$0xE], $0x2000, s29, s7, $0x38;
	[tilespmem:$0x1A400] =	vst v63  }
0xf1: {  	_ =	swait.ge [sflag:s30], $0x2000  }
0xf2: {  	[sflag:s30] =	ssyncset.done $0x0  }
0xf3: {  	s17 =	sadd.s32 $0x900, s2;
	s15 =	simm.s32 $0x16400;
	[sflag:s30] =	ssyncadd.s32 $0xFFFFE000  }
0xf4: {  	[tilespmem:s15], [sflag:$0x9] =	stream.indirect.gather [hbm4b:s3+s29], $0x40, s17, s29, $0xb8;
	[tilespmem:$0x1A400] =	vst v63  }
0xf5: {  	s17 =	simm.s32 $0x5  }
0xf6: {  	_ =	swait.ge [sflag:s17], $0x2000  }
0xf7: {  	s8 =	rddreg [dreg:$0x3];
	[sflag:s17] =	ssyncset.done $0x0  }
0xf8: {  	[sflag:s17] =	ssyncadd.s32 $0xFFFFE000;
	s8 =	sadd.s32 s0, s8  }
0xf9: {  	[hbm4b:s8+s7] =	stream.strided.scatter [tilespmem:s12], [sflag:$0xF], $0x2000, s29, s7, $0x38;
	[tilespmem:$0x1A400] =	vst v63  }
0xfa: {  	_ =	swait.ge [sflag:s31], $0x2000  }
0xfb: {  	[sflag:s31] =	ssyncset.done $0x0  }
0xfc: {  	s17 =	simm.s32 $0x18400;
	s12 =	sadd.s32 $0x980, s2;
	[sflag:s31] =	ssyncadd.s32 $0xFFFFE000  }
0xfd: {  	[tilespmem:s17], [sflag:$0xA] =	stream.indirect.gather [hbm4b:s3+s29], $0x40, s12, s29, $0xb8;
	[tilespmem:$0x1A400] =	vst v63  }
0xfe: {  	s12 =	simm.s32 $0x6  }
0xff: {  	_ =	swait.ge [sflag:s12], $0x2000  }
0x100: {  	s8 =	rddreg [dreg:$0xc];
	[sflag:s12] =	ssyncset.done $0x0  }
0x101: {  	[sflag:s12] =	ssyncadd.s32 $0xFFFFE000;
	s8 =	sadd.s32 s0, s8  }
0x102: {  	[hbm4b:s8+s7] =	stream.strided.scatter [tilespmem:s9], [sflag:$0x10], $0x2000, s29, s7, $0x38;
	[tilespmem:$0x1A400] =	vst v63  }
0x103: {  	_ =	swait.ge [sflag:s18], $0x2000  }
0x104: {  	[sflag:s18] =	ssyncset.done $0x0  }
0x105: {  	s9 =	sadd.s32 $0xA00, s2;
	[sflag:s18] =	ssyncadd.s32 $0xFFFFE000  }
0x106: {  	[tilespmem:s10], [sflag:$0x1] =	stream.indirect.gather [hbm4b:s3+s29], $0x40, s9, s29, $0xb8;
	[tilespmem:$0x1A400] =	vst v63  }
0x107: {  	_ =	swait.ge [sflag:s19], $0x2000  }
0x108: {  	s10 =	rddreg [dreg:$0xb];
	[sflag:s19] =	ssyncset.done $0x0  }
0x109: {  	[sflag:s19] =	ssyncadd.s32 $0xFFFFE000;
	s8 =	sadd.s32 s0, s10  }
0x10a: {  	[hbm4b:s8+s7] =	stream.strided.scatter [tilespmem:s11], [sflag:$0x11], $0x2000, s29, s7, $0x38;
	[tilespmem:$0x1A400] =	vst v63  }
0x10b: {  	_ =	swait.ge [sflag:s20], $0x2000  }
0x10c: {  	[sflag:s20] =	ssyncset.done $0x0  }
0x10d: {  	s11 =	sadd.s32 $0xA80, s2;
	[sflag:s20] =	ssyncadd.s32 $0xFFFFE000  }
0x10e: {  	[tilespmem:s14], [sflag:$0x2] =	stream.indirect.gather [hbm4b:s3+s29], $0x40, s11, s29, $0xb8;
	[tilespmem:$0x1A400] =	vst v63  }
0x10f: {  	_ =	swait.ge [sflag:s21], $0x2000  }
0x110: {  	s14 =	rddreg [dreg:$0xa];
	[sflag:s21] =	ssyncset.done $0x0  }
0x111: {  	[sflag:s21] =	ssyncadd.s32 $0xFFFFE000;
	s8 =	sadd.s32 s0, s14  }
0x112: {  	[hbm4b:s8+s7] =	stream.strided.scatter [tilespmem:s13], [sflag:$0x12], $0x2000, s29, s7, $0x38;
	[tilespmem:$0x1A400] =	vst v63  }
0x113: {  	_ =	swait.ge [sflag:s22], $0x2000  }
0x114: {  	[sflag:s22] =	ssyncset.done $0x0  }
0x115: {  	s9 =	sadd.s32 $0xB00, s2;
	[sflag:s22] =	ssyncadd.s32 $0xFFFFE000  }
0x116: {  	[tilespmem:s16], [sflag:$0x3] =	stream.indirect.gather [hbm4b:s3+s29], $0x40, s9, s29, $0xb8;
	[tilespmem:$0x1A400] =	vst v63  }
0x117: {  	_ =	swait.ge [sflag:s23], $0x2000  }
0x118: {  	s11 =	rddreg [dreg:$0x9];
	[sflag:s23] =	ssyncset.done $0x0  }
0x119: {  	[sflag:s23] =	ssyncadd.s32 $0xFFFFE000;
	s8 =	sadd.s32 s0, s11  }
0x11a: {  	[hbm4b:s8+s7] =	stream.strided.scatter [tilespmem:s15], [sflag:$0x13], $0x2000, s29, s7, $0x38;
	[tilespmem:$0x1A400] =	vst v63  }
0x11b: {  	_ =	swait.ge [sflag:s24], $0x2000  }
0x11c: {  	[sflag:s24] =	ssyncset.done $0x0  }
0x11d: {  	s13 =	sadd.s32 $0xB80, s2;
	[sflag:s24] =	ssyncadd.s32 $0xFFFFE000  }
0x11e: {  	[tilespmem:s5], [sflag:$0x4] =	stream.indirect.gather [hbm4b:s3+s29], $0x40, s13, s29, $0xb8;
	[tilespmem:$0x1A400] =	vst v63  }
0x11f: {  	p0 =	sne.s32 s1, $0x15400;
	_ =	swait.ge [sflag:s25], $0x2000  }
0x120: {  	s1 =	sadd.s32 $0x1400, s1;
	s15 =	rddreg [dreg:$0x8];
	[sflag:s25] =	ssyncset.done $0x0  }
.Ltmp0:
0x121: {  	[sflag:s25] =	ssyncadd.s32 $0xFFFFE000;
	s8 =	sadd.s32 s0, s15;
	(pc) =	sbr.rel @p0 .LBB2_2-.Ltmp0, $4  }
0x122: {  	[hbm4b:s8+s7] =	stream.strided.scatter [tilespmem:s17], [sflag:$0x14], $0x2000, s29, s7, $0x38;
	[tilespmem:$0x1A400] =	vst v63  }
0x123: {  	s12 =	simm.s32 $0x6400;
	s10 =	simm.s32 $0x8400;
	_ =	swait.ge [sflag:s26], $0x2000  }
0x124: {  	s14 =	simm.s32 $0xA400;
	s2 =	sadd.s32 $0xC00, s2;
	[sflag:s26] =	ssyncset.done $0x0  }
0x125: {  	s16 =	simm.s32 $0xC400;
	s0 =	sadd.s32 $0x5000, s0;
	[sflag:s26] =	ssyncadd.s32 $0xFFFFE000  }
0x126: {  	s1 =	simm.s32 $0xE400;
	s0 =	simm.s32 $0x1  }
0x127: {  	[tilespmem:s1], [sflag:$0x5] =	stream.indirect.gather [hbm4b:s3+s29], $0x40, s2, s29, $0xb8;
	[tilespmem:$0x1A400] =	vst v63  }
0x128: {  	_ =	swait.ge [sflag:s0], $0x2000  }
0x129: {  	[sflag:s0] =	ssyncset.done $0x0  }
0x12a: {  	s11 =	rddreg [dreg:$0x18];
	[sflag:s0] =	ssyncadd.s32 $0xFFFFE000  }
0x12b: {  	[hbm4b:s11+s7] =	stream.strided.scatter [tilespmem:s12], [sflag:$0xB], $0x2000, s29, s7, $0x38;
	[tilespmem:$0x1A400] =	vst v63  }
0x12c: {  	_ =	swait.ge [sflag:s6], $0x2000  }
0x12d: {  	s13 =	simm.s32 $0x2;
	[sflag:s6] =	ssyncset.done $0x0  }
0x12e: {  	s2 =	simm.s32 $0x10400;
	s12 =	simm.s32 $0x6180;
	[sflag:s6] =	ssyncadd.s32 $0xFFFFE000  }
0x12f: {  	[tilespmem:s2], [sflag:$0x6] =	stream.indirect.gather [hbm4b:s3+s29], $0x40, s12, s29, $0xb8;
	[tilespmem:$0x1A400] =	vst v63  }
0x130: {  	_ =	swait.ge [sflag:s13], $0x2000  }
0x131: {  	[sflag:s13] =	ssyncset.done $0x0  }
0x132: {  	s15 =	rddreg [dreg:$0x19];
	[sflag:s13] =	ssyncadd.s32 $0xFFFFE000  }
0x133: {  	[hbm4b:s15+s7] =	stream.strided.scatter [tilespmem:s10], [sflag:$0xC], $0x2000, s29, s7, $0x38;
	[tilespmem:$0x1A400] =	vst v63  }
0x134: {  	_ =	swait.ge [sflag:s28], $0x2000  }
0x135: {  	s5 =	simm.s32 $0x12400;
	[sflag:s28] =	ssyncset.done $0x0  }
0x136: {  	s17 =	simm.s32 $0x6200;
	s8 =	simm.s32 $0x3;
	[sflag:s28] =	ssyncadd.s32 $0xFFFFE000  }
0x137: {  	[tilespmem:s5], [sflag:$0x7] =	stream.indirect.gather [hbm4b:s3+s29], $0x40, s17, s29, $0xb8;
	[tilespmem:$0x1A400] =	vst v63  }
0x138: {  	_ =	swait.ge [sflag:s8], $0x2000  }
0x139: {  	[sflag:s8] =	ssyncset.done $0x0  }
0x13a: {  	s9 =	rddreg [dreg:$0x1a];
	[sflag:s8] =	ssyncadd.s32 $0xFFFFE000  }
0x13b: {  	[hbm4b:s9+s7] =	stream.strided.scatter [tilespmem:s14], [sflag:$0xD], $0x2000, s29, s7, $0x38;
	[tilespmem:$0x1A400] =	vst v63  }
0x13c: {  	_ =	swait.ge [sflag:s4], $0x2000  }
0x13d: {  	s11 =	simm.s32 $0x4;
	[sflag:s4] =	ssyncset.done $0x0  }
0x13e: {  	s10 =	simm.s32 $0x6280;
	s8 =	simm.s32 $0x14400;
	[sflag:s4] =	ssyncadd.s32 $0xFFFFE000  }
0x13f: {  	[tilespmem:s8], [sflag:$0x8] =	stream.indirect.gather [hbm4b:s3+s29], $0x40, s10, s29, $0xb8;
	[tilespmem:$0x1A400] =	vst v63  }
0x140: {  	_ =	swait.ge [sflag:s11], $0x2000  }
0x141: {  	[sflag:s11] =	ssyncset.done $0x0  }
0x142: {  	s12 =	rddreg [dreg:$0x1b];
	[sflag:s11] =	ssyncadd.s32 $0xFFFFE000  }
0x143: {  	[hbm4b:s12+s7] =	stream.strided.scatter [tilespmem:s16], [sflag:$0xE], $0x2000, s29, s7, $0x38;
	[tilespmem:$0x1A400] =	vst v63  }
0x144: {  	_ =	swait.ge [sflag:s30], $0x2000  }
0x145: {  	s13 =	simm.s32 $0x6300;
	[sflag:s30] =	ssyncset.done $0x0  }
0x146: {  	s9 =	simm.s32 $0x16400;
	s14 =	simm.s32 $0x5;
	[sflag:s30] =	ssyncadd.s32 $0xFFFFE000  }
0x147: {  	[tilespmem:s9], [sflag:$0x9] =	stream.indirect.gather [hbm4b:s3+s29], $0x40, s13, s29, $0xb8;
	[tilespmem:$0x1A400] =	vst v63  }
0x148: {  	_ =	swait.ge [sflag:s14], $0x2000  }
0x149: {  	[sflag:s14] =	ssyncset.done $0x0  }
0x14a: {  	s15 =	rddreg [dreg:$0x1c];
	[sflag:s14] =	ssyncadd.s32 $0xFFFFE000  }
0x14b: {  	[hbm4b:s15+s7] =	stream.strided.scatter [tilespmem:s1], [sflag:$0xF], $0x2000, s29, s7, $0x38;
	[tilespmem:$0x1A400] =	vst v63  }
0x14c: {  	_ =	swait.ge [sflag:s31], $0x2000  }
0x14d: {  	s17 =	simm.s32 $0x6380;
	[sflag:s31] =	ssyncset.done $0x0  }
0x14e: {  	s10 =	simm.s32 $0x6;
	s16 =	simm.s32 $0x18400;
	[sflag:s31] =	ssyncadd.s32 $0xFFFFE000  }
0x14f: {  	[tilespmem:s16], [sflag:$0xA] =	stream.indirect.gather [hbm4b:s3+s29], $0x40, s17, s29, $0xb8;
	[tilespmem:$0x1A400] =	vst v63  }
0x150: {  	_ =	swait.ge [sflag:s10], $0x2000  }
0x151: {  	[sflag:s10] =	ssyncset.done $0x0  }
0x152: {  	s11 =	rddreg [dreg:$0x1d];
	[sflag:s10] =	ssyncadd.s32 $0xFFFFE000  }
0x153: {  	[hbm4b:s11+s7] =	stream.strided.scatter [tilespmem:s2], [sflag:$0x10], $0x2000, s29, s7, $0x38;
	[tilespmem:$0x1A400] =	vst v63  }
0x154: {  	_ =	swait.ge [sflag:s19], $0x2000  }
0x155: {  	[sflag:s19] =	ssyncset.done $0x0  }
0x156: {  	s12 =	rddreg [dreg:$0x1e];
	[sflag:s19] =	ssyncadd.s32 $0xFFFFE000  }
0x157: {  	[hbm4b:s12+s7] =	stream.strided.scatter [tilespmem:s5], [sflag:$0x11], $0x2000, s29, s7, $0x38;
	[tilespmem:$0x1A400] =	vst v63  }
0x158: {  	_ =	swait.ge [sflag:s21], $0x2000  }
0x159: {  	[sflag:s21] =	ssyncset.done $0x0  }
0x15a: {  	s13 =	rddreg [dreg:$0x1f];
	[sflag:s21] =	ssyncadd.s32 $0xFFFFE000  }
0x15b: {  	[hbm4b:s13+s7] =	stream.strided.scatter [tilespmem:s8], [sflag:$0x12], $0x2000, s29, s7, $0x38;
	[tilespmem:$0x1A400] =	vst v63  }
0x15c: {  	_ =	swait.ge [sflag:s23], $0x2000  }
0x15d: {  	s14 =	sld [smem:$0x7FA]  }
0x15e: {  	[sflag:s23] =	ssyncset.done $0x0  }
0x15f: {  	[sflag:s23] =	ssyncadd.s32 $0xFFFFE000  }
0x160: {  	[hbm4b:s14+s7] =	stream.strided.scatter [tilespmem:s9], [sflag:$0x13], $0x2000, s29, s7, $0x38;
	[tilespmem:$0x1A400] =	vst v63  }
0x161: {  	_ =	swait.ge [sflag:s25], $0x2000  }
0x162: {  	s15 =	sld [smem:$0x7FB]  }
0x163: {  	[sflag:s25] =	ssyncset.done $0x0  }
0x164: {  	[sflag:s25] =	ssyncadd.s32 $0xFFFFE000  }
0x165: {  	[hbm4b:s15+s7] =	stream.strided.scatter [tilespmem:s16], [sflag:$0x14], $0x2000, s29, s7, $0x38;
	[tilespmem:$0x1A400] =	vst v63  }
0x166: {  	_ =	swait.ge [sflag:s18], $0x2000  }
0x167: {  	[sflag:s18] =	ssyncset.done $0x0  }
0x168: {  	[sflag:s18] =	ssyncadd.s32 $0xFFFFE000  }
0x169: {  	_ =	swait.ge [sflag:s20], $0x2000  }
0x16a: {  	[sflag:s20] =	ssyncset.done $0x0  }
0x16b: {  	[sflag:s20] =	ssyncadd.s32 $0xFFFFE000  }
0x16c: {  	_ =	swait.ge [sflag:s22], $0x2000  }
0x16d: {  	[sflag:s22] =	ssyncset.done $0x0  }
0x16e: {  	[sflag:s22] =	ssyncadd.s32 $0xFFFFE000  }
0x16f: {  	_ =	swait.ge [sflag:s24], $0x2000  }
0x170: {  	[sflag:s24] =	ssyncset.done $0x0  }
0x171: {  	[sflag:s24] =	ssyncadd.s32 $0xFFFFE000  }
0x172: {  	_ =	swait.ge [sflag:s26], $0x2000  }
0x173: {  	[sflag:s26] =	ssyncset.done $0x0  }
0x174: {  	[sflag:s26] =	ssyncadd.s32 $0xFFFFE000  }
0x175: {  	_ =	swait.ge [sflag:s6], $0x2000  }
0x176: {  	[sflag:s6] =	ssyncset.done $0x0  }
0x177: {  	[sflag:s6] =	ssyncadd.s32 $0xFFFFE000  }
0x178: {  	_ =	swait.ge [sflag:s28], $0x2000  }
0x179: {  	[sflag:s28] =	ssyncset.done $0x0  }
0x17a: {  	[sflag:s28] =	ssyncadd.s32 $0xFFFFE000  }
0x17b: {  	_ =	swait.ge [sflag:s4], $0x2000  }
0x17c: {  	[sflag:s4] =	ssyncset.done $0x0  }
0x17d: {  	[sflag:s4] =	ssyncadd.s32 $0xFFFFE000  }
0x17e: {  	_ =	swait.ge [sflag:s30], $0x2000  }
0x17f: {  	[sflag:s30] =	ssyncset.done $0x0  }
0x180: {  	[sflag:s30] =	ssyncadd.s32 $0xFFFFE000  }
0x181: {  	_ =	swait.ge [sflag:s31], $0x2000  }
0x182: {  	s16 =	sld [smem:$0x7F9]  }
0x183: {  	s17 =	sld [smem:$0x7FC];
	_ =	sdelay $0x1  }
0x184: {  	s1 =	sadd.s32 $0x1, s16  }
0x185: {  	p0 =	sne.s32 s1, s17  }
.Ltmp1:
0x186: {  	_ = 	snop;
	(pc) =	sbr.rel @p0 .LBB2_1-.Ltmp1, $3  }
0x187: {  	_ =	sdelay $0x1  }
0x188: {  	[sflag:s31] =	ssyncset.done $0x0  }
0x189: {  	[sflag:s31] =	ssyncadd.s32 $0xFFFFE000  }
0x18a: {  	_ =	sfence.sel $0x180000  }
0x18b: {  	[bflag:$0x0] =	sbarrier.arrive $0xFFFF  }
0x18c: {  	_ =	strace $0x90000047  }
0x18d: {  	s0 =	stileid.u32;
	[bflag:$0x2] =	sbarrier.arrive $0xFFFF  }
0x18e: {  	p0 =	sne.s32 s0, $0x0;
	s0 =	rddreg [dreg:$0x2]  }
0x18f: {  	s0 =	sadd.s32 @!p0 $0x100000, s0  }
0x190: {  	[sflag:s0] =	ssyncadd.tile.s32 @!p0 $0x1;
	_ =	shalt  }
.Lfunc_end2:
_tile_overlayer_lowered:
.L_overlay_start_2:
0x191: {  	(tag) =	ssettag $0x2  }
0x192: {  	s0 =	rddreg [dreg:$0x0];
	s2 =	stileid.u32  }
0x193: {  	s1 =	rddreg [dreg:$0x1];
	p0 =	sne.s32 s2, $0x0  }
0x194: {  	s3 =	rddreg [dreg:$0x2];
	[bflag:$0x3] =	sbarrier.arrive $0xFFFF;
	s2 =	simm.s32 @!p0 $0x1C15  }
0x195: {  	[timem:s3], [sflag:s2] =	dma.local @!p0 [hbm:s0], s1  }
0x196: {  	s0 =	simm.s32 @!p0 $0x15  }
0x197: {  	_ =	swait.ge @!p0 [sflag:s0], s1  }
0x198: {  	s1 =	ssub.s32 @!p0 $0x0, s1;
	[sflag:s0] =	ssyncset.done @!p0 $0x0  }
0x199: {  	[sflag:s0] =	ssyncadd.s32 @!p0 s1  }
0x19a: {  	[bflag:$0x3] =	sbarrier.arrive $0xFFFF  }
0x19b: {  	_ =	shalt  }

// kernel: sparse-core-data-format-call.cloned.1.call-start
scs
called_computation_lowered:
.L_overlay_start_0:
0x0: {  	s2 =	sld [smem:$0x3FD9]  }
0x1: {  	s3 =	sld [smem:$0x3FFE];
	_ =	sdelay $0x1  }
0x2: {  	s1 =	srdreg.scid  }
0x3: {  	s0 =	sand.u32 $0x1, s1  }
0x4: {  	s18 =	sshll.u32 s0, $0xA;
	s2 =	sadd.s32 s3, s2  }
0x5: {  	s2 =	sadd.s32 s2, s18  }
0x6: {  	[smem:$0x3FC6] =	sst s2  }
0x7: {  	_ = 	snop  }
0x8: {  	s2 =	sld [smem:$0x3FD0];
	(tm) =	ssettm $0x1  }
0x9: {  	s19 =	sld [smem:$0x3FFB];
	_ =	sdelay $0x3  }
0xa: {  	_ =	strace s19  }
0xb: {  	s3 =	sld [smem:$0x3FFC];
	_ =	sdelay $0x3  }
0xc: {  	_ =	strace s3  }
0xd: {  	s3 =	sld [smem:$0x3FFD];
	_ =	sdelay $0x3  }
0xe: {  	_ =	strace s3  }
0xf: {  	_ =	strace $0x8FFFFFFF  }
0x10: {  	s20 =	sld [smem:$0x3FDB];
	_ =	sdelay $0x1  }
0x11: {  	s4 =	simm.s32 $_scs_section_size  }
0x12: {  	s5 =	simm.s32 $_size__tile_overlayer_lowered;
	s6 =	simm.s32 $_tile_overlayer_lowered  }
0x13: {  	s23 =	simm.s32 $0x1BFF;
	s22 =	sshll.u32 s6, $0x1;
	s3 =	sadd.s32 s4, s20  }
0x14: {  	s7 =	simm.s32 $0x0;
	s21 =	sshll.u32 s5, $0x1;
	s5 =	sadd.s32 s22, s3  }
0x15: {  	[timem:s7], [sflag:s23] =	dma.local [hbm:s5], s21  }
0x16: {  	_ =	swait.ge [sflag:s23], s21  }
0x17: {  	s4 =	ssub.s32 $0x0, s21;
	[sflag:s23] =	ssyncset.done $0x0  }
0x18: {  	[sflag:s23] =	ssyncadd.s32 s4;
	_ =	sdelay $0x1  }
0x19: {  	s24 =	simm.s32 $0x1B8B  }
0x1a: {  	_ =	swait.ge [sflag:s24], $0x1  }
0x1b: {  	[sflag:s24] =	ssyncset.done $0x0  }
0x1c: {  	s26 =	simm.s32 $0x1B8E;
	s25 =	sld [smem:$0x3FFE];
	[sflag:s24] =	ssyncadd.s32 $0xFFFFFFFF  }
0x1d: {  	s27 =	simm.s32 $execute0_lowered;
	[smem:$0x3FD2] =	sst s26  }
0x1e: {  	s5 =	sshll.u32 s27, $0x1;
	_ =	strace $0x80000049;
	[dreg:$0x1] =	wrdreg $0xFFFFFFFF  }
0x1f: {  	s28 =	simm.s32 $_size_execute0_lowered;
	s3 =	sadd.s32 s3, s5;
	[dreg:$0x0] =	wrdreg $0x0  }
0x20: {  	s5 =	sshll.u32 s28, $0x1;
	[dreg:$0x2] =	wrdreg s3  }
0x21: {  	[dreg:$0x3] =	wrdreg s5  }
0x22: {  	[dreg:$0x4] =	wrdreg $0xC0  }
0x23: {  	_ =	task [dreg:s7], $0x5FFFF  }
0x24: {  	[dreg:$0x1] =	wrdreg $0xFFFFFFFF  }
0x25: {  	[dreg:$0x0] =	wrdreg $0x60  }
0x26: {  	[dreg:$0x2] =	wrdreg s25  }
0x27: {  	[dreg:$0x3] =	wrdreg s2  }
0x28: {  	[dreg:$0x4] =	wrdreg $0x9  }
0x29: {  	_ =	task.clear_ibuf [dreg:s7], $0x5FFFF;
	_ =	strace $0x90000049  }
0x2a: {  	s29 =	simm.s32 $0x9;
	_ =	strace $0x8000004B  }
0x2b: {  	_ =	swait.ge [sflag:s29], $0x1  }
0x2c: {  	[sflag:s29] =	ssyncadd.s32 $0xFFFFFFFF  }
0x2d: {  	_ =	strace $0x9000004B  }
0x2e: {  	_ =	sfence  }
0x2f: {  	s30 =	sld [smem:$0x0];
	_ =	sdelay $0x2  }
0x30: {  	s31 =	sshll.u32 s1, $0xD;
	s1 =	sshrl.u32 s1, $0x2  }
0x31: {  	s3 =	sand.u32 $0x4000, s31;
	s1 =	sadd.s32 s1, s30  }
0x32: {  	s0 =	sor.u32 s3, s0;
	s1 =	sshll.u32 s1, $0x11  }
0x33: {  	s0 =	sor.u32 s1, s0  }
0x34: {  	s0 =	sadd.s32 $0x8F2B, s0  }
0x35: {  	[sflag:s0] =	ssyncadd.remote.s32 $0x1  }
0x36: {  	_ =	sfence.sel $0xFFFF  }
0x37: {  	[dreg:$0x0] =	wrdreg $0xFFFFFFFF;
	(pc) =	sbr.abs _section_cstart, $3  }
0x38: {  	[dreg:$0x1] =	wrdreg $0xFFFFFFFF  }
0x39: {  	_ =	task.clear_ibuf [dreg:s7], $0x2FFFF;
	_ =	strace $0x9FFFFFFF  }
0x3a: {  	(tm) =	ssettm $0x7FFFFFFF  }
0x3b: {  	_ =	shalt  }
tec
execute0_lowered:
.L_overlay_start_1:
0x0: {  	(tag) =	ssettag $0x1  }
0x1: {  	s0 =	srdreg.scid  }
0x2: {  	s1 =	sshll.u32 s0, $0x4  }
0x3: {  	s0 =	stileid.u32;
	s1 =	sand.u32 $0x10, s1  }
0x4: {  	s1 =	sor.u32 s0, s1  }
0x5: {  	s6 =	rddreg [dreg:$0x0];
	s4 =	simm.s32 $0x1;
	s2 =	sshll.u32 s1, $0x7  }
0x6: {  	s7 =	simm.s32 $0x2;
	s12 =	simm.s32 $0x0;
	s1 =	ssub.s32 $0x1000, s2  }
0x7: {  	s8 =	simm.s32 $0x8000;
	s13 =	simm.s32 $0x0;
	s3 =	sand.u32 $0xF80, s1  }
0x8: {  	s9 =	simm.s32 $0x0;
	s5 =	sshrl.u32 s1, $0xC;
	p0 =	sne.s32 s3, $0x0  }
.Ltmp0:
0x9: {  	s1 =	rddreg [dreg:$0x2];
	s4 =	simm.s32 @!p0 $0x0;
	(pc) =	sbr.rel .LBB1_1-.Ltmp0, $4  }
0xa: {  	s11 =	simm.s32 $0x0;
	s3 =	rddreg [dreg:$0x1];
	s5 =	sadd.s32 s4, s5  }
0xb: {  	_ =	strace $0x8000004A;
	s4 =	simm.s32 $0x1;
	s5 =	smul.u32 $0xC8, s5  }
0xc: {  	s6 =	sadd.s32 $0xA00, s6;
	s10 =	smov.u32 s2;
	[sflag:s4] =	ssyncpa.u1 $0x0  }
0xd: {  	p0 =	por $0x0, $0x0;
	[sflag:s7] =	ssyncpa.u1 $0x0;
	s7 =	sor.u32 $0x1, s5  }
.LBB1_4:
0xe: {  	s16 =	sshll.u32 s13, $0x3;
	s17 =	sand.u32 $0x78, s13  }
0xf: {  	s30 =	sand.u32 $0x7E00, s13;
	s12 =	sshll.u32 s12, $0xF;
	s16 =	sand.u32 $0xC00, s16  }
0x10: {  	[tilespmem:s15+$0x810 ss:$0x81] =	vst.msk $0xffff, v2;
	s31 =	sand.u32 $0x7, s13;
	s16 =	sor.u32 s17, s16;
	s17 =	sadd.s32 s3, s30  }
0x11: {  	[tilespmem:s15+$0x1020 ss:$0x81] =	vst.msk $0xffff, v0;
	s13 =	sshll.u32 s31, $0x12;
	s12 =	sadd.s32 s12, s17;
	s16 =	sshrl.u32 s16, $0x3  }
0x12: {  	[tilespmem:s15+$0x0 ss:$0x81] =	vst.msk $0xffff, v1;
	s13 =	sor.u32 $0x400, s13;
	s12 =	sadd.s32 s16, s12  }
0x13: {  	[hbm4b:s12+s13] =	stream.strided.scatter [tilespmem:s14], [sflag:$0x2], $0x2000, s8, s13, $0x20;
	[tilespmem:$0x8080] =	vst v63  }
.LBB1_5:
0x14: {  	s14 =	sadd.s32 $0x1, s9  }
0x15: {  	s12 =	sadd.s32 $0x1000, s10;
	s16 =	smov.u32 s10;
	p2 =	sgt.s32 s14, $0xC7  }
0x16: {  	s16 =	smov.u32 @p2 s12  }
0x17: {  	s14 =	simm.s32 @p2 $0x0;
	p2 =	sgt.s32 s16, $0xFFF  }
0x18: {  	s16 =	smov.u32 @p2 s2;
	p2 =	sne.s32 s11, s7  }
.Ltmp1:
0x19: {  	p1 =	slt.u32 s11, $0x2;
	(pc) =	sbr.rel @!p2 .LBB1_6-.Ltmp1, $4  }
0x1a: {  	s15 =	simm.s32 @!p1 $0x2  }
0x1b: {  	s13 =	smov.u32 s10;
	p0 =	por !p0, !p0;
	_ =	swait.ge @!p1 [sflag:s15], $0x2000  }
0x1c: {  	s12 =	smov.u32 s9;
	[sflag:s15] =	ssyncset.done @!p1 $0x0;
	s9 =	smov.u32 s14  }
0x1d: {  	s11 =	sadd.s32 $0x1, s11;
	[sflag:s15] =	ssyncadd.s32 @!p1 $0xFFFFE000;
	s10 =	smov.u32 s16  }
.LBB1_1:
0x1e: {  	p1 =	sge.u32 s11, s5  }
0x1f: {  	s14 =	sand.u32 @!p1 $0x1FFFFFF, s9  }
0x20: {  	s15 =	smulhi.u32 @!p1 $0x147AE15, s14;
	_ =	sdelay $0x1  }
0x21: {  	s15 =	smul.u32 @!p1 $0xC8, s15  }
0x22: {  	s16 =	sxor.u32 @!p1 $0xFFFFFFFF, s11;
	s17 =	smul.u32 @!p1 $0xC80, s10  }
0x23: {  	s31 =	sadd.s32 $0xFFFFFFFF, s11;
	s16 =	sshll.u32 @!p1 s16, $0xD;
	s14 =	ssub.s32 @!p1 s14, s15  }
0x24: {  	s15 =	sand.u32 @!p1 $0x2000, s16;
	s16 =	sadd.s32 @!p1 s6, s17;
	s14 =	sshll.u32 @!p1 s14, $0x4  }
0x25: {  	s17 =	simm.s32 @!p1 $0x6400;
	s14 =	sadd.s32 @!p1 s14, s16;
	s16 =	simm.s32 @!p1 $0x40  }
0x26: {  	[tilespmem:s15], [sflag:$0x1] =	stream.strided.gather @!p1 [hbm4b:s14+s16], $0x2000, s17, s16, $0x38;
	[tilespmem:$0x8080] =	vst v63  }
0x27: {  	p1 =	sge.u32 s31, s5  }
.Ltmp2:
0x28: {  	_ = 	snop;
	(pc) =	sbr.rel @p1 .LBB1_5-.Ltmp2, $1  }
0x29: {  	_ =	sdelay $0x3  }
0x2a: {  	s14 =	simm.s32 $0x1  }
0x2b: {  	_ =	swait.ge [sflag:s4], $0x2000;
	s14 =	simm.s32 @!p0 $0x0  }
0x2c: {  	[sflag:s4] =	ssyncset.done $0x0;
	s15 =	sshll.u32 s14, $0xD  }
0x2d: {  	[sflag:s4] =	ssyncadd.s32 $0xFFFFE000;
	s18 =	sor.u32 $0x20, s15  }
0x2e: {  	s14 =	smul.u32 $0x8100, s14;
	v3 =	vld [tilespmem:s18+$0x10]  }
0x2f: {  	s30 =	sand.u32 $0x1, s11;
	v2 =	vld [tilespmem:s18+$0xFFFFFFF0]  }
0x30: {  	s15 =	smul.u32 $0x8100, s30;
	s14 =	sshrl.u32 s14, $0x2;
	v0 =	vld [tilespmem:s18+$0x0]  }
0x31: {  	v1 =	vld [tilespmem:s18+$0xFFFFFFE0];
	s16 =	sor.u32 $0x4000, s14  }
0x32: {  	s31 =	sshrl.u32 s15, $0x2;
	s15 =	sadd.s32 $0x0, s16  }
0x33: {  	s17 =	simm.s32 $0x4;
	s18 =	sadd.s32 $0x40, s18;
	s14 =	sor.u32 $0x4000, s31;
	[tilespmem:s15+$0x1830 ss:$0x81] =	vst.msk $0xffff, v3  }
.LBB1_3:
0x34: {  	v3 =	vld [tilespmem:s18+$0x10];
	p1 =	sne.s32 s17, $0x1FC;
	[tilespmem:s15+$0x810 ss:$0x81] =	vst.msk $0xffff, v2;
	s19 =	smov.u32 s17;
	s17 =	sadd.s32 $0x4, s17  }
.Ltmp3:
0x35: {  	v2 =	vld [tilespmem:s18+$0xFFFFFFF0];
	[tilespmem:s15+$0x1020 ss:$0x81] =	vst.msk $0xffff, v0;
	(pc) =	sbr.rel @p1 .LBB1_3-.Ltmp3, $4  }
0x36: {  	v0 =	vld [tilespmem:s18+$0x0];
	[tilespmem:s15+$0x0 ss:$0x81] =	vst.msk $0xffff, v1  }
0x37: {  	s15 =	sshra.s32 s19, $0x2;
	v1 =	vld [tilespmem:s18+$0xFFFFFFE0]  }
0x38: {  	s15 =	sadd.s32 s15, s16  }
0x39: {  	s18 =	sadd.s32 $0x40, s18;
	[tilespmem:s15+$0x1830 ss:$0x81] =	vst.msk $0xffff, v3  }
.Ltmp4:
0x3a: {  	_ = 	snop;
	(pc) =	sbr.rel .LBB1_4-.Ltmp4, $1  }
0x3b: {  	_ =	sdelay $0x3  }
.LBB1_6:
0x3c: {  	_ =	sfence.sel $0x180000  }
0x3d: {  	s2 =	simm.s32 $0x1;
	[bflag:$0x0] =	sbarrier.arrive $0xFFFF  }
0x3e: {  	s31 =	simm.s32 $0x2;
	[sflag:s2] =	ssyncpa.u1 $0x1  }
0x3f: {  	[sflag:s31] =	ssyncpa.u1 $0x1  }
0x40: {  	p0 =	sne.s32 s0, $0x0;
	_ =	strace $0x9000004A  }
0x41: {  	s0 =	sadd.s32 @!p0 $0x100000, s1;
	[bflag:$0x2] =	sbarrier.arrive $0xFFFF  }
0x42: {  	[sflag:s0] =	ssyncadd.tile.s32 @!p0 $0x1;
	_ =	shalt  }
.Lfunc_end1:
_tile_overlayer_lowered:
.L_overlay_start_2:
0x43: {  	(tag) =	ssettag $0x2  }
0x44: {  	s0 =	rddreg [dreg:$0x0];
	s2 =	stileid.u32  }
0x45: {  	s1 =	rddreg [dreg:$0x1];
	p0 =	sne.s32 s2, $0x0  }
0x46: {  	s3 =	rddreg [dreg:$0x2];
	[bflag:$0x3] =	sbarrier.arrive $0xFFFF;
	s2 =	simm.s32 @!p0 $0x1C01  }
0x47: {  	[timem:s3], [sflag:s2] =	dma.local @!p0 [hbm:s0], s1  }
0x48: {  	s0 =	simm.s32 @!p0 $0x1  }
0x49: {  	_ =	swait.ge @!p0 [sflag:s0], s1  }
0x4a: {  	s1 =	ssub.s32 @!p0 $0x0, s1;
	[sflag:s0] =	ssyncset.done @!p0 $0x0  }
0x4b: {  	[sflag:s0] =	ssyncadd.s32 @!p0 s1  }
0x4c: {  	[bflag:$0x3] =	sbarrier.arrive $0xFFFF  }
0x4d: {  	_ =	shalt  }

</sc_bundles>
